<compile_context>
chip_gen: v7x
topology: tpu7x:2x2x1
jax: 0.10.2.dev20260603
libtpu: 0.0.44.dev20260713+nightly
codegen_flags: <defaults>
</compile_context>

<pallas_src>
import functools

import jax
import jax.numpy as jnp
from jax import lax
from jax.experimental import pallas as pl
from jax.experimental.pallas import tpu as pltpu
from jax.experimental.pallas import tpu_sc as plsc

N_NODES = 10000
N_EDGES = 320000
D = 128

NC, NS = 2, 16
NW = NC * NS
CH = 128
N_PAD = 10112
E_PAD = ((N_EDGES + NW * CH - 1) // (NW * CH)) * NW * CH
EPW = E_PAD // NW
CHUNKS = EPW // CH
ROWS_PER_TILE = N_PAD // NS


_PIECES = []
_off = 0
while _off < ROWS_PER_TILE:
    _sz = min(CH, ROWS_PER_TILE - _off)
    _PIECES.append((_off, _sz))
    _off += _sz


def _sc_agg_body(z_hbm, src_hbm, dst_hbm, zeros_hbm, out_hbm,
                 sidx, didx, rows, shared, sem):
    cid = lax.axis_index("c")
    sid = lax.axis_index("s")
    wid = sid * NC + cid

    rb = ROWS_PER_TILE
    r0 = pl.multiple_of(sid * rb, 8)
    pltpu.sync_copy(zeros_hbm.at[pl.ds(0, CH)], rows)
    for off, sz in _PIECES:
        pltpu.sync_copy(rows.at[pl.ds(0, sz)], shared.at[pl.ds(r0 + off, sz)])
    plsc.subcore_barrier()

    def chunk(g, carry):
        eb = pl.multiple_of(wid * EPW + g * CH, 8)
        pltpu.sync_copy(src_hbm.at[pl.ds(eb, CH)], sidx)
        pltpu.sync_copy(dst_hbm.at[pl.ds(eb, CH)], didx)
        pltpu.async_copy(z_hbm.at[sidx], rows, sem).wait()
        pltpu.sync_copy(rows, shared.at[didx], add=True)
        return carry

    lax.fori_loop(0, CHUNKS, chunk, 0)
    plsc.subcore_barrier()

    o0 = pl.multiple_of(cid * N_PAD + sid * rb, 8)
    for off, sz in _PIECES:
        pltpu.sync_copy(shared.at[pl.ds(r0 + off, sz)], rows.at[pl.ds(0, sz)])
        pltpu.sync_copy(rows.at[pl.ds(0, sz)], out_hbm.at[pl.ds(o0 + off, sz)])


def _sc_deg_body(dst_hbm, zeros_hbm, ones_hbm, deg_hbm,
                 didx, dbuf, ones_v, shared_deg, sem):
    cid = lax.axis_index("c")
    sid = lax.axis_index("s")
    wid = sid * NC + cid

    rb = ROWS_PER_TILE
    r0 = pl.multiple_of(sid * rb, 8)
    pltpu.sync_copy(ones_hbm, ones_v)
    pltpu.sync_copy(zeros_hbm.at[pl.ds(0, CH)], dbuf)
    for off, sz in _PIECES:
        pltpu.sync_copy(dbuf.at[pl.ds(0, sz)],
                        shared_deg.at[pl.ds(r0 + off, sz)])
    plsc.subcore_barrier()

    def chunk(g, carry):
        eb = pl.multiple_of(wid * EPW + g * CH, 8)
        pltpu.sync_copy(dst_hbm.at[pl.ds(eb, CH)], didx)
        pltpu.sync_copy(ones_v, shared_deg.at[didx], add=True)
        return carry

    lax.fori_loop(0, CHUNKS, chunk, 0)
    plsc.subcore_barrier()

    o0 = pl.multiple_of(cid * N_PAD + sid * rb, 8)
    for off, sz in _PIECES:
        pltpu.sync_copy(shared_deg.at[pl.ds(r0 + off, sz)],
                        dbuf.at[pl.ds(0, sz)])
        pltpu.sync_copy(dbuf.at[pl.ds(0, sz)],
                        deg_hbm.at[pl.ds(o0 + off, sz)])


_MESH = plsc.VectorSubcoreMesh(core_axis_name="c", subcore_axis_name="s")

_sc_agg = pl.kernel(
    _sc_agg_body,
    out_type=[jax.ShapeDtypeStruct((NC * N_PAD, D), jnp.float32)],
    mesh=_MESH,
    scratch_types=[
        pltpu.VMEM((CH,), jnp.int32),
        pltpu.VMEM((CH,), jnp.int32),
        pltpu.VMEM((CH, D), jnp.float32),
        pltpu.VMEM_SHARED((N_PAD, D), jnp.float32),
        pltpu.SemaphoreType.DMA,
    ],
)

_sc_deg = pl.kernel(
    _sc_deg_body,
    out_type=[jax.ShapeDtypeStruct((NC * N_PAD, D), jnp.float32)],
    mesh=_MESH,
    scratch_types=[
        pltpu.VMEM((CH,), jnp.int32),
        pltpu.VMEM((CH, D), jnp.float32),
        pltpu.VMEM((CH, D), jnp.float32),
        pltpu.VMEM_SHARED((N_PAD, D), jnp.float32),
        pltpu.SemaphoreType.DMA,
    ],
)

BR = 1000


def _combine_body(last, x_ref, p0_ref, p1_ref, d0_ref, d1_ref, ws_ref, wn_ref,
                  b_ref, g_ref, be_ref, o_ref):
    deg = d0_ref[:, 0:1] + d1_ref[:, 0:1]
    agg = (p0_ref[...] + p1_ref[...]) / jnp.maximum(deg, 1.0)
    h = (jnp.dot(x_ref[...], ws_ref[...], preferred_element_type=jnp.float32)
         + jnp.dot(agg, wn_ref[...], preferred_element_type=jnp.float32)
         + b_ref[...])
    if last:
        m = jnp.max(h, axis=-1, keepdims=True)
        o_ref[...] = (h - m) - jnp.log(jnp.sum(jnp.exp(h - m), axis=-1,
                                               keepdims=True))
    else:
        mu = jnp.mean(h, axis=-1, keepdims=True)
        var = jnp.mean((h - mu) ** 2, axis=-1, keepdims=True)
        hn = (h - mu) * lax.rsqrt(var + 1e-5) * g_ref[...] + be_ref[...]
        o_ref[...] = jnp.maximum(hn, 0.0)


def _combine(x, parts, degparts, ws, wn, b, gamma, beta, last):
    p0 = parts[0:N_NODES]
    p1 = parts[N_PAD:N_PAD + N_NODES]
    d0 = degparts[0:N_NODES]
    d1 = degparts[N_PAD:N_PAD + N_NODES]
    b2 = b.reshape(1, D)
    g2 = gamma.reshape(1, D) if gamma is not None else b2
    be2 = beta.reshape(1, D) if beta is not None else b2
    grid = N_NODES // BR
    row_spec = pl.BlockSpec((BR, D), lambda i: (i, 0))
    deg_spec = pl.BlockSpec((BR, D), lambda i: (i, 0))
    w_spec = pl.BlockSpec((D, D), lambda i: (0, 0))
    v_spec = pl.BlockSpec((1, D), lambda i: (0, 0))
    return pl.pallas_call(
        functools.partial(_combine_body, last),
        grid=(grid,),
        in_specs=[row_spec, row_spec, row_spec, deg_spec, deg_spec,
                  w_spec, w_spec, v_spec, v_spec, v_spec],
        out_specs=row_spec,
        out_shape=jax.ShapeDtypeStruct((N_NODES, D), jnp.float32),
    )(x, p0, p1, d0, d1, ws, wn, b2, g2, be2)


def kernel(nodes_feats, edge_index, W_self0, W_neigh0, b0, W_self1, W_neigh1,
           b1, W_self2, W_neigh2, b2, gamma0, beta0, gamma1, beta1):
    src = edge_index[0]
    dst = edge_index[1]
    pad = E_PAD - N_EDGES
    srcp = jnp.concatenate([src, jnp.zeros((pad,), jnp.int32)])
    dstp = jnp.concatenate([dst, jnp.full((pad,), N_NODES, jnp.int32)])

    zeros = jnp.zeros((N_PAD, D), jnp.float32)
    ones = jnp.ones((CH, D), jnp.float32)

    degparts, = _sc_deg(dstp, zeros, ones)
    parts0, = _sc_agg(nodes_feats, srcp, dstp, zeros)
    h = _combine(nodes_feats, parts0, degparts, W_self0, W_neigh0, b0,
                 gamma0, beta0, last=False)
    parts1, = _sc_agg(h, srcp, dstp, zeros)
    h = _combine(h, parts1, degparts, W_self1, W_neigh1, b1,
                 gamma1, beta1, last=False)
    parts2, = _sc_agg(h, srcp, dstp, zeros)
    return _combine(h, parts2, degparts, W_self2, W_neigh2, b2,
                    None, None, last=True)

# --- scband reference (transcript-rebuilt; emitter-appended) ---
"""Pipeline reference for scband-dist-sage-25529285607639 (READ-ONLY COPY).

The authoritative reference and input builder live on the scoring server;
editing this copy changes nothing except your own understanding.
"""

import jax, jax.numpy as jnp
import numpy as np

N = 10000
E = 320000
D_IN = 128
D_HID = 128
D_OUT = 128


def _glorot(key, shape):
    lim = float(np.sqrt(6.0 / (shape[0] + shape[1])))
    return jax.random.uniform(key, shape, dtype=jnp.float32, minval=-lim, maxval=lim)


def setup_inputs(seed: int = 0) -> dict:
    key = jax.random.key(seed)
    ks = jax.random.split(key, 16)
    inp = {}
    inp["nodes_feats"] = jax.random.normal(ks[0], (N, D_IN), dtype=jnp.float32)
    inp["edge_index"] = jax.random.randint(ks[1], (2, E), 0, N, dtype=jnp.int32)
    dims = [(D_IN, D_HID), (D_HID, D_HID), (D_HID, D_OUT)]
    for i, (di, do) in enumerate(dims):
        inp["W_self%d" % i] = _glorot(ks[2 + 3 * i], (di, do))
        inp["W_neigh%d" % i] = _glorot(ks[3 + 3 * i], (di, do))
        inp["b%d" % i] = jnp.zeros((do,), dtype=jnp.float32)
    for i in range(2):
        inp["gamma%d" % i] = jnp.ones((D_HID,), dtype=jnp.float32)
        inp["beta%d" % i] = jnp.zeros((D_HID,), dtype=jnp.float32)
    return inp


def _sage_conv(x, src, dst, Ws, Wn, b):
    # SAGE mean aggregation: gather source features, scatter-add to dst, divide by degree
    msg = jnp.take(x, src, axis=0)
    agg = jax.ops.segment_sum(msg, dst, num_segments=N)
    deg = jax.ops.segment_sum(jnp.ones((src.shape[0],), x.dtype), dst, num_segments=N)
    agg = agg / jnp.maximum(deg, 1.0)[:, None]
    return x @ Ws + agg @ Wn + b


def _layer_norm(x, g, b, eps=1e-5):
    mu = jnp.mean(x, axis=-1, keepdims=True)
    var = jnp.mean((x - mu) ** 2, axis=-1, keepdims=True)
    return (x - mu) / jnp.sqrt(var + eps) * g + b


def reference(nodes_feats, edge_index, W_self0, W_neigh0, b0, W_self1, W_neigh1, b1, W_self2, W_neigh2, b2, gamma0, beta0, gamma1, beta1):
    src = edge_index[0]
    dst = edge_index[1]
    # layer 0: conv -> dropout(eval=identity) -> LayerNorm -> relu
    h = _sage_conv(nodes_feats, src, dst, W_self0, W_neigh0, b0)
    h = _layer_norm(h, gamma0, beta0)
    h = jax.nn.relu(h)
    # layer 1
    h = _sage_conv(h, src, dst, W_self1, W_neigh1, b1)
    h = _layer_norm(h, gamma1, beta1)
    h = jax.nn.relu(h)
    # final layer + log_softmax
    h = _sage_conv(h, src, dst, W_self2, W_neigh2, b2)
    return jax.nn.log_softmax(h, axis=1)

if __name__ == "__main__":
    import jax
    _d = setup_inputs()
    print(jax.jit(kernel)(*tuple(_d.values())))

</pallas_src>

<mosaic_0001>
#map = affine_map<(d0, d1) -> (0)>
#map1 = affine_map<(d0, d1) -> (0, 0)>
module attributes {stable_mosaic.version = 14 : i64} {
  func.func @_sc_deg_body(%arg0: i32, %arg1: i32, %arg2: memref<323584xi32, #tpu.memory_space<hbm>>, %arg3: memref<10112x128xf32, #tpu.memory_space<hbm>>, %arg4: memref<128x128xf32, #tpu.memory_space<hbm>>, %arg5: memref<20224x128xf32, #tpu.memory_space<hbm>>, %arg6: memref<128xi32, #tpu.memory_space<vmem>>, %arg7: memref<128x128xf32, #tpu.memory_space<vmem>>, %arg8: memref<128x128xf32, #tpu.memory_space<vmem>>, %arg9: memref<10112x128xf32, #tpu.memory_space<vmem_shared>>, %arg10: memref<!tpu.dma_semaphore, #tpu.memory_space<semaphore_mem>>) attributes {dimension_semantics = [#tpu.dimension_semantics<core_parallel>, #tpu.dimension_semantics<subcore_parallel>], iteration_bounds = array<i64: 2, 16>, scalar_prefetch = 0 : i64, scratch_operands = 5 : i64, tpu.core_type = #tpu.core_type<sc_vector_subcore>, window_params = [{transform_indices = #map}, {transform_indices = #map1}, {transform_indices = #map1}, {transform_indices = #map1}]} {
    %mul3A = arith.constant 2 : i32
    %mul3A_0 = arith.muli %arg1, %mul3A : i32
    %add3A = arith.addi %mul3A_0, %arg0 : i32
    %mul3A_1 = arith.constant 632 : i32
    %mul3A_2 = arith.muli %arg1, %mul3A_1 : i32
    %multiple_of3A = tpu.assume_multiple %mul3A_2, 8 : i32
    "tpu.region"() ({
      %run_scoped3A = tpu.sem_alloc : memref<!tpu.dma_semaphore, #tpu.memory_space<semaphore_mem>>
      tpu.enqueue_dma source(%arg4 : memref<128x128xf32, #tpu.memory_space<hbm>>) target(%arg8 : memref<128x128xf32, #tpu.memory_space<vmem>>) target_semaphore(%run_scoped3A : memref<!tpu.dma_semaphore, #tpu.memory_space<semaphore_mem>>)
      tpu.wait_dma2 semaphore(%run_scoped3A : memref<!tpu.dma_semaphore, #tpu.memory_space<semaphore_mem>>) src(%arg4 : memref<128x128xf32, #tpu.memory_space<hbm>>) dst(%arg8 : memref<128x128xf32, #tpu.memory_space<vmem>>)
      tpu.yield
    }) : () -> ()
    "tpu.region"() ({
      %run_scoped3A = tpu.sem_alloc : memref<!tpu.dma_semaphore, #tpu.memory_space<semaphore_mem>>
      %dma_start3A = arith.constant 0 : i32
      %dma_start3A_45 = arith.constant 0 : i32
      %dma_start3A_46 = tpu.memref_slice %arg3[%dma_start3A, %dma_start3A_45] : memref<10112x128xf32, #tpu.memory_space<hbm>> -> memref<128x128xf32, #tpu.memory_space<hbm>>
      %dma_start3A_47 = arith.constant 0 : i32
      %dma_start3A_48 = arith.constant 0 : i32
      %dma_start3A_49 = tpu.memref_slice %arg3[%dma_start3A_47, %dma_start3A_48] : memref<10112x128xf32, #tpu.memory_space<hbm>> -> memref<128x128xf32, #tpu.memory_space<hbm>>
      tpu.enqueue_dma source(%dma_start3A_49 : memref<128x128xf32, #tpu.memory_space<hbm>>) target(%arg7 : memref<128x128xf32, #tpu.memory_space<vmem>>) target_semaphore(%run_scoped3A : memref<!tpu.dma_semaphore, #tpu.memory_space<semaphore_mem>>)
      %dma_wait3A = arith.constant 0 : i32
      %dma_wait3A_50 = arith.constant 0 : i32
      %dma_wait3A_51 = tpu.memref_slice %arg3[%dma_wait3A, %dma_wait3A_50] : memref<10112x128xf32, #tpu.memory_space<hbm>> -> memref<128x128xf32, #tpu.memory_space<hbm>>
      %dma_wait3A_52 = arith.constant 0 : i32
      %dma_wait3A_53 = arith.constant 0 : i32
      %dma_wait3A_54 = tpu.memref_slice %arg3[%dma_wait3A_52, %dma_wait3A_53] : memref<10112x128xf32, #tpu.memory_space<hbm>> -> memref<128x128xf32, #tpu.memory_space<hbm>>
      tpu.wait_dma2 semaphore(%run_scoped3A : memref<!tpu.dma_semaphore, #tpu.memory_space<semaphore_mem>>) src(%dma_wait3A_54 : memref<128x128xf32, #tpu.memory_space<hbm>>) dst(%arg7 : memref<128x128xf32, #tpu.memory_space<vmem>>)
      tpu.yield
    }) : () -> ()
    %add3A_3 = arith.constant 0 : i32
    %add3A_4 = arith.addi %multiple_of3A, %add3A_3 : i32
    "tpu.region"() ({
      %run_scoped3A = tpu.sem_alloc : memref<!tpu.dma_semaphore, #tpu.memory_space<semaphore_mem>>
      %dma_start3A = arith.constant 0 : i32
      %dma_start3A_45 = arith.constant 0 : i32
      %dma_start3A_46 = tpu.memref_slice %arg7[%dma_start3A, %dma_start3A_45] : memref<128x128xf32, #tpu.memory_space<vmem>> -> memref<128x128xf32, #tpu.memory_space<vmem>>
      %dma_start3A_47 = arith.constant 0 : i32
      %dma_start3A_48 = tpu.memref_slice %arg9[%add3A_4, %dma_start3A_47] : memref<10112x128xf32, #tpu.memory_space<vmem_shared>> -> memref<128x128xf32, #tpu.memory_space<vmem_shared>>
      %dma_start3A_49 = arith.constant 0 : i32
      %dma_start3A_50 = tpu.memref_slice %arg9[%add3A_4, %dma_start3A_49] : memref<10112x128xf32, #tpu.memory_space<vmem_shared>> -> memref<128x128xf32, #tpu.memory_space<vmem_shared>>
      %dma_start3A_51 = arith.constant 0 : i32
      %dma_start3A_52 = arith.constant 0 : i32
      %dma_start3A_53 = tpu.memref_slice %arg7[%dma_start3A_51, %dma_start3A_52] : memref<128x128xf32, #tpu.memory_space<vmem>> -> memref<128x128xf32, #tpu.memory_space<vmem>>
      tpu.enqueue_dma source(%dma_start3A_53 : memref<128x128xf32, #tpu.memory_space<vmem>>) target(%dma_start3A_50 : memref<128x128xf32, #tpu.memory_space<vmem_shared>>) target_semaphore(%run_scoped3A : memref<!tpu.dma_semaphore, #tpu.memory_space<semaphore_mem>>)
      %dma_wait3A = arith.constant 0 : i32
      %dma_wait3A_54 = arith.constant 0 : i32
      %dma_wait3A_55 = tpu.memref_slice %arg7[%dma_wait3A, %dma_wait3A_54] : memref<128x128xf32, #tpu.memory_space<vmem>> -> memref<128x128xf32, #tpu.memory_space<vmem>>
      %dma_wait3A_56 = arith.constant 0 : i32
      %dma_wait3A_57 = tpu.memref_slice %arg9[%add3A_4, %dma_wait3A_56] : memref<10112x128xf32, #tpu.memory_space<vmem_shared>> -> memref<128x128xf32, #tpu.memory_space<vmem_shared>>
      %dma_wait3A_58 = arith.constant 0 : i32
      %dma_wait3A_59 = tpu.memref_slice %arg9[%add3A_4, %dma_wait3A_58] : memref<10112x128xf32, #tpu.memory_space<vmem_shared>> -> memref<128x128xf32, #tpu.memory_space<vmem_shared>>
      %dma_wait3A_60 = arith.constant 0 : i32
      %dma_wait3A_61 = arith.constant 0 : i32
      %dma_wait3A_62 = tpu.memref_slice %arg7[%dma_wait3A_60, %dma_wait3A_61] : memref<128x128xf32, #tpu.memory_space<vmem>> -> memref<128x128xf32, #tpu.memory_space<vmem>>
      tpu.wait_dma2 semaphore(%run_scoped3A : memref<!tpu.dma_semaphore, #tpu.memory_space<semaphore_mem>>) src(%dma_wait3A_62 : memref<128x128xf32, #tpu.memory_space<vmem>>) dst(%dma_wait3A_59 : memref<128x128xf32, #tpu.memory_space<vmem_shared>>)
      tpu.yield
    }) : () -> ()
    %add3A_5 = arith.constant 128 : i32
    %add3A_6 = arith.addi %multiple_of3A, %add3A_5 : i32
    "tpu.region"() ({
      %run_scoped3A = tpu.sem_alloc : memref<!tpu.dma_semaphore, #tpu.memory_space<semaphore_mem>>
      %dma_start3A = arith.constant 0 : i32
      %dma_start3A_45 = arith.constant 0 : i32
      %dma_start3A_46 = tpu.memref_slice %arg7[%dma_start3A, %dma_start3A_45] : memref<128x128xf32, #tpu.memory_space<vmem>> -> memref<128x128xf32, #tpu.memory_space<vmem>>
      %dma_start3A_47 = arith.constant 0 : i32
      %dma_start3A_48 = tpu.memref_slice %arg9[%add3A_6, %dma_start3A_47] : memref<10112x128xf32, #tpu.memory_space<vmem_shared>> -> memref<128x128xf32, #tpu.memory_space<vmem_shared>>
      %dma_start3A_49 = arith.constant 0 : i32
      %dma_start3A_50 = tpu.memref_slice %arg9[%add3A_6, %dma_start3A_49] : memref<10112x128xf32, #tpu.memory_space<vmem_shared>> -> memref<128x128xf32, #tpu.memory_space<vmem_shared>>
      %dma_start3A_51 = arith.constant 0 : i32
      %dma_start3A_52 = arith.constant 0 : i32
      %dma_start3A_53 = tpu.memref_slice %arg7[%dma_start3A_51, %dma_start3A_52] : memref<128x128xf32, #tpu.memory_space<vmem>> -> memref<128x128xf32, #tpu.memory_space<vmem>>
      tpu.enqueue_dma source(%dma_start3A_53 : memref<128x128xf32, #tpu.memory_space<vmem>>) target(%dma_start3A_50 : memref<128x128xf32, #tpu.memory_space<vmem_shared>>) target_semaphore(%run_scoped3A : memref<!tpu.dma_semaphore, #tpu.memory_space<semaphore_mem>>)
      %dma_wait3A = arith.constant 0 : i32
      %dma_wait3A_54 = arith.constant 0 : i32
      %dma_wait3A_55 = tpu.memref_slice %arg7[%dma_wait3A, %dma_wait3A_54] : memref<128x128xf32, #tpu.memory_space<vmem>> -> memref<128x128xf32, #tpu.memory_space<vmem>>
      %dma_wait3A_56 = arith.constant 0 : i32
      %dma_wait3A_57 = tpu.memref_slice %arg9[%add3A_6, %dma_wait3A_56] : memref<10112x128xf32, #tpu.memory_space<vmem_shared>> -> memref<128x128xf32, #tpu.memory_space<vmem_shared>>
      %dma_wait3A_58 = arith.constant 0 : i32
      %dma_wait3A_59 = tpu.memref_slice %arg9[%add3A_6, %dma_wait3A_58] : memref<10112x128xf32, #tpu.memory_space<vmem_shared>> -> memref<128x128xf32, #tpu.memory_space<vmem_shared>>
      %dma_wait3A_60 = arith.constant 0 : i32
      %dma_wait3A_61 = arith.constant 0 : i32
      %dma_wait3A_62 = tpu.memref_slice %arg7[%dma_wait3A_60, %dma_wait3A_61] : memref<128x128xf32, #tpu.memory_space<vmem>> -> memref<128x128xf32, #tpu.memory_space<vmem>>
      tpu.wait_dma2 semaphore(%run_scoped3A : memref<!tpu.dma_semaphore, #tpu.memory_space<semaphore_mem>>) src(%dma_wait3A_62 : memref<128x128xf32, #tpu.memory_space<vmem>>) dst(%dma_wait3A_59 : memref<128x128xf32, #tpu.memory_space<vmem_shared>>)
      tpu.yield
    }) : () -> ()
    %add3A_7 = arith.constant 256 : i32
    %add3A_8 = arith.addi %multiple_of3A, %add3A_7 : i32
    "tpu.region"() ({
      %run_scoped3A = tpu.sem_alloc : memref<!tpu.dma_semaphore, #tpu.memory_space<semaphore_mem>>
      %dma_start3A = arith.constant 0 : i32
      %dma_start3A_45 = arith.constant 0 : i32
      %dma_start3A_46 = tpu.memref_slice %arg7[%dma_start3A, %dma_start3A_45] : memref<128x128xf32, #tpu.memory_space<vmem>> -> memref<128x128xf32, #tpu.memory_space<vmem>>
      %dma_start3A_47 = arith.constant 0 : i32
      %dma_start3A_48 = tpu.memref_slice %arg9[%add3A_8, %dma_start3A_47] : memref<10112x128xf32, #tpu.memory_space<vmem_shared>> -> memref<128x128xf32, #tpu.memory_space<vmem_shared>>
      %dma_start3A_49 = arith.constant 0 : i32
      %dma_start3A_50 = tpu.memref_slice %arg9[%add3A_8, %dma_start3A_49] : memref<10112x128xf32, #tpu.memory_space<vmem_shared>> -> memref<128x128xf32, #tpu.memory_space<vmem_shared>>
      %dma_start3A_51 = arith.constant 0 : i32
      %dma_start3A_52 = arith.constant 0 : i32
      %dma_start3A_53 = tpu.memref_slice %arg7[%dma_start3A_51, %dma_start3A_52] : memref<128x128xf32, #tpu.memory_space<vmem>> -> memref<128x128xf32, #tpu.memory_space<vmem>>
      tpu.enqueue_dma source(%dma_start3A_53 : memref<128x128xf32, #tpu.memory_space<vmem>>) target(%dma_start3A_50 : memref<128x128xf32, #tpu.memory_space<vmem_shared>>) target_semaphore(%run_scoped3A : memref<!tpu.dma_semaphore, #tpu.memory_space<semaphore_mem>>)
      %dma_wait3A = arith.constant 0 : i32
      %dma_wait3A_54 = arith.constant 0 : i32
      %dma_wait3A_55 = tpu.memref_slice %arg7[%dma_wait3A, %dma_wait3A_54] : memref<128x128xf32, #tpu.memory_space<vmem>> -> memref<128x128xf32, #tpu.memory_space<vmem>>
      %dma_wait3A_56 = arith.constant 0 : i32
      %dma_wait3A_57 = tpu.memref_slice %arg9[%add3A_8, %dma_wait3A_56] : memref<10112x128xf32, #tpu.memory_space<vmem_shared>> -> memref<128x128xf32, #tpu.memory_space<vmem_shared>>
      %dma_wait3A_58 = arith.constant 0 : i32
      %dma_wait3A_59 = tpu.memref_slice %arg9[%add3A_8, %dma_wait3A_58] : memref<10112x128xf32, #tpu.memory_space<vmem_shared>> -> memref<128x128xf32, #tpu.memory_space<vmem_shared>>
      %dma_wait3A_60 = arith.constant 0 : i32
      %dma_wait3A_61 = arith.constant 0 : i32
      %dma_wait3A_62 = tpu.memref_slice %arg7[%dma_wait3A_60, %dma_wait3A_61] : memref<128x128xf32, #tpu.memory_space<vmem>> -> memref<128x128xf32, #tpu.memory_space<vmem>>
      tpu.wait_dma2 semaphore(%run_scoped3A : memref<!tpu.dma_semaphore, #tpu.memory_space<semaphore_mem>>) src(%dma_wait3A_62 : memref<128x128xf32, #tpu.memory_space<vmem>>) dst(%dma_wait3A_59 : memref<128x128xf32, #tpu.memory_space<vmem_shared>>)
      tpu.yield
    }) : () -> ()
    %add3A_9 = arith.constant 384 : i32
    %add3A_10 = arith.addi %multiple_of3A, %add3A_9 : i32
    "tpu.region"() ({
      %run_scoped3A = tpu.sem_alloc : memref<!tpu.dma_semaphore, #tpu.memory_space<semaphore_mem>>
      %dma_start3A = arith.constant 0 : i32
      %dma_start3A_45 = arith.constant 0 : i32
      %dma_start3A_46 = tpu.memref_slice %arg7[%dma_start3A, %dma_start3A_45] : memref<128x128xf32, #tpu.memory_space<vmem>> -> memref<128x128xf32, #tpu.memory_space<vmem>>
      %dma_start3A_47 = arith.constant 0 : i32
      %dma_start3A_48 = tpu.memref_slice %arg9[%add3A_10, %dma_start3A_47] : memref<10112x128xf32, #tpu.memory_space<vmem_shared>> -> memref<128x128xf32, #tpu.memory_space<vmem_shared>>
      %dma_start3A_49 = arith.constant 0 : i32
      %dma_start3A_50 = tpu.memref_slice %arg9[%add3A_10, %dma_start3A_49] : memref<10112x128xf32, #tpu.memory_space<vmem_shared>> -> memref<128x128xf32, #tpu.memory_space<vmem_shared>>
      %dma_start3A_51 = arith.constant 0 : i32
      %dma_start3A_52 = arith.constant 0 : i32
      %dma_start3A_53 = tpu.memref_slice %arg7[%dma_start3A_51, %dma_start3A_52] : memref<128x128xf32, #tpu.memory_space<vmem>> -> memref<128x128xf32, #tpu.memory_space<vmem>>
      tpu.enqueue_dma source(%dma_start3A_53 : memref<128x128xf32, #tpu.memory_space<vmem>>) target(%dma_start3A_50 : memref<128x128xf32, #tpu.memory_space<vmem_shared>>) target_semaphore(%run_scoped3A : memref<!tpu.dma_semaphore, #tpu.memory_space<semaphore_mem>>)
      %dma_wait3A = arith.constant 0 : i32
      %dma_wait3A_54 = arith.constant 0 : i32
      %dma_wait3A_55 = tpu.memref_slice %arg7[%dma_wait3A, %dma_wait3A_54] : memref<128x128xf32, #tpu.memory_space<vmem>> -> memref<128x128xf32, #tpu.memory_space<vmem>>
      %dma_wait3A_56 = arith.constant 0 : i32
      %dma_wait3A_57 = tpu.memref_slice %arg9[%add3A_10, %dma_wait3A_56] : memref<10112x128xf32, #tpu.memory_space<vmem_shared>> -> memref<128x128xf32, #tpu.memory_space<vmem_shared>>
      %dma_wait3A_58 = arith.constant 0 : i32
      %dma_wait3A_59 = tpu.memref_slice %arg9[%add3A_10, %dma_wait3A_58] : memref<10112x128xf32, #tpu.memory_space<vmem_shared>> -> memref<128x128xf32, #tpu.memory_space<vmem_shared>>
      %dma_wait3A_60 = arith.constant 0 : i32
      %dma_wait3A_61 = arith.constant 0 : i32
      %dma_wait3A_62 = tpu.memref_slice %arg7[%dma_wait3A_60, %dma_wait3A_61] : memref<128x128xf32, #tpu.memory_space<vmem>> -> memref<128x128xf32, #tpu.memory_space<vmem>>
      tpu.wait_dma2 semaphore(%run_scoped3A : memref<!tpu.dma_semaphore, #tpu.memory_space<semaphore_mem>>) src(%dma_wait3A_62 : memref<128x128xf32, #tpu.memory_space<vmem>>) dst(%dma_wait3A_59 : memref<128x128xf32, #tpu.memory_space<vmem_shared>>)
      tpu.yield
    }) : () -> ()
    %add3A_11 = arith.constant 512 : i32
    %add3A_12 = arith.addi %multiple_of3A, %add3A_11 : i32
    "tpu.region"() ({
      %run_scoped3A = tpu.sem_alloc : memref<!tpu.dma_semaphore, #tpu.memory_space<semaphore_mem>>
      %dma_start3A = arith.constant 0 : i32
      %dma_start3A_45 = arith.constant 0 : i32
      %dma_start3A_46 = tpu.memref_slice %arg7[%dma_start3A, %dma_start3A_45] : memref<128x128xf32, #tpu.memory_space<vmem>> -> memref<120x128xf32, #tpu.memory_space<vmem>>
      %dma_start3A_47 = arith.constant 0 : i32
      %dma_start3A_48 = tpu.memref_slice %arg9[%add3A_12, %dma_start3A_47] : memref<10112x128xf32, #tpu.memory_space<vmem_shared>> -> memref<120x128xf32, #tpu.memory_space<vmem_shared>>
      %dma_start3A_49 = arith.constant 0 : i32
      %dma_start3A_50 = tpu.memref_slice %arg9[%add3A_12, %dma_start3A_49] : memref<10112x128xf32, #tpu.memory_space<vmem_shared>> -> memref<120x128xf32, #tpu.memory_space<vmem_shared>>
      %dma_start3A_51 = arith.constant 0 : i32
      %dma_start3A_52 = arith.constant 0 : i32
      %dma_start3A_53 = tpu.memref_slice %arg7[%dma_start3A_51, %dma_start3A_52] : memref<128x128xf32, #tpu.memory_space<vmem>> -> memref<120x128xf32, #tpu.memory_space<vmem>>
      tpu.enqueue_dma source(%dma_start3A_53 : memref<120x128xf32, #tpu.memory_space<vmem>>) target(%dma_start3A_50 : memref<120x128xf32, #tpu.memory_space<vmem_shared>>) target_semaphore(%run_scoped3A : memref<!tpu.dma_semaphore, #tpu.memory_space<semaphore_mem>>)
      %dma_wait3A = arith.constant 0 : i32
      %dma_wait3A_54 = arith.constant 0 : i32
      %dma_wait3A_55 = tpu.memref_slice %arg7[%dma_wait3A, %dma_wait3A_54] : memref<128x128xf32, #tpu.memory_space<vmem>> -> memref<120x128xf32, #tpu.memory_space<vmem>>
      %dma_wait3A_56 = arith.constant 0 : i32
      %dma_wait3A_57 = tpu.memref_slice %arg9[%add3A_12, %dma_wait3A_56] : memref<10112x128xf32, #tpu.memory_space<vmem_shared>> -> memref<120x128xf32, #tpu.memory_space<vmem_shared>>
      %dma_wait3A_58 = arith.constant 0 : i32
      %dma_wait3A_59 = tpu.memref_slice %arg9[%add3A_12, %dma_wait3A_58] : memref<10112x128xf32, #tpu.memory_space<vmem_shared>> -> memref<120x128xf32, #tpu.memory_space<vmem_shared>>
      %dma_wait3A_60 = arith.constant 0 : i32
      %dma_wait3A_61 = arith.constant 0 : i32
      %dma_wait3A_62 = tpu.memref_slice %arg7[%dma_wait3A_60, %dma_wait3A_61] : memref<128x128xf32, #tpu.memory_space<vmem>> -> memref<120x128xf32, #tpu.memory_space<vmem>>
      tpu.wait_dma2 semaphore(%run_scoped3A : memref<!tpu.dma_semaphore, #tpu.memory_space<semaphore_mem>>) src(%dma_wait3A_62 : memref<120x128xf32, #tpu.memory_space<vmem>>) dst(%dma_wait3A_59 : memref<120x128xf32, #tpu.memory_space<vmem_shared>>)
      tpu.yield
    }) : () -> ()
    %barrier3A = arith.constant 0 : index
    tpu.barrier barrier_id(%barrier3A)
    %scan3A = arith.constant 0 : i32
    %scan3A_13 = arith.constant 0 : i32
    %scan3A_14 = arith.constant 79 : i32
    %scan3A_15 = arith.addi %scan3A_13, %scan3A_14 : i32
    %scan3A_16 = arith.constant 1 : i32
    scf.for %scan3A_45 = %scan3A_13 to %scan3A_15 step %scan3A_16  : i32 {
      %mul3A_46 = arith.constant 10112 : i32
      %mul3A_47 = arith.muli %add3A, %mul3A_46 : i32
      %mul3A_48 = arith.constant 128 : i32
      %mul3A_49 = arith.muli %scan3A_45, %mul3A_48 : i32
      %add3A_50 = arith.addi %mul3A_47, %mul3A_49 : i32
      %multiple_of3A_51 = tpu.assume_multiple %add3A_50, 8 : i32
      "tpu.region"() ({
        %run_scoped3A = tpu.sem_alloc : memref<!tpu.dma_semaphore, #tpu.memory_space<semaphore_mem>>
        %dma_start3A = tpu.memref_slice %arg2[%multiple_of3A_51] : memref<323584xi32, #tpu.memory_space<hbm>> -> memref<128xi32, #tpu.memory_space<hbm>>
        %dma_start3A_52 = tpu.memref_slice %arg2[%multiple_of3A_51] : memref<323584xi32, #tpu.memory_space<hbm>> -> memref<128xi32, #tpu.memory_space<hbm>>
        tpu.enqueue_dma source(%dma_start3A_52 : memref<128xi32, #tpu.memory_space<hbm>>) target(%arg6 : memref<128xi32, #tpu.memory_space<vmem>>) target_semaphore(%run_scoped3A : memref<!tpu.dma_semaphore, #tpu.memory_space<semaphore_mem>>)
        %dma_wait3A = tpu.memref_slice %arg2[%multiple_of3A_51] : memref<323584xi32, #tpu.memory_space<hbm>> -> memref<128xi32, #tpu.memory_space<hbm>>
        %dma_wait3A_53 = tpu.memref_slice %arg2[%multiple_of3A_51] : memref<323584xi32, #tpu.memory_space<hbm>> -> memref<128xi32, #tpu.memory_space<hbm>>
        tpu.wait_dma2 semaphore(%run_scoped3A : memref<!tpu.dma_semaphore, #tpu.memory_space<semaphore_mem>>) src(%dma_wait3A_53 : memref<128xi32, #tpu.memory_space<hbm>>) dst(%arg6 : memref<128xi32, #tpu.memory_space<vmem>>)
        tpu.yield
      }) : () -> ()
      "tpu.region"() ({
        %run_scoped3A = tpu.sem_alloc : memref<!tpu.dma_semaphore, #tpu.memory_space<semaphore_mem>>
        %dma_start3A = arith.constant 0 : i32
        %dma_start3A_52 = arith.constant 0 : i32
        %dma_start3A_53 = tpu.memref_slice %arg9[%dma_start3A, %dma_start3A_52] : memref<10112x128xf32, #tpu.memory_space<vmem_shared>> -> memref<10112x128xf32, #tpu.memory_space<vmem_shared>>
        tpu.enqueue_indirect_dma source(%arg8 : memref<128x128xf32, #tpu.memory_space<vmem>>) target(%dma_start3A_53 : memref<10112x128xf32, #tpu.memory_space<vmem_shared>>) offsets(%arg6 : memref<128xi32, #tpu.memory_space<vmem>>) semaphore(%run_scoped3A : memref<!tpu.dma_semaphore, #tpu.memory_space<semaphore_mem>>) {add = true}
        %dma_wait3A = arith.constant 0 : i32
        %dma_wait3A_54 = arith.constant 0 : i32
        %dma_wait3A_55 = tpu.memref_slice %arg9[%dma_wait3A, %dma_wait3A_54] : memref<10112x128xf32, #tpu.memory_space<vmem_shared>> -> memref<10112x128xf32, #tpu.memory_space<vmem_shared>>
        tpu.wait_indirect_dma semaphore(%run_scoped3A : memref<!tpu.dma_semaphore, #tpu.memory_space<semaphore_mem>>) src(%arg8 : memref<128x128xf32, #tpu.memory_space<vmem>>) dst(%dma_wait3A_55 : memref<10112x128xf32, #tpu.memory_space<vmem_shared>>)
        tpu.yield
      }) : () -> ()
    }
    %scan3A_17 = arith.constant 79 : i32
    %barrier3A_18 = arith.constant 0 : index
    tpu.barrier barrier_id(%barrier3A_18)
    %mul3A_19 = arith.constant 10112 : i32
    %mul3A_20 = arith.muli %arg0, %mul3A_19 : i32
    %mul3A_21 = arith.constant 632 : i32
    %mul3A_22 = arith.muli %arg1, %mul3A_21 : i32
    %add3A_23 = arith.addi %mul3A_20, %mul3A_22 : i32
    %multiple_of3A_24 = tpu.assume_multiple %add3A_23, 8 : i32
    %add3A_25 = arith.constant 0 : i32
    %add3A_26 = arith.addi %multiple_of3A, %add3A_25 : i32
    "tpu.region"() ({
      %run_scoped3A = tpu.sem_alloc : memref<!tpu.dma_semaphore, #tpu.memory_space<semaphore_mem>>
      %dma_start3A = arith.constant 0 : i32
      %dma_start3A_45 = arith.constant 0 : i32
      %dma_start3A_46 = tpu.memref_slice %arg7[%dma_start3A, %dma_start3A_45] : memref<128x128xf32, #tpu.memory_space<vmem>> -> memref<128x128xf32, #tpu.memory_space<vmem>>
      %dma_start3A_47 = arith.constant 0 : i32
      %dma_start3A_48 = tpu.memref_slice %arg9[%add3A_26, %dma_start3A_47] : memref<10112x128xf32, #tpu.memory_space<vmem_shared>> -> memref<128x128xf32, #tpu.memory_space<vmem_shared>>
      %dma_start3A_49 = arith.constant 0 : i32
      %dma_start3A_50 = arith.constant 0 : i32
      %dma_start3A_51 = tpu.memref_slice %arg7[%dma_start3A_49, %dma_start3A_50] : memref<128x128xf32, #tpu.memory_space<vmem>> -> memref<128x128xf32, #tpu.memory_space<vmem>>
      %dma_start3A_52 = arith.constant 0 : i32
      %dma_start3A_53 = tpu.memref_slice %arg9[%add3A_26, %dma_start3A_52] : memref<10112x128xf32, #tpu.memory_space<vmem_shared>> -> memref<128x128xf32, #tpu.memory_space<vmem_shared>>
      tpu.enqueue_dma source(%dma_start3A_53 : memref<128x128xf32, #tpu.memory_space<vmem_shared>>) target(%dma_start3A_51 : memref<128x128xf32, #tpu.memory_space<vmem>>) target_semaphore(%run_scoped3A : memref<!tpu.dma_semaphore, #tpu.memory_space<semaphore_mem>>)
      %dma_wait3A = arith.constant 0 : i32
      %dma_wait3A_54 = arith.constant 0 : i32
      %dma_wait3A_55 = tpu.memref_slice %arg7[%dma_wait3A, %dma_wait3A_54] : memref<128x128xf32, #tpu.memory_space<vmem>> -> memref<128x128xf32, #tpu.memory_space<vmem>>
      %dma_wait3A_56 = arith.constant 0 : i32
      %dma_wait3A_57 = tpu.memref_slice %arg9[%add3A_26, %dma_wait3A_56] : memref<10112x128xf32, #tpu.memory_space<vmem_shared>> -> memref<128x128xf32, #tpu.memory_space<vmem_shared>>
      %dma_wait3A_58 = arith.constant 0 : i32
      %dma_wait3A_59 = arith.constant 0 : i32
      %dma_wait3A_60 = tpu.memref_slice %arg7[%dma_wait3A_58, %dma_wait3A_59] : memref<128x128xf32, #tpu.memory_space<vmem>> -> memref<128x128xf32, #tpu.memory_space<vmem>>
      %dma_wait3A_61 = arith.constant 0 : i32
      %dma_wait3A_62 = tpu.memref_slice %arg9[%add3A_26, %dma_wait3A_61] : memref<10112x128xf32, #tpu.memory_space<vmem_shared>> -> memref<128x128xf32, #tpu.memory_space<vmem_shared>>
      tpu.wait_dma2 semaphore(%run_scoped3A : memref<!tpu.dma_semaphore, #tpu.memory_space<semaphore_mem>>) src(%dma_wait3A_62 : memref<128x128xf32, #tpu.memory_space<vmem_shared>>) dst(%dma_wait3A_60 : memref<128x128xf32, #tpu.memory_space<vmem>>)
      tpu.yield
    }) : () -> ()
    %add3A_27 = arith.constant 0 : i32
    %add3A_28 = arith.addi %multiple_of3A_24, %add3A_27 : i32
    "tpu.region"() ({
      %run_scoped3A = tpu.sem_alloc : memref<!tpu.dma_semaphore, #tpu.memory_space<semaphore_mem>>
      %dma_start3A = arith.constant 0 : i32
      %dma_start3A_45 = arith.constant 0 : i32
      %dma_start3A_46 = tpu.memref_slice %arg7[%dma_start3A, %dma_start3A_45] : memref<128x128xf32, #tpu.memory_space<vmem>> -> memref<128x128xf32, #tpu.memory_space<vmem>>
      %dma_start3A_47 = arith.constant 0 : i32
      %dma_start3A_48 = tpu.memref_slice %arg5[%add3A_28, %dma_start3A_47] : memref<20224x128xf32, #tpu.memory_space<hbm>> -> memref<128x128xf32, #tpu.memory_space<hbm>>
      %dma_start3A_49 = arith.constant 0 : i32
      %dma_start3A_50 = tpu.memref_slice %arg5[%add3A_28, %dma_start3A_49] : memref<20224x128xf32, #tpu.memory_space<hbm>> -> memref<128x128xf32, #tpu.memory_space<hbm>>
      %dma_start3A_51 = arith.constant 0 : i32
      %dma_start3A_52 = arith.constant 0 : i32
      %dma_start3A_53 = tpu.memref_slice %arg7[%dma_start3A_51, %dma_start3A_52] : memref<128x128xf32, #tpu.memory_space<vmem>> -> memref<128x128xf32, #tpu.memory_space<vmem>>
      tpu.enqueue_dma source(%dma_start3A_53 : memref<128x128xf32, #tpu.memory_space<vmem>>) target(%dma_start3A_50 : memref<128x128xf32, #tpu.memory_space<hbm>>) target_semaphore(%run_scoped3A : memref<!tpu.dma_semaphore, #tpu.memory_space<semaphore_mem>>)
      %dma_wait3A = arith.constant 0 : i32
      %dma_wait3A_54 = arith.constant 0 : i32
      %dma_wait3A_55 = tpu.memref_slice %arg7[%dma_wait3A, %dma_wait3A_54] : memref<128x128xf32, #tpu.memory_space<vmem>> -> memref<128x128xf32, #tpu.memory_space<vmem>>
      %dma_wait3A_56 = arith.constant 0 : i32
      %dma_wait3A_57 = tpu.memref_slice %arg5[%add3A_28, %dma_wait3A_56] : memref<20224x128xf32, #tpu.memory_space<hbm>> -> memref<128x128xf32, #tpu.memory_space<hbm>>
      %dma_wait3A_58 = arith.constant 0 : i32
      %dma_wait3A_59 = tpu.memref_slice %arg5[%add3A_28, %dma_wait3A_58] : memref<20224x128xf32, #tpu.memory_space<hbm>> -> memref<128x128xf32, #tpu.memory_space<hbm>>
      %dma_wait3A_60 = arith.constant 0 : i32
      %dma_wait3A_61 = arith.constant 0 : i32
      %dma_wait3A_62 = tpu.memref_slice %arg7[%dma_wait3A_60, %dma_wait3A_61] : memref<128x128xf32, #tpu.memory_space<vmem>> -> memref<128x128xf32, #tpu.memory_space<vmem>>
      tpu.wait_dma2 semaphore(%run_scoped3A : memref<!tpu.dma_semaphore, #tpu.memory_space<semaphore_mem>>) src(%dma_wait3A_62 : memref<128x128xf32, #tpu.memory_space<vmem>>) dst(%dma_wait3A_59 : memref<128x128xf32, #tpu.memory_space<hbm>>)
      tpu.yield
    }) : () -> ()
    %add3A_29 = arith.constant 128 : i32
    %add3A_30 = arith.addi %multiple_of3A, %add3A_29 : i32
    "tpu.region"() ({
      %run_scoped3A = tpu.sem_alloc : memref<!tpu.dma_semaphore, #tpu.memory_space<semaphore_mem>>
      %dma_start3A = arith.constant 0 : i32
      %dma_start3A_45 = arith.constant 0 : i32
      %dma_start3A_46 = tpu.memref_slice %arg7[%dma_start3A, %dma_start3A_45] : memref<128x128xf32, #tpu.memory_space<vmem>> -> memref<128x128xf32, #tpu.memory_space<vmem>>
      %dma_start3A_47 = arith.constant 0 : i32
      %dma_start3A_48 = tpu.memref_slice %arg9[%add3A_30, %dma_start3A_47] : memref<10112x128xf32, #tpu.memory_space<vmem_shared>> -> memref<128x128xf32, #tpu.memory_space<vmem_shared>>
      %dma_start3A_49 = arith.constant 0 : i32
      %dma_start3A_50 = arith.constant 0 : i32
      %dma_start3A_51 = tpu.memref_slice %arg7[%dma_start3A_49, %dma_start3A_50] : memref<128x128xf32, #tpu.memory_space<vmem>> -> memref<128x128xf32, #tpu.memory_space<vmem>>
      %dma_start3A_52 = arith.constant 0 : i32
      %dma_start3A_53 = tpu.memref_slice %arg9[%add3A_30, %dma_start3A_52] : memref<10112x128xf32, #tpu.memory_space<vmem_shared>> -> memref<128x128xf32, #tpu.memory_space<vmem_shared>>
      tpu.enqueue_dma source(%dma_start3A_53 : memref<128x128xf32, #tpu.memory_space<vmem_shared>>) target(%dma_start3A_51 : memref<128x128xf32, #tpu.memory_space<vmem>>) target_semaphore(%run_scoped3A : memref<!tpu.dma_semaphore, #tpu.memory_space<semaphore_mem>>)
      %dma_wait3A = arith.constant 0 : i32
      %dma_wait3A_54 = arith.constant 0 : i32
      %dma_wait3A_55 = tpu.memref_slice %arg7[%dma_wait3A, %dma_wait3A_54] : memref<128x128xf32, #tpu.memory_space<vmem>> -> memref<128x128xf32, #tpu.memory_space<vmem>>
      %dma_wait3A_56 = arith.constant 0 : i32
      %dma_wait3A_57 = tpu.memref_slice %arg9[%add3A_30, %dma_wait3A_56] : memref<10112x128xf32, #tpu.memory_space<vmem_shared>> -> memref<128x128xf32, #tpu.memory_space<vmem_shared>>
      %dma_wait3A_58 = arith.constant 0 : i32
      %dma_wait3A_59 = arith.constant 0 : i32
      %dma_wait3A_60 = tpu.memref_slice %arg7[%dma_wait3A_58, %dma_wait3A_59] : memref<128x128xf32, #tpu.memory_space<vmem>> -> memref<128x128xf32, #tpu.memory_space<vmem>>
      %dma_wait3A_61 = arith.constant 0 : i32
      %dma_wait3A_62 = tpu.memref_slice %arg9[%add3A_30, %dma_wait3A_61] : memref<10112x128xf32, #tpu.memory_space<vmem_shared>> -> memref<128x128xf32, #tpu.memory_space<vmem_shared>>
      tpu.wait_dma2 semaphore(%run_scoped3A : memref<!tpu.dma_semaphore, #tpu.memory_space<semaphore_mem>>) src(%dma_wait3A_62 : memref<128x128xf32, #tpu.memory_space<vmem_shared>>) dst(%dma_wait3A_60 : memref<128x128xf32, #tpu.memory_space<vmem>>)
      tpu.yield
    }) : () -> ()
    %add3A_31 = arith.constant 128 : i32
    %add3A_32 = arith.addi %multiple_of3A_24, %add3A_31 : i32
    "tpu.region"() ({
      %run_scoped3A = tpu.sem_alloc : memref<!tpu.dma_semaphore, #tpu.memory_space<semaphore_mem>>
      %dma_start3A = arith.constant 0 : i32
      %dma_start3A_45 = arith.constant 0 : i32
      %dma_start3A_46 = tpu.memref_slice %arg7[%dma_start3A, %dma_start3A_45] : memref<128x128xf32, #tpu.memory_space<vmem>> -> memref<128x128xf32, #tpu.memory_space<vmem>>
      %dma_start3A_47 = arith.constant 0 : i32
      %dma_start3A_48 = tpu.memref_slice %arg5[%add3A_32, %dma_start3A_47] : memref<20224x128xf32, #tpu.memory_space<hbm>> -> memref<128x128xf32, #tpu.memory_space<hbm>>
      %dma_start3A_49 = arith.constant 0 : i32
      %dma_start3A_50 = tpu.memref_slice %arg5[%add3A_32, %dma_start3A_49] : memref<20224x128xf32, #tpu.memory_space<hbm>> -> memref<128x128xf32, #tpu.memory_space<hbm>>
      %dma_start3A_51 = arith.constant 0 : i32
      %dma_start3A_52 = arith.constant 0 : i32
      %dma_start3A_53 = tpu.memref_slice %arg7[%dma_start3A_51, %dma_start3A_52] : memref<128x128xf32, #tpu.memory_space<vmem>> -> memref<128x128xf32, #tpu.memory_space<vmem>>
      tpu.enqueue_dma source(%dma_start3A_53 : memref<128x128xf32, #tpu.memory_space<vmem>>) target(%dma_start3A_50 : memref<128x128xf32, #tpu.memory_space<hbm>>) target_semaphore(%run_scoped3A : memref<!tpu.dma_semaphore, #tpu.memory_space<semaphore_mem>>)
      %dma_wait3A = arith.constant 0 : i32
      %dma_wait3A_54 = arith.constant 0 : i32
      %dma_wait3A_55 = tpu.memref_slice %arg7[%dma_wait3A, %dma_wait3A_54] : memref<128x128xf32, #tpu.memory_space<vmem>> -> memref<128x128xf32, #tpu.memory_space<vmem>>
      %dma_wait3A_56 = arith.constant 0 : i32
      %dma_wait3A_57 = tpu.memref_slice %arg5[%add3A_32, %dma_wait3A_56] : memref<20224x128xf32, #tpu.memory_space<hbm>> -> memref<128x128xf32, #tpu.memory_space<hbm>>
      %dma_wait3A_58 = arith.constant 0 : i32
      %dma_wait3A_59 = tpu.memref_slice %arg5[%add3A_32, %dma_wait3A_58] : memref<20224x128xf32, #tpu.memory_space<hbm>> -> memref<128x128xf32, #tpu.memory_space<hbm>>
      %dma_wait3A_60 = arith.constant 0 : i32
      %dma_wait3A_61 = arith.constant 0 : i32
      %dma_wait3A_62 = tpu.memref_slice %arg7[%dma_wait3A_60, %dma_wait3A_61] : memref<128x128xf32, #tpu.memory_space<vmem>> -> memref<128x128xf32, #tpu.memory_space<vmem>>
      tpu.wait_dma2 semaphore(%run_scoped3A : memref<!tpu.dma_semaphore, #tpu.memory_space<semaphore_mem>>) src(%dma_wait3A_62 : memref<128x128xf32, #tpu.memory_space<vmem>>) dst(%dma_wait3A_59 : memref<128x128xf32, #tpu.memory_space<hbm>>)
      tpu.yield
    }) : () -> ()
    %add3A_33 = arith.constant 256 : i32
    %add3A_34 = arith.addi %multiple_of3A, %add3A_33 : i32
    "tpu.region"() ({
      %run_scoped3A = tpu.sem_alloc : memref<!tpu.dma_semaphore, #tpu.memory_space<semaphore_mem>>
      %dma_start3A = arith.constant 0 : i32
      %dma_start3A_45 = arith.constant 0 : i32
      %dma_start3A_46 = tpu.memref_slice %arg7[%dma_start3A, %dma_start3A_45] : memref<128x128xf32, #tpu.memory_space<vmem>> -> memref<128x128xf32, #tpu.memory_space<vmem>>
      %dma_start3A_47 = arith.constant 0 : i32
      %dma_start3A_48 = tpu.memref_slice %arg9[%add3A_34, %dma_start3A_47] : memref<10112x128xf32, #tpu.memory_space<vmem_shared>> -> memref<128x128xf32, #tpu.memory_space<vmem_shared>>
      %dma_start3A_49 = arith.constant 0 : i32
      %dma_start3A_50 = arith.constant 0 : i32
      %dma_start3A_51 = tpu.memref_slice %arg7[%dma_start3A_49, %dma_start3A_50] : memref<128x128xf32, #tpu.memory_space<vmem>> -> memref<128x128xf32, #tpu.memory_space<vmem>>
      %dma_start3A_52 = arith.constant 0 : i32
      %dma_start3A_53 = tpu.memref_slice %arg9[%add3A_34, %dma_start3A_52] : memref<10112x128xf32, #tpu.memory_space<vmem_shared>> -> memref<128x128xf32, #tpu.memory_space<vmem_shared>>
      tpu.enqueue_dma source(%dma_start3A_53 : memref<128x128xf32, #tpu.memory_space<vmem_shared>>) target(%dma_start3A_51 : memref<128x128xf32, #tpu.memory_space<vmem>>) target_semaphore(%run_scoped3A : memref<!tpu.dma_semaphore, #tpu.memory_space<semaphore_mem>>)
      %dma_wait3A = arith.constant 0 : i32
      %dma_wait3A_54 = arith.constant 0 : i32
      %dma_wait3A_55 = tpu.memref_slice %arg7[%dma_wait3A, %dma_wait3A_54] : memref<128x128xf32, #tpu.memory_space<vmem>> -> memref<128x128xf32, #tpu.memory_space<vmem>>
      %dma_wait3A_56 = arith.constant 0 : i32
      %dma_wait3A_57 = tpu.memref_slice %arg9[%add3A_34, %dma_wait3A_56] : memref<10112x128xf32, #tpu.memory_space<vmem_shared>> -> memref<128x128xf32, #tpu.memory_space<vmem_shared>>
      %dma_wait3A_58 = arith.constant 0 : i32
      %dma_wait3A_59 = arith.constant 0 : i32
      %dma_wait3A_60 = tpu.memref_slice %arg7[%dma_wait3A_58, %dma_wait3A_59] : memref<128x128xf32, #tpu.memory_space<vmem>> -> memref<128x128xf32, #tpu.memory_space<vmem>>
      %dma_wait3A_61 = arith.constant 0 : i32
      %dma_wait3A_62 = tpu.memref_slice %arg9[%add3A_34, %dma_wait3A_61] : memref<10112x128xf32, #tpu.memory_space<vmem_shared>> -> memref<128x128xf32, #tpu.memory_space<vmem_shared>>
      tpu.wait_dma2 semaphore(%run_scoped3A : memref<!tpu.dma_semaphore, #tpu.memory_space<semaphore_mem>>) src(%dma_wait3A_62 : memref<128x128xf32, #tpu.memory_space<vmem_shared>>) dst(%dma_wait3A_60 : memref<128x128xf32, #tpu.memory_space<vmem>>)
      tpu.yield
    }) : () -> ()
    %add3A_35 = arith.constant 256 : i32
    %add3A_36 = arith.addi %multiple_of3A_24, %add3A_35 : i32
    "tpu.region"() ({
      %run_scoped3A = tpu.sem_alloc : memref<!tpu.dma_semaphore, #tpu.memory_space<semaphore_mem>>
      %dma_start3A = arith.constant 0 : i32
      %dma_start3A_45 = arith.constant 0 : i32
      %dma_start3A_46 = tpu.memref_slice %arg7[%dma_start3A, %dma_start3A_45] : memref<128x128xf32, #tpu.memory_space<vmem>> -> memref<128x128xf32, #tpu.memory_space<vmem>>
      %dma_start3A_47 = arith.constant 0 : i32
      %dma_start3A_48 = tpu.memref_slice %arg5[%add3A_36, %dma_start3A_47] : memref<20224x128xf32, #tpu.memory_space<hbm>> -> memref<128x128xf32, #tpu.memory_space<hbm>>
      %dma_start3A_49 = arith.constant 0 : i32
      %dma_start3A_50 = tpu.memref_slice %arg5[%add3A_36, %dma_start3A_49] : memref<20224x128xf32, #tpu.memory_space<hbm>> -> memref<128x128xf32, #tpu.memory_space<hbm>>
      %dma_start3A_51 = arith.constant 0 : i32
      %dma_start3A_52 = arith.constant 0 : i32
      %dma_start3A_53 = tpu.memref_slice %arg7[%dma_start3A_51, %dma_start3A_52] : memref<128x128xf32, #tpu.memory_space<vmem>> -> memref<128x128xf32, #tpu.memory_space<vmem>>
      tpu.enqueue_dma source(%dma_start3A_53 : memref<128x128xf32, #tpu.memory_space<vmem>>) target(%dma_start3A_50 : memref<128x128xf32, #tpu.memory_space<hbm>>) target_semaphore(%run_scoped3A : memref<!tpu.dma_semaphore, #tpu.memory_space<semaphore_mem>>)
      %dma_wait3A = arith.constant 0 : i32
      %dma_wait3A_54 = arith.constant 0 : i32
      %dma_wait3A_55 = tpu.memref_slice %arg7[%dma_wait3A, %dma_wait3A_54] : memref<128x128xf32, #tpu.memory_space<vmem>> -> memref<128x128xf32, #tpu.memory_space<vmem>>
      %dma_wait3A_56 = arith.constant 0 : i32
      %dma_wait3A_57 = tpu.memref_slice %arg5[%add3A_36, %dma_wait3A_56] : memref<20224x128xf32, #tpu.memory_space<hbm>> -> memref<128x128xf32, #tpu.memory_space<hbm>>
      %dma_wait3A_58 = arith.constant 0 : i32
      %dma_wait3A_59 = tpu.memref_slice %arg5[%add3A_36, %dma_wait3A_58] : memref<20224x128xf32, #tpu.memory_space<hbm>> -> memref<128x128xf32, #tpu.memory_space<hbm>>
      %dma_wait3A_60 = arith.constant 0 : i32
      %dma_wait3A_61 = arith.constant 0 : i32
      %dma_wait3A_62 = tpu.memref_slice %arg7[%dma_wait3A_60, %dma_wait3A_61] : memref<128x128xf32, #tpu.memory_space<vmem>> -> memref<128x128xf32, #tpu.memory_space<vmem>>
      tpu.wait_dma2 semaphore(%run_scoped3A : memref<!tpu.dma_semaphore, #tpu.memory_space<semaphore_mem>>) src(%dma_wait3A_62 : memref<128x128xf32, #tpu.memory_space<vmem>>) dst(%dma_wait3A_59 : memref<128x128xf32, #tpu.memory_space<hbm>>)
      tpu.yield
    }) : () -> ()
    %add3A_37 = arith.constant 384 : i32
    %add3A_38 = arith.addi %multiple_of3A, %add3A_37 : i32
    "tpu.region"() ({
      %run_scoped3A = tpu.sem_alloc : memref<!tpu.dma_semaphore, #tpu.memory_space<semaphore_mem>>
      %dma_start3A = arith.constant 0 : i32
      %dma_start3A_45 = arith.constant 0 : i32
      %dma_start3A_46 = tpu.memref_slice %arg7[%dma_start3A, %dma_start3A_45] : memref<128x128xf32, #tpu.memory_space<vmem>> -> memref<128x128xf32, #tpu.memory_space<vmem>>
      %dma_start3A_47 = arith.constant 0 : i32
      %dma_start3A_48 = tpu.memref_slice %arg9[%add3A_38, %dma_start3A_47] : memref<10112x128xf32, #tpu.memory_space<vmem_shared>> -> memref<128x128xf32, #tpu.memory_space<vmem_shared>>
      %dma_start3A_49 = arith.constant 0 : i32
      %dma_start3A_50 = arith.constant 0 : i32
      %dma_start3A_51 = tpu.memref_slice %arg7[%dma_start3A_49, %dma_start3A_50] : memref<128x128xf32, #tpu.memory_space<vmem>> -> memref<128x128xf32, #tpu.memory_space<vmem>>
      %dma_start3A_52 = arith.constant 0 : i32
      %dma_start3A_53 = tpu.memref_slice %arg9[%add3A_38, %dma_start3A_52] : memref<10112x128xf32, #tpu.memory_space<vmem_shared>> -> memref<128x128xf32, #tpu.memory_space<vmem_shared>>
      tpu.enqueue_dma source(%dma_start3A_53 : memref<128x128xf32, #tpu.memory_space<vmem_shared>>) target(%dma_start3A_51 : memref<128x128xf32, #tpu.memory_space<vmem>>) target_semaphore(%run_scoped3A : memref<!tpu.dma_semaphore, #tpu.memory_space<semaphore_mem>>)
      %dma_wait3A = arith.constant 0 : i32
      %dma_wait3A_54 = arith.constant 0 : i32
      %dma_wait3A_55 = tpu.memref_slice %arg7[%dma_wait3A, %dma_wait3A_54] : memref<128x128xf32, #tpu.memory_space<vmem>> -> memref<128x128xf32, #tpu.memory_space<vmem>>
      %dma_wait3A_56 = arith.constant 0 : i32
      %dma_wait3A_57 = tpu.memref_slice %arg9[%add3A_38, %dma_wait3A_56] : memref<10112x128xf32, #tpu.memory_space<vmem_shared>> -> memref<128x128xf32, #tpu.memory_space<vmem_shared>>
      %dma_wait3A_58 = arith.constant 0 : i32
      %dma_wait3A_59 = arith.constant 0 : i32
      %dma_wait3A_60 = tpu.memref_slice %arg7[%dma_wait3A_58, %dma_wait3A_59] : memref<128x128xf32, #tpu.memory_space<vmem>> -> memref<128x128xf32, #tpu.memory_space<vmem>>
      %dma_wait3A_61 = arith.constant 0 : i32
      %dma_wait3A_62 = tpu.memref_slice %arg9[%add3A_38, %dma_wait3A_61] : memref<10112x128xf32, #tpu.memory_space<vmem_shared>> -> memref<128x128xf32, #tpu.memory_space<vmem_shared>>
      tpu.wait_dma2 semaphore(%run_scoped3A : memref<!tpu.dma_semaphore, #tpu.memory_space<semaphore_mem>>) src(%dma_wait3A_62 : memref<128x128xf32, #tpu.memory_space<vmem_shared>>) dst(%dma_wait3A_60 : memref<128x128xf32, #tpu.memory_space<vmem>>)
      tpu.yield
    }) : () -> ()
    %add3A_39 = arith.constant 384 : i32
    %add3A_40 = arith.addi %multiple_of3A_24, %add3A_39 : i32
    "tpu.region"() ({
      %run_scoped3A = tpu.sem_alloc : memref<!tpu.dma_semaphore, #tpu.memory_space<semaphore_mem>>
      %dma_start3A = arith.constant 0 : i32
      %dma_start3A_45 = arith.constant 0 : i32
      %dma_start3A_46 = tpu.memref_slice %arg7[%dma_start3A, %dma_start3A_45] : memref<128x128xf32, #tpu.memory_space<vmem>> -> memref<128x128xf32, #tpu.memory_space<vmem>>
      %dma_start3A_47 = arith.constant 0 : i32
      %dma_start3A_48 = tpu.memref_slice %arg5[%add3A_40, %dma_start3A_47] : memref<20224x128xf32, #tpu.memory_space<hbm>> -> memref<128x128xf32, #tpu.memory_space<hbm>>
      %dma_start3A_49 = arith.constant 0 : i32
      %dma_start3A_50 = tpu.memref_slice %arg5[%add3A_40, %dma_start3A_49] : memref<20224x128xf32, #tpu.memory_space<hbm>> -> memref<128x128xf32, #tpu.memory_space<hbm>>
      %dma_start3A_51 = arith.constant 0 : i32
      %dma_start3A_52 = arith.constant 0 : i32
      %dma_start3A_53 = tpu.memref_slice %arg7[%dma_start3A_51, %dma_start3A_52] : memref<128x128xf32, #tpu.memory_space<vmem>> -> memref<128x128xf32, #tpu.memory_space<vmem>>
      tpu.enqueue_dma source(%dma_start3A_53 : memref<128x128xf32, #tpu.memory_space<vmem>>) target(%dma_start3A_50 : memref<128x128xf32, #tpu.memory_space<hbm>>) target_semaphore(%run_scoped3A : memref<!tpu.dma_semaphore, #tpu.memory_space<semaphore_mem>>)
      %dma_wait3A = arith.constant 0 : i32
      %dma_wait3A_54 = arith.constant 0 : i32
      %dma_wait3A_55 = tpu.memref_slice %arg7[%dma_wait3A, %dma_wait3A_54] : memref<128x128xf32, #tpu.memory_space<vmem>> -> memref<128x128xf32, #tpu.memory_space<vmem>>
      %dma_wait3A_56 = arith.constant 0 : i32
      %dma_wait3A_57 = tpu.memref_slice %arg5[%add3A_40, %dma_wait3A_56] : memref<20224x128xf32, #tpu.memory_space<hbm>> -> memref<128x128xf32, #tpu.memory_space<hbm>>
      %dma_wait3A_58 = arith.constant 0 : i32
      %dma_wait3A_59 = tpu.memref_slice %arg5[%add3A_40, %dma_wait3A_58] : memref<20224x128xf32, #tpu.memory_space<hbm>> -> memref<128x128xf32, #tpu.memory_space<hbm>>
      %dma_wait3A_60 = arith.constant 0 : i32
      %dma_wait3A_61 = arith.constant 0 : i32
      %dma_wait3A_62 = tpu.memref_slice %arg7[%dma_wait3A_60, %dma_wait3A_61] : memref<128x128xf32, #tpu.memory_space<vmem>> -> memref<128x128xf32, #tpu.memory_space<vmem>>
      tpu.wait_dma2 semaphore(%run_scoped3A : memref<!tpu.dma_semaphore, #tpu.memory_space<semaphore_mem>>) src(%dma_wait3A_62 : memref<128x128xf32, #tpu.memory_space<vmem>>) dst(%dma_wait3A_59 : memref<128x128xf32, #tpu.memory_space<hbm>>)
      tpu.yield
    }) : () -> ()
    %add3A_41 = arith.constant 512 : i32
    %add3A_42 = arith.addi %multiple_of3A, %add3A_41 : i32
    "tpu.region"() ({
      %run_scoped3A = tpu.sem_alloc : memref<!tpu.dma_semaphore, #tpu.memory_space<semaphore_mem>>
      %dma_start3A = arith.constant 0 : i32
      %dma_start3A_45 = arith.constant 0 : i32
      %dma_start3A_46 = tpu.memref_slice %arg7[%dma_start3A, %dma_start3A_45] : memref<128x128xf32, #tpu.memory_space<vmem>> -> memref<120x128xf32, #tpu.memory_space<vmem>>
      %dma_start3A_47 = arith.constant 0 : i32
      %dma_start3A_48 = tpu.memref_slice %arg9[%add3A_42, %dma_start3A_47] : memref<10112x128xf32, #tpu.memory_space<vmem_shared>> -> memref<120x128xf32, #tpu.memory_space<vmem_shared>>
      %dma_start3A_49 = arith.constant 0 : i32
      %dma_start3A_50 = arith.constant 0 : i32
      %dma_start3A_51 = tpu.memref_slice %arg7[%dma_start3A_49, %dma_start3A_50] : memref<128x128xf32, #tpu.memory_space<vmem>> -> memref<120x128xf32, #tpu.memory_space<vmem>>
      %dma_start3A_52 = arith.constant 0 : i32
      %dma_start3A_53 = tpu.memref_slice %arg9[%add3A_42, %dma_start3A_52] : memref<10112x128xf32, #tpu.memory_space<vmem_shared>> -> memref<120x128xf32, #tpu.memory_space<vmem_shared>>
      tpu.enqueue_dma source(%dma_start3A_53 : memref<120x128xf32, #tpu.memory_space<vmem_shared>>) target(%dma_start3A_51 : memref<120x128xf32, #tpu.memory_space<vmem>>) target_semaphore(%run_scoped3A : memref<!tpu.dma_semaphore, #tpu.memory_space<semaphore_mem>>)
      %dma_wait3A = arith.constant 0 : i32
      %dma_wait3A_54 = arith.constant 0 : i32
      %dma_wait3A_55 = tpu.memref_slice %arg7[%dma_wait3A, %dma_wait3A_54] : memref<128x128xf32, #tpu.memory_space<vmem>> -> memref<120x128xf32, #tpu.memory_space<vmem>>
      %dma_wait3A_56 = arith.constant 0 : i32
      %dma_wait3A_57 = tpu.memref_slice %arg9[%add3A_42, %dma_wait3A_56] : memref<10112x128xf32, #tpu.memory_space<vmem_shared>> -> memref<120x128xf32, #tpu.memory_space<vmem_shared>>
      %dma_wait3A_58 = arith.constant 0 : i32
      %dma_wait3A_59 = arith.constant 0 : i32
      %dma_wait3A_60 = tpu.memref_slice %arg7[%dma_wait3A_58, %dma_wait3A_59] : memref<128x128xf32, #tpu.memory_space<vmem>> -> memref<120x128xf32, #tpu.memory_space<vmem>>
      %dma_wait3A_61 = arith.constant 0 : i32
      %dma_wait3A_62 = tpu.memref_slice %arg9[%add3A_42, %dma_wait3A_61] : memref<10112x128xf32, #tpu.memory_space<vmem_shared>> -> memref<120x128xf32, #tpu.memory_space<vmem_shared>>
      tpu.wait_dma2 semaphore(%run_scoped3A : memref<!tpu.dma_semaphore, #tpu.memory_space<semaphore_mem>>) src(%dma_wait3A_62 : memref<120x128xf32, #tpu.memory_space<vmem_shared>>) dst(%dma_wait3A_60 : memref<120x128xf32, #tpu.memory_space<vmem>>)
      tpu.yield
    }) : () -> ()
    %add3A_43 = arith.constant 512 : i32
    %add3A_44 = arith.addi %multiple_of3A_24, %add3A_43 : i32
    "tpu.region"() ({
      %run_scoped3A = tpu.sem_alloc : memref<!tpu.dma_semaphore, #tpu.memory_space<semaphore_mem>>
      %dma_start3A = arith.constant 0 : i32
      %dma_start3A_45 = arith.constant 0 : i32
      %dma_start3A_46 = tpu.memref_slice %arg7[%dma_start3A, %dma_start3A_45] : memref<128x128xf32, #tpu.memory_space<vmem>> -> memref<120x128xf32, #tpu.memory_space<vmem>>
      %dma_start3A_47 = arith.constant 0 : i32
      %dma_start3A_48 = tpu.memref_slice %arg5[%add3A_44, %dma_start3A_47] : memref<20224x128xf32, #tpu.memory_space<hbm>> -> memref<120x128xf32, #tpu.memory_space<hbm>>
      %dma_start3A_49 = arith.constant 0 : i32
      %dma_start3A_50 = tpu.memref_slice %arg5[%add3A_44, %dma_start3A_49] : memref<20224x128xf32, #tpu.memory_space<hbm>> -> memref<120x128xf32, #tpu.memory_space<hbm>>
      %dma_start3A_51 = arith.constant 0 : i32
      %dma_start3A_52 = arith.constant 0 : i32
      %dma_start3A_53 = tpu.memref_slice %arg7[%dma_start3A_51, %dma_start3A_52] : memref<128x128xf32, #tpu.memory_space<vmem>> -> memref<120x128xf32, #tpu.memory_space<vmem>>
      tpu.enqueue_dma source(%dma_start3A_53 : memref<120x128xf32, #tpu.memory_space<vmem>>) target(%dma_start3A_50 : memref<120x128xf32, #tpu.memory_space<hbm>>) target_semaphore(%run_scoped3A : memref<!tpu.dma_semaphore, #tpu.memory_space<semaphore_mem>>)
      %dma_wait3A = arith.constant 0 : i32
      %dma_wait3A_54 = arith.constant 0 : i32
      %dma_wait3A_55 = tpu.memref_slice %arg7[%dma_wait3A, %dma_wait3A_54] : memref<128x128xf32, #tpu.memory_space<vmem>> -> memref<120x128xf32, #tpu.memory_space<vmem>>
      %dma_wait3A_56 = arith.constant 0 : i32
      %dma_wait3A_57 = tpu.memref_slice %arg5[%add3A_44, %dma_wait3A_56] : memref<20224x128xf32, #tpu.memory_space<hbm>> -> memref<120x128xf32, #tpu.memory_space<hbm>>
      %dma_wait3A_58 = arith.constant 0 : i32
      %dma_wait3A_59 = tpu.memref_slice %arg5[%add3A_44, %dma_wait3A_58] : memref<20224x128xf32, #tpu.memory_space<hbm>> -> memref<120x128xf32, #tpu.memory_space<hbm>>
      %dma_wait3A_60 = arith.constant 0 : i32
      %dma_wait3A_61 = arith.constant 0 : i32
      %dma_wait3A_62 = tpu.memref_slice %arg7[%dma_wait3A_60, %dma_wait3A_61] : memref<128x128xf32, #tpu.memory_space<vmem>> -> memref<120x128xf32, #tpu.memory_space<vmem>>
      tpu.wait_dma2 semaphore(%run_scoped3A : memref<!tpu.dma_semaphore, #tpu.memory_space<semaphore_mem>>) src(%dma_wait3A_62 : memref<120x128xf32, #tpu.memory_space<vmem>>) dst(%dma_wait3A_59 : memref<120x128xf32, #tpu.memory_space<hbm>>)
      tpu.yield
    }) : () -> ()
    return
  }
}

#map = affine_map<(d0, d1) -> (0, 0)>
#map1 = affine_map<(d0, d1) -> (0)>
module attributes {stable_mosaic.version = 14 : i64} {
  func.func @_sc_agg_body(%arg0: i32, %arg1: i32, %arg2: memref<10000x128xf32, #tpu.memory_space<hbm>>, %arg3: memref<323584xi32, #tpu.memory_space<hbm>>, %arg4: memref<323584xi32, #tpu.memory_space<hbm>>, %arg5: memref<10112x128xf32, #tpu.memory_space<hbm>>, %arg6: memref<20224x128xf32, #tpu.memory_space<hbm>>, %arg7: memref<128xi32, #tpu.memory_space<vmem>>, %arg8: memref<128xi32, #tpu.memory_space<vmem>>, %arg9: memref<128x128xf32, #tpu.memory_space<vmem>>, %arg10: memref<10112x128xf32, #tpu.memory_space<vmem_shared>>, %arg11: memref<!tpu.dma_semaphore, #tpu.memory_space<semaphore_mem>>) attributes {dimension_semantics = [#tpu.dimension_semantics<core_parallel>, #tpu.dimension_semantics<subcore_parallel>], iteration_bounds = array<i64: 2, 16>, scalar_prefetch = 0 : i64, scratch_operands = 5 : i64, tpu.core_type = #tpu.core_type<sc_vector_subcore>, window_params = [{transform_indices = #map}, {transform_indices = #map1}, {transform_indices = #map1}, {transform_indices = #map}, {transform_indices = #map}]} {
    %mul3A = arith.constant 2 : i32
    %mul3A_0 = arith.muli %arg1, %mul3A : i32
    %add3A = arith.addi %mul3A_0, %arg0 : i32
    %mul3A_1 = arith.constant 632 : i32
    %mul3A_2 = arith.muli %arg1, %mul3A_1 : i32
    %multiple_of3A = tpu.assume_multiple %mul3A_2, 8 : i32
    "tpu.region"() ({
      %run_scoped3A = tpu.sem_alloc : memref<!tpu.dma_semaphore, #tpu.memory_space<semaphore_mem>>
      %dma_start3A = arith.constant 0 : i32
      %dma_start3A_45 = arith.constant 0 : i32
      %dma_start3A_46 = tpu.memref_slice %arg5[%dma_start3A, %dma_start3A_45] : memref<10112x128xf32, #tpu.memory_space<hbm>> -> memref<128x128xf32, #tpu.memory_space<hbm>>
      %dma_start3A_47 = arith.constant 0 : i32
      %dma_start3A_48 = arith.constant 0 : i32
      %dma_start3A_49 = tpu.memref_slice %arg5[%dma_start3A_47, %dma_start3A_48] : memref<10112x128xf32, #tpu.memory_space<hbm>> -> memref<128x128xf32, #tpu.memory_space<hbm>>
      tpu.enqueue_dma source(%dma_start3A_49 : memref<128x128xf32, #tpu.memory_space<hbm>>) target(%arg9 : memref<128x128xf32, #tpu.memory_space<vmem>>) target_semaphore(%run_scoped3A : memref<!tpu.dma_semaphore, #tpu.memory_space<semaphore_mem>>)
      %dma_wait3A = arith.constant 0 : i32
      %dma_wait3A_50 = arith.constant 0 : i32
      %dma_wait3A_51 = tpu.memref_slice %arg5[%dma_wait3A, %dma_wait3A_50] : memref<10112x128xf32, #tpu.memory_space<hbm>> -> memref<128x128xf32, #tpu.memory_space<hbm>>
      %dma_wait3A_52 = arith.constant 0 : i32
      %dma_wait3A_53 = arith.constant 0 : i32
      %dma_wait3A_54 = tpu.memref_slice %arg5[%dma_wait3A_52, %dma_wait3A_53] : memref<10112x128xf32, #tpu.memory_space<hbm>> -> memref<128x128xf32, #tpu.memory_space<hbm>>
      tpu.wait_dma2 semaphore(%run_scoped3A : memref<!tpu.dma_semaphore, #tpu.memory_space<semaphore_mem>>) src(%dma_wait3A_54 : memref<128x128xf32, #tpu.memory_space<hbm>>) dst(%arg9 : memref<128x128xf32, #tpu.memory_space<vmem>>)
      tpu.yield
    }) : () -> ()
    %add3A_3 = arith.constant 0 : i32
    %add3A_4 = arith.addi %multiple_of3A, %add3A_3 : i32
    "tpu.region"() ({
      %run_scoped3A = tpu.sem_alloc : memref<!tpu.dma_semaphore, #tpu.memory_space<semaphore_mem>>
      %dma_start3A = arith.constant 0 : i32
      %dma_start3A_45 = arith.constant 0 : i32
      %dma_start3A_46 = tpu.memref_slice %arg9[%dma_start3A, %dma_start3A_45] : memref<128x128xf32, #tpu.memory_space<vmem>> -> memref<128x128xf32, #tpu.memory_space<vmem>>
      %dma_start3A_47 = arith.constant 0 : i32
      %dma_start3A_48 = tpu.memref_slice %arg10[%add3A_4, %dma_start3A_47] : memref<10112x128xf32, #tpu.memory_space<vmem_shared>> -> memref<128x128xf32, #tpu.memory_space<vmem_shared>>
      %dma_start3A_49 = arith.constant 0 : i32
      %dma_start3A_50 = tpu.memref_slice %arg10[%add3A_4, %dma_start3A_49] : memref<10112x128xf32, #tpu.memory_space<vmem_shared>> -> memref<128x128xf32, #tpu.memory_space<vmem_shared>>
      %dma_start3A_51 = arith.constant 0 : i32
      %dma_start3A_52 = arith.constant 0 : i32
      %dma_start3A_53 = tpu.memref_slice %arg9[%dma_start3A_51, %dma_start3A_52] : memref<128x128xf32, #tpu.memory_space<vmem>> -> memref<128x128xf32, #tpu.memory_space<vmem>>
      tpu.enqueue_dma source(%dma_start3A_53 : memref<128x128xf32, #tpu.memory_space<vmem>>) target(%dma_start3A_50 : memref<128x128xf32, #tpu.memory_space<vmem_shared>>) target_semaphore(%run_scoped3A : memref<!tpu.dma_semaphore, #tpu.memory_space<semaphore_mem>>)
      %dma_wait3A = arith.constant 0 : i32
      %dma_wait3A_54 = arith.constant 0 : i32
      %dma_wait3A_55 = tpu.memref_slice %arg9[%dma_wait3A, %dma_wait3A_54] : memref<128x128xf32, #tpu.memory_space<vmem>> -> memref<128x128xf32, #tpu.memory_space<vmem>>
      %dma_wait3A_56 = arith.constant 0 : i32
      %dma_wait3A_57 = tpu.memref_slice %arg10[%add3A_4, %dma_wait3A_56] : memref<10112x128xf32, #tpu.memory_space<vmem_shared>> -> memref<128x128xf32, #tpu.memory_space<vmem_shared>>
      %dma_wait3A_58 = arith.constant 0 : i32
      %dma_wait3A_59 = tpu.memref_slice %arg10[%add3A_4, %dma_wait3A_58] : memref<10112x128xf32, #tpu.memory_space<vmem_shared>> -> memref<128x128xf32, #tpu.memory_space<vmem_shared>>
      %dma_wait3A_60 = arith.constant 0 : i32
      %dma_wait3A_61 = arith.constant 0 : i32
      %dma_wait3A_62 = tpu.memref_slice %arg9[%dma_wait3A_60, %dma_wait3A_61] : memref<128x128xf32, #tpu.memory_space<vmem>> -> memref<128x128xf32, #tpu.memory_space<vmem>>
      tpu.wait_dma2 semaphore(%run_scoped3A : memref<!tpu.dma_semaphore, #tpu.memory_space<semaphore_mem>>) src(%dma_wait3A_62 : memref<128x128xf32, #tpu.memory_space<vmem>>) dst(%dma_wait3A_59 : memref<128x128xf32, #tpu.memory_space<vmem_shared>>)
      tpu.yield
    }) : () -> ()
    %add3A_5 = arith.constant 128 : i32
    %add3A_6 = arith.addi %multiple_of3A, %add3A_5 : i32
    "tpu.region"() ({
      %run_scoped3A = tpu.sem_alloc : memref<!tpu.dma_semaphore, #tpu.memory_space<semaphore_mem>>
      %dma_start3A = arith.constant 0 : i32
      %dma_start3A_45 = arith.constant 0 : i32
      %dma_start3A_46 = tpu.memref_slice %arg9[%dma_start3A, %dma_start3A_45] : memref<128x128xf32, #tpu.memory_space<vmem>> -> memref<128x128xf32, #tpu.memory_space<vmem>>
      %dma_start3A_47 = arith.constant 0 : i32
      %dma_start3A_48 = tpu.memref_slice %arg10[%add3A_6, %dma_start3A_47] : memref<10112x128xf32, #tpu.memory_space<vmem_shared>> -> memref<128x128xf32, #tpu.memory_space<vmem_shared>>
      %dma_start3A_49 = arith.constant 0 : i32
      %dma_start3A_50 = tpu.memref_slice %arg10[%add3A_6, %dma_start3A_49] : memref<10112x128xf32, #tpu.memory_space<vmem_shared>> -> memref<128x128xf32, #tpu.memory_space<vmem_shared>>
      %dma_start3A_51 = arith.constant 0 : i32
      %dma_start3A_52 = arith.constant 0 : i32
      %dma_start3A_53 = tpu.memref_slice %arg9[%dma_start3A_51, %dma_start3A_52] : memref<128x128xf32, #tpu.memory_space<vmem>> -> memref<128x128xf32, #tpu.memory_space<vmem>>
      tpu.enqueue_dma source(%dma_start3A_53 : memref<128x128xf32, #tpu.memory_space<vmem>>) target(%dma_start3A_50 : memref<128x128xf32, #tpu.memory_space<vmem_shared>>) target_semaphore(%run_scoped3A : memref<!tpu.dma_semaphore, #tpu.memory_space<semaphore_mem>>)
      %dma_wait3A = arith.constant 0 : i32
      %dma_wait3A_54 = arith.constant 0 : i32
      %dma_wait3A_55 = tpu.memref_slice %arg9[%dma_wait3A, %dma_wait3A_54] : memref<128x128xf32, #tpu.memory_space<vmem>> -> memref<128x128xf32, #tpu.memory_space<vmem>>
      %dma_wait3A_56 = arith.constant 0 : i32
      %dma_wait3A_57 = tpu.memref_slice %arg10[%add3A_6, %dma_wait3A_56] : memref<10112x128xf32, #tpu.memory_space<vmem_shared>> -> memref<128x128xf32, #tpu.memory_space<vmem_shared>>
      %dma_wait3A_58 = arith.constant 0 : i32
      %dma_wait3A_59 = tpu.memref_slice %arg10[%add3A_6, %dma_wait3A_58] : memref<10112x128xf32, #tpu.memory_space<vmem_shared>> -> memref<128x128xf32, #tpu.memory_space<vmem_shared>>
      %dma_wait3A_60 = arith.constant 0 : i32
      %dma_wait3A_61 = arith.constant 0 : i32
      %dma_wait3A_62 = tpu.memref_slice %arg9[%dma_wait3A_60, %dma_wait3A_61] : memref<128x128xf32, #tpu.memory_space<vmem>> -> memref<128x128xf32, #tpu.memory_space<vmem>>
      tpu.wait_dma2 semaphore(%run_scoped3A : memref<!tpu.dma_semaphore, #tpu.memory_space<semaphore_mem>>) src(%dma_wait3A_62 : memref<128x128xf32, #tpu.memory_space<vmem>>) dst(%dma_wait3A_59 : memref<128x128xf32, #tpu.memory_space<vmem_shared>>)
      tpu.yield
    }) : () -> ()
    %add3A_7 = arith.constant 256 : i32
    %add3A_8 = arith.addi %multiple_of3A, %add3A_7 : i32
    "tpu.region"() ({
      %run_scoped3A = tpu.sem_alloc : memref<!tpu.dma_semaphore, #tpu.memory_space<semaphore_mem>>
      %dma_start3A = arith.constant 0 : i32
      %dma_start3A_45 = arith.constant 0 : i32
      %dma_start3A_46 = tpu.memref_slice %arg9[%dma_start3A, %dma_start3A_45] : memref<128x128xf32, #tpu.memory_space<vmem>> -> memref<128x128xf32, #tpu.memory_space<vmem>>
      %dma_start3A_47 = arith.constant 0 : i32
      %dma_start3A_48 = tpu.memref_slice %arg10[%add3A_8, %dma_start3A_47] : memref<10112x128xf32, #tpu.memory_space<vmem_shared>> -> memref<128x128xf32, #tpu.memory_space<vmem_shared>>
      %dma_start3A_49 = arith.constant 0 : i32
      %dma_start3A_50 = tpu.memref_slice %arg10[%add3A_8, %dma_start3A_49] : memref<10112x128xf32, #tpu.memory_space<vmem_shared>> -> memref<128x128xf32, #tpu.memory_space<vmem_shared>>
      %dma_start3A_51 = arith.constant 0 : i32
      %dma_start3A_52 = arith.constant 0 : i32
      %dma_start3A_53 = tpu.memref_slice %arg9[%dma_start3A_51, %dma_start3A_52] : memref<128x128xf32, #tpu.memory_space<vmem>> -> memref<128x128xf32, #tpu.memory_space<vmem>>
      tpu.enqueue_dma source(%dma_start3A_53 : memref<128x128xf32, #tpu.memory_space<vmem>>) target(%dma_start3A_50 : memref<128x128xf32, #tpu.memory_space<vmem_shared>>) target_semaphore(%run_scoped3A : memref<!tpu.dma_semaphore, #tpu.memory_space<semaphore_mem>>)
      %dma_wait3A = arith.constant 0 : i32
      %dma_wait3A_54 = arith.constant 0 : i32
      %dma_wait3A_55 = tpu.memref_slice %arg9[%dma_wait3A, %dma_wait3A_54] : memref<128x128xf32, #tpu.memory_space<vmem>> -> memref<128x128xf32, #tpu.memory_space<vmem>>
      %dma_wait3A_56 = arith.constant 0 : i32
      %dma_wait3A_57 = tpu.memref_slice %arg10[%add3A_8, %dma_wait3A_56] : memref<10112x128xf32, #tpu.memory_space<vmem_shared>> -> memref<128x128xf32, #tpu.memory_space<vmem_shared>>
      %dma_wait3A_58 = arith.constant 0 : i32
      %dma_wait3A_59 = tpu.memref_slice %arg10[%add3A_8, %dma_wait3A_58] : memref<10112x128xf32, #tpu.memory_space<vmem_shared>> -> memref<128x128xf32, #tpu.memory_space<vmem_shared>>
      %dma_wait3A_60 = arith.constant 0 : i32
      %dma_wait3A_61 = arith.constant 0 : i32
      %dma_wait3A_62 = tpu.memref_slice %arg9[%dma_wait3A_60, %dma_wait3A_61] : memref<128x128xf32, #tpu.memory_space<vmem>> -> memref<128x128xf32, #tpu.memory_space<vmem>>
      tpu.wait_dma2 semaphore(%run_scoped3A : memref<!tpu.dma_semaphore, #tpu.memory_space<semaphore_mem>>) src(%dma_wait3A_62 : memref<128x128xf32, #tpu.memory_space<vmem>>) dst(%dma_wait3A_59 : memref<128x128xf32, #tpu.memory_space<vmem_shared>>)
      tpu.yield
    }) : () -> ()
    %add3A_9 = arith.constant 384 : i32
    %add3A_10 = arith.addi %multiple_of3A, %add3A_9 : i32
    "tpu.region"() ({
      %run_scoped3A = tpu.sem_alloc : memref<!tpu.dma_semaphore, #tpu.memory_space<semaphore_mem>>
      %dma_start3A = arith.constant 0 : i32
      %dma_start3A_45 = arith.constant 0 : i32
      %dma_start3A_46 = tpu.memref_slice %arg9[%dma_start3A, %dma_start3A_45] : memref<128x128xf32, #tpu.memory_space<vmem>> -> memref<128x128xf32, #tpu.memory_space<vmem>>
      %dma_start3A_47 = arith.constant 0 : i32
      %dma_start3A_48 = tpu.memref_slice %arg10[%add3A_10, %dma_start3A_47] : memref<10112x128xf32, #tpu.memory_space<vmem_shared>> -> memref<128x128xf32, #tpu.memory_space<vmem_shared>>
      %dma_start3A_49 = arith.constant 0 : i32
      %dma_start3A_50 = tpu.memref_slice %arg10[%add3A_10, %dma_start3A_49] : memref<10112x128xf32, #tpu.memory_space<vmem_shared>> -> memref<128x128xf32, #tpu.memory_space<vmem_shared>>
      %dma_start3A_51 = arith.constant 0 : i32
      %dma_start3A_52 = arith.constant 0 : i32
      %dma_start3A_53 = tpu.memref_slice %arg9[%dma_start3A_51, %dma_start3A_52] : memref<128x128xf32, #tpu.memory_space<vmem>> -> memref<128x128xf32, #tpu.memory_space<vmem>>
      tpu.enqueue_dma source(%dma_start3A_53 : memref<128x128xf32, #tpu.memory_space<vmem>>) target(%dma_start3A_50 : memref<128x128xf32, #tpu.memory_space<vmem_shared>>) target_semaphore(%run_scoped3A : memref<!tpu.dma_semaphore, #tpu.memory_space<semaphore_mem>>)
      %dma_wait3A = arith.constant 0 : i32
      %dma_wait3A_54 = arith.constant 0 : i32
      %dma_wait3A_55 = tpu.memref_slice %arg9[%dma_wait3A, %dma_wait3A_54] : memref<128x128xf32, #tpu.memory_space<vmem>> -> memref<128x128xf32, #tpu.memory_space<vmem>>
      %dma_wait3A_56 = arith.constant 0 : i32
      %dma_wait3A_57 = tpu.memref_slice %arg10[%add3A_10, %dma_wait3A_56] : memref<10112x128xf32, #tpu.memory_space<vmem_shared>> -> memref<128x128xf32, #tpu.memory_space<vmem_shared>>
      %dma_wait3A_58 = arith.constant 0 : i32
      %dma_wait3A_59 = tpu.memref_slice %arg10[%add3A_10, %dma_wait3A_58] : memref<10112x128xf32, #tpu.memory_space<vmem_shared>> -> memref<128x128xf32, #tpu.memory_space<vmem_shared>>
      %dma_wait3A_60 = arith.constant 0 : i32
      %dma_wait3A_61 = arith.constant 0 : i32
      %dma_wait3A_62 = tpu.memref_slice %arg9[%dma_wait3A_60, %dma_wait3A_61] : memref<128x128xf32, #tpu.memory_space<vmem>> -> memref<128x128xf32, #tpu.memory_space<vmem>>
      tpu.wait_dma2 semaphore(%run_scoped3A : memref<!tpu.dma_semaphore, #tpu.memory_space<semaphore_mem>>) src(%dma_wait3A_62 : memref<128x128xf32, #tpu.memory_space<vmem>>) dst(%dma_wait3A_59 : memref<128x128xf32, #tpu.memory_space<vmem_shared>>)
      tpu.yield
    }) : () -> ()
    %add3A_11 = arith.constant 512 : i32
    %add3A_12 = arith.addi %multiple_of3A, %add3A_11 : i32
    "tpu.region"() ({
      %run_scoped3A = tpu.sem_alloc : memref<!tpu.dma_semaphore, #tpu.memory_space<semaphore_mem>>
      %dma_start3A = arith.constant 0 : i32
      %dma_start3A_45 = arith.constant 0 : i32
      %dma_start3A_46 = tpu.memref_slice %arg9[%dma_start3A, %dma_start3A_45] : memref<128x128xf32, #tpu.memory_space<vmem>> -> memref<120x128xf32, #tpu.memory_space<vmem>>
      %dma_start3A_47 = arith.constant 0 : i32
      %dma_start3A_48 = tpu.memref_slice %arg10[%add3A_12, %dma_start3A_47] : memref<10112x128xf32, #tpu.memory_space<vmem_shared>> -> memref<120x128xf32, #tpu.memory_space<vmem_shared>>
      %dma_start3A_49 = arith.constant 0 : i32
      %dma_start3A_50 = tpu.memref_slice %arg10[%add3A_12, %dma_start3A_49] : memref<10112x128xf32, #tpu.memory_space<vmem_shared>> -> memref<120x128xf32, #tpu.memory_space<vmem_shared>>
      %dma_start3A_51 = arith.constant 0 : i32
      %dma_start3A_52 = arith.constant 0 : i32
      %dma_start3A_53 = tpu.memref_slice %arg9[%dma_start3A_51, %dma_start3A_52] : memref<128x128xf32, #tpu.memory_space<vmem>> -> memref<120x128xf32, #tpu.memory_space<vmem>>
      tpu.enqueue_dma source(%dma_start3A_53 : memref<120x128xf32, #tpu.memory_space<vmem>>) target(%dma_start3A_50 : memref<120x128xf32, #tpu.memory_space<vmem_shared>>) target_semaphore(%run_scoped3A : memref<!tpu.dma_semaphore, #tpu.memory_space<semaphore_mem>>)
      %dma_wait3A = arith.constant 0 : i32
      %dma_wait3A_54 = arith.constant 0 : i32
      %dma_wait3A_55 = tpu.memref_slice %arg9[%dma_wait3A, %dma_wait3A_54] : memref<128x128xf32, #tpu.memory_space<vmem>> -> memref<120x128xf32, #tpu.memory_space<vmem>>
      %dma_wait3A_56 = arith.constant 0 : i32
      %dma_wait3A_57 = tpu.memref_slice %arg10[%add3A_12, %dma_wait3A_56] : memref<10112x128xf32, #tpu.memory_space<vmem_shared>> -> memref<120x128xf32, #tpu.memory_space<vmem_shared>>
      %dma_wait3A_58 = arith.constant 0 : i32
      %dma_wait3A_59 = tpu.memref_slice %arg10[%add3A_12, %dma_wait3A_58] : memref<10112x128xf32, #tpu.memory_space<vmem_shared>> -> memref<120x128xf32, #tpu.memory_space<vmem_shared>>
      %dma_wait3A_60 = arith.constant 0 : i32
      %dma_wait3A_61 = arith.constant 0 : i32
      %dma_wait3A_62 = tpu.memref_slice %arg9[%dma_wait3A_60, %dma_wait3A_61] : memref<128x128xf32, #tpu.memory_space<vmem>> -> memref<120x128xf32, #tpu.memory_space<vmem>>
      tpu.wait_dma2 semaphore(%run_scoped3A : memref<!tpu.dma_semaphore, #tpu.memory_space<semaphore_mem>>) src(%dma_wait3A_62 : memref<120x128xf32, #tpu.memory_space<vmem>>) dst(%dma_wait3A_59 : memref<120x128xf32, #tpu.memory_space<vmem_shared>>)
      tpu.yield
    }) : () -> ()
    %barrier3A = arith.constant 0 : index
    tpu.barrier barrier_id(%barrier3A)
    %scan3A = arith.constant 0 : i32
    %scan3A_13 = arith.constant 0 : i32
    %scan3A_14 = arith.constant 79 : i32
    %scan3A_15 = arith.addi %scan3A_13, %scan3A_14 : i32
    %scan3A_16 = arith.constant 1 : i32
    scf.for %scan3A_45 = %scan3A_13 to %scan3A_15 step %scan3A_16  : i32 {
      %mul3A_46 = arith.constant 10112 : i32
      %mul3A_47 = arith.muli %add3A, %mul3A_46 : i32
      %mul3A_48 = arith.constant 128 : i32
      %mul3A_49 = arith.muli %scan3A_45, %mul3A_48 : i32
      %add3A_50 = arith.addi %mul3A_47, %mul3A_49 : i32
      %multiple_of3A_51 = tpu.assume_multiple %add3A_50, 8 : i32
      "tpu.region"() ({
        %run_scoped3A = tpu.sem_alloc : memref<!tpu.dma_semaphore, #tpu.memory_space<semaphore_mem>>
        %dma_start3A_56 = tpu.memref_slice %arg3[%multiple_of3A_51] : memref<323584xi32, #tpu.memory_space<hbm>> -> memref<128xi32, #tpu.memory_space<hbm>>
        %dma_start3A_57 = tpu.memref_slice %arg3[%multiple_of3A_51] : memref<323584xi32, #tpu.memory_space<hbm>> -> memref<128xi32, #tpu.memory_space<hbm>>
        tpu.enqueue_dma source(%dma_start3A_57 : memref<128xi32, #tpu.memory_space<hbm>>) target(%arg7 : memref<128xi32, #tpu.memory_space<vmem>>) target_semaphore(%run_scoped3A : memref<!tpu.dma_semaphore, #tpu.memory_space<semaphore_mem>>)
        %dma_wait3A_58 = tpu.memref_slice %arg3[%multiple_of3A_51] : memref<323584xi32, #tpu.memory_space<hbm>> -> memref<128xi32, #tpu.memory_space<hbm>>
        %dma_wait3A_59 = tpu.memref_slice %arg3[%multiple_of3A_51] : memref<323584xi32, #tpu.memory_space<hbm>> -> memref<128xi32, #tpu.memory_space<hbm>>
        tpu.wait_dma2 semaphore(%run_scoped3A : memref<!tpu.dma_semaphore, #tpu.memory_space<semaphore_mem>>) src(%dma_wait3A_59 : memref<128xi32, #tpu.memory_space<hbm>>) dst(%arg7 : memref<128xi32, #tpu.memory_space<vmem>>)
        tpu.yield
      }) : () -> ()
      "tpu.region"() ({
        %run_scoped3A = tpu.sem_alloc : memref<!tpu.dma_semaphore, #tpu.memory_space<semaphore_mem>>
        %dma_start3A_56 = tpu.memref_slice %arg4[%multiple_of3A_51] : memref<323584xi32, #tpu.memory_space<hbm>> -> memref<128xi32, #tpu.memory_space<hbm>>
        %dma_start3A_57 = tpu.memref_slice %arg4[%multiple_of3A_51] : memref<323584xi32, #tpu.memory_space<hbm>> -> memref<128xi32, #tpu.memory_space<hbm>>
        tpu.enqueue_dma source(%dma_start3A_57 : memref<128xi32, #tpu.memory_space<hbm>>) target(%arg8 : memref<128xi32, #tpu.memory_space<vmem>>) target_semaphore(%run_scoped3A : memref<!tpu.dma_semaphore, #tpu.memory_space<semaphore_mem>>)
        %dma_wait3A_58 = tpu.memref_slice %arg4[%multiple_of3A_51] : memref<323584xi32, #tpu.memory_space<hbm>> -> memref<128xi32, #tpu.memory_space<hbm>>
        %dma_wait3A_59 = tpu.memref_slice %arg4[%multiple_of3A_51] : memref<323584xi32, #tpu.memory_space<hbm>> -> memref<128xi32, #tpu.memory_space<hbm>>
        tpu.wait_dma2 semaphore(%run_scoped3A : memref<!tpu.dma_semaphore, #tpu.memory_space<semaphore_mem>>) src(%dma_wait3A_59 : memref<128xi32, #tpu.memory_space<hbm>>) dst(%arg8 : memref<128xi32, #tpu.memory_space<vmem>>)
        tpu.yield
      }) : () -> ()
      %dma_start3A = arith.constant 0 : i32
      %dma_start3A_52 = arith.constant 0 : i32
      %dma_start3A_53 = tpu.memref_slice %arg2[%dma_start3A, %dma_start3A_52] : memref<10000x128xf32, #tpu.memory_space<hbm>> -> memref<10000x128xf32, #tpu.memory_space<hbm>>
      tpu.enqueue_indirect_dma source(%dma_start3A_53 : memref<10000x128xf32, #tpu.memory_space<hbm>>) target(%arg9 : memref<128x128xf32, #tpu.memory_space<vmem>>) offsets(%arg7 : memref<128xi32, #tpu.memory_space<vmem>>) semaphore(%arg11 : memref<!tpu.dma_semaphore, #tpu.memory_space<semaphore_mem>>)
      %dma_wait3A = arith.constant 0 : i32
      %dma_wait3A_54 = arith.constant 0 : i32
      %dma_wait3A_55 = tpu.memref_slice %arg2[%dma_wait3A, %dma_wait3A_54] : memref<10000x128xf32, #tpu.memory_space<hbm>> -> memref<10000x128xf32, #tpu.memory_space<hbm>>
      tpu.wait_indirect_dma semaphore(%arg11 : memref<!tpu.dma_semaphore, #tpu.memory_space<semaphore_mem>>) src(%dma_wait3A_55 : memref<10000x128xf32, #tpu.memory_space<hbm>>) dst(%arg9 : memref<128x128xf32, #tpu.memory_space<vmem>>)
      "tpu.region"() ({
        %run_scoped3A = tpu.sem_alloc : memref<!tpu.dma_semaphore, #tpu.memory_space<semaphore_mem>>
        %dma_start3A_56 = arith.constant 0 : i32
        %dma_start3A_57 = arith.constant 0 : i32
        %dma_start3A_58 = tpu.memref_slice %arg10[%dma_start3A_56, %dma_start3A_57] : memref<10112x128xf32, #tpu.memory_space<vmem_shared>> -> memref<10112x128xf32, #tpu.memory_space<vmem_shared>>
        tpu.enqueue_indirect_dma source(%arg9 : memref<128x128xf32, #tpu.memory_space<vmem>>) target(%dma_start3A_58 : memref<10112x128xf32, #tpu.memory_space<vmem_shared>>) offsets(%arg8 : memref<128xi32, #tpu.memory_space<vmem>>) semaphore(%run_scoped3A : memref<!tpu.dma_semaphore, #tpu.memory_space<semaphore_mem>>) {add = true}
        %dma_wait3A_59 = arith.constant 0 : i32
        %dma_wait3A_60 = arith.constant 0 : i32
        %dma_wait3A_61 = tpu.memref_slice %arg10[%dma_wait3A_59, %dma_wait3A_60] : memref<10112x128xf32, #tpu.memory_space<vmem_shared>> -> memref<10112x128xf32, #tpu.memory_space<vmem_shared>>
        tpu.wait_indirect_dma semaphore(%run_scoped3A : memref<!tpu.dma_semaphore, #tpu.memory_space<semaphore_mem>>) src(%arg9 : memref<128x128xf32, #tpu.memory_space<vmem>>) dst(%dma_wait3A_61 : memref<10112x128xf32, #tpu.memory_space<vmem_shared>>)
        tpu.yield
      }) : () -> ()
    }
    %scan3A_17 = arith.constant 79 : i32
    %barrier3A_18 = arith.constant 0 : index
    tpu.barrier barrier_id(%barrier3A_18)
    %mul3A_19 = arith.constant 10112 : i32
    %mul3A_20 = arith.muli %arg0, %mul3A_19 : i32
    %mul3A_21 = arith.constant 632 : i32
    %mul3A_22 = arith.muli %arg1, %mul3A_21 : i32
    %add3A_23 = arith.addi %mul3A_20, %mul3A_22 : i32
    %multiple_of3A_24 = tpu.assume_multiple %add3A_23, 8 : i32
    %add3A_25 = arith.constant 0 : i32
    %add3A_26 = arith.addi %multiple_of3A, %add3A_25 : i32
    "tpu.region"() ({
      %run_scoped3A = tpu.sem_alloc : memref<!tpu.dma_semaphore, #tpu.memory_space<semaphore_mem>>
      %dma_start3A = arith.constant 0 : i32
      %dma_start3A_45 = arith.constant 0 : i32
      %dma_start3A_46 = tpu.memref_slice %arg9[%dma_start3A, %dma_start3A_45] : memref<128x128xf32, #tpu.memory_space<vmem>> -> memref<128x128xf32, #tpu.memory_space<vmem>>
      %dma_start3A_47 = arith.constant 0 : i32
      %dma_start3A_48 = tpu.memref_slice %arg10[%add3A_26, %dma_start3A_47] : memref<10112x128xf32, #tpu.memory_space<vmem_shared>> -> memref<128x128xf32, #tpu.memory_space<vmem_shared>>
      %dma_start3A_49 = arith.constant 0 : i32
      %dma_start3A_50 = arith.constant 0 : i32
      %dma_start3A_51 = tpu.memref_slice %arg9[%dma_start3A_49, %dma_start3A_50] : memref<128x128xf32, #tpu.memory_space<vmem>> -> memref<128x128xf32, #tpu.memory_space<vmem>>
      %dma_start3A_52 = arith.constant 0 : i32
      %dma_start3A_53 = tpu.memref_slice %arg10[%add3A_26, %dma_start3A_52] : memref<10112x128xf32, #tpu.memory_space<vmem_shared>> -> memref<128x128xf32, #tpu.memory_space<vmem_shared>>
      tpu.enqueue_dma source(%dma_start3A_53 : memref<128x128xf32, #tpu.memory_space<vmem_shared>>) target(%dma_start3A_51 : memref<128x128xf32, #tpu.memory_space<vmem>>) target_semaphore(%run_scoped3A : memref<!tpu.dma_semaphore, #tpu.memory_space<semaphore_mem>>)
      %dma_wait3A = arith.constant 0 : i32
      %dma_wait3A_54 = arith.constant 0 : i32
      %dma_wait3A_55 = tpu.memref_slice %arg9[%dma_wait3A, %dma_wait3A_54] : memref<128x128xf32, #tpu.memory_space<vmem>> -> memref<128x128xf32, #tpu.memory_space<vmem>>
      %dma_wait3A_56 = arith.constant 0 : i32
      %dma_wait3A_57 = tpu.memref_slice %arg10[%add3A_26, %dma_wait3A_56] : memref<10112x128xf32, #tpu.memory_space<vmem_shared>> -> memref<128x128xf32, #tpu.memory_space<vmem_shared>>
      %dma_wait3A_58 = arith.constant 0 : i32
      %dma_wait3A_59 = arith.constant 0 : i32
      %dma_wait3A_60 = tpu.memref_slice %arg9[%dma_wait3A_58, %dma_wait3A_59] : memref<128x128xf32, #tpu.memory_space<vmem>> -> memref<128x128xf32, #tpu.memory_space<vmem>>
      %dma_wait3A_61 = arith.constant 0 : i32
      %dma_wait3A_62 = tpu.memref_slice %arg10[%add3A_26, %dma_wait3A_61] : memref<10112x128xf32, #tpu.memory_space<vmem_shared>> -> memref<128x128xf32, #tpu.memory_space<vmem_shared>>
      tpu.wait_dma2 semaphore(%run_scoped3A : memref<!tpu.dma_semaphore, #tpu.memory_space<semaphore_mem>>) src(%dma_wait3A_62 : memref<128x128xf32, #tpu.memory_space<vmem_shared>>) dst(%dma_wait3A_60 : memref<128x128xf32, #tpu.memory_space<vmem>>)
      tpu.yield
    }) : () -> ()
    %add3A_27 = arith.constant 0 : i32
    %add3A_28 = arith.addi %multiple_of3A_24, %add3A_27 : i32
    "tpu.region"() ({
      %run_scoped3A = tpu.sem_alloc : memref<!tpu.dma_semaphore, #tpu.memory_space<semaphore_mem>>
      %dma_start3A = arith.constant 0 : i32
      %dma_start3A_45 = arith.constant 0 : i32
      %dma_start3A_46 = tpu.memref_slice %arg9[%dma_start3A, %dma_start3A_45] : memref<128x128xf32, #tpu.memory_space<vmem>> -> memref<128x128xf32, #tpu.memory_space<vmem>>
      %dma_start3A_47 = arith.constant 0 : i32
      %dma_start3A_48 = tpu.memref_slice %arg6[%add3A_28, %dma_start3A_47] : memref<20224x128xf32, #tpu.memory_space<hbm>> -> memref<128x128xf32, #tpu.memory_space<hbm>>
      %dma_start3A_49 = arith.constant 0 : i32
      %dma_start3A_50 = tpu.memref_slice %arg6[%add3A_28, %dma_start3A_49] : memref<20224x128xf32, #tpu.memory_space<hbm>> -> memref<128x128xf32, #tpu.memory_space<hbm>>
      %dma_start3A_51 = arith.constant 0 : i32
      %dma_start3A_52 = arith.constant 0 : i32
      %dma_start3A_53 = tpu.memref_slice %arg9[%dma_start3A_51, %dma_start3A_52] : memref<128x128xf32, #tpu.memory_space<vmem>> -> memref<128x128xf32, #tpu.memory_space<vmem>>
      tpu.enqueue_dma source(%dma_start3A_53 : memref<128x128xf32, #tpu.memory_space<vmem>>) target(%dma_start3A_50 : memref<128x128xf32, #tpu.memory_space<hbm>>) target_semaphore(%run_scoped3A : memref<!tpu.dma_semaphore, #tpu.memory_space<semaphore_mem>>)
      %dma_wait3A = arith.constant 0 : i32
      %dma_wait3A_54 = arith.constant 0 : i32
      %dma_wait3A_55 = tpu.memref_slice %arg9[%dma_wait3A, %dma_wait3A_54] : memref<128x128xf32, #tpu.memory_space<vmem>> -> memref<128x128xf32, #tpu.memory_space<vmem>>
      %dma_wait3A_56 = arith.constant 0 : i32
      %dma_wait3A_57 = tpu.memref_slice %arg6[%add3A_28, %dma_wait3A_56] : memref<20224x128xf32, #tpu.memory_space<hbm>> -> memref<128x128xf32, #tpu.memory_space<hbm>>
      %dma_wait3A_58 = arith.constant 0 : i32
      %dma_wait3A_59 = tpu.memref_slice %arg6[%add3A_28, %dma_wait3A_58] : memref<20224x128xf32, #tpu.memory_space<hbm>> -> memref<128x128xf32, #tpu.memory_space<hbm>>
      %dma_wait3A_60 = arith.constant 0 : i32
      %dma_wait3A_61 = arith.constant 0 : i32
      %dma_wait3A_62 = tpu.memref_slice %arg9[%dma_wait3A_60, %dma_wait3A_61] : memref<128x128xf32, #tpu.memory_space<vmem>> -> memref<128x128xf32, #tpu.memory_space<vmem>>
      tpu.wait_dma2 semaphore(%run_scoped3A : memref<!tpu.dma_semaphore, #tpu.memory_space<semaphore_mem>>) src(%dma_wait3A_62 : memref<128x128xf32, #tpu.memory_space<vmem>>) dst(%dma_wait3A_59 : memref<128x128xf32, #tpu.memory_space<hbm>>)
      tpu.yield
    }) : () -> ()
    %add3A_29 = arith.constant 128 : i32
    %add3A_30 = arith.addi %multiple_of3A, %add3A_29 : i32
    "tpu.region"() ({
      %run_scoped3A = tpu.sem_alloc : memref<!tpu.dma_semaphore, #tpu.memory_space<semaphore_mem>>
      %dma_start3A = arith.constant 0 : i32
      %dma_start3A_45 = arith.constant 0 : i32
      %dma_start3A_46 = tpu.memref_slice %arg9[%dma_start3A, %dma_start3A_45] : memref<128x128xf32, #tpu.memory_space<vmem>> -> memref<128x128xf32, #tpu.memory_space<vmem>>
      %dma_start3A_47 = arith.constant 0 : i32
      %dma_start3A_48 = tpu.memref_slice %arg10[%add3A_30, %dma_start3A_47] : memref<10112x128xf32, #tpu.memory_space<vmem_shared>> -> memref<128x128xf32, #tpu.memory_space<vmem_shared>>
      %dma_start3A_49 = arith.constant 0 : i32
      %dma_start3A_50 = arith.constant 0 : i32
      %dma_start3A_51 = tpu.memref_slice %arg9[%dma_start3A_49, %dma_start3A_50] : memref<128x128xf32, #tpu.memory_space<vmem>> -> memref<128x128xf32, #tpu.memory_space<vmem>>
      %dma_start3A_52 = arith.constant 0 : i32
      %dma_start3A_53 = tpu.memref_slice %arg10[%add3A_30, %dma_start3A_52] : memref<10112x128xf32, #tpu.memory_space<vmem_shared>> -> memref<128x128xf32, #tpu.memory_space<vmem_shared>>
      tpu.enqueue_dma source(%dma_start3A_53 : memref<128x128xf32, #tpu.memory_space<vmem_shared>>) target(%dma_start3A_51 : memref<128x128xf32, #tpu.memory_space<vmem>>) target_semaphore(%run_scoped3A : memref<!tpu.dma_semaphore, #tpu.memory_space<semaphore_mem>>)
      %dma_wait3A = arith.constant 0 : i32
      %dma_wait3A_54 = arith.constant 0 : i32
      %dma_wait3A_55 = tpu.memref_slice %arg9[%dma_wait3A, %dma_wait3A_54] : memref<128x128xf32, #tpu.memory_space<vmem>> -> memref<128x128xf32, #tpu.memory_space<vmem>>
      %dma_wait3A_56 = arith.constant 0 : i32
      %dma_wait3A_57 = tpu.memref_slice %arg10[%add3A_30, %dma_wait3A_56] : memref<10112x128xf32, #tpu.memory_space<vmem_shared>> -> memref<128x128xf32, #tpu.memory_space<vmem_shared>>
      %dma_wait3A_58 = arith.constant 0 : i32
      %dma_wait3A_59 = arith.constant 0 : i32
      %dma_wait3A_60 = tpu.memref_slice %arg9[%dma_wait3A_58, %dma_wait3A_59] : memref<128x128xf32, #tpu.memory_space<vmem>> -> memref<128x128xf32, #tpu.memory_space<vmem>>
      %dma_wait3A_61 = arith.constant 0 : i32
      %dma_wait3A_62 = tpu.memref_slice %arg10[%add3A_30, %dma_wait3A_61] : memref<10112x128xf32, #tpu.memory_space<vmem_shared>> -> memref<128x128xf32, #tpu.memory_space<vmem_shared>>
      tpu.wait_dma2 semaphore(%run_scoped3A : memref<!tpu.dma_semaphore, #tpu.memory_space<semaphore_mem>>) src(%dma_wait3A_62 : memref<128x128xf32, #tpu.memory_space<vmem_shared>>) dst(%dma_wait3A_60 : memref<128x128xf32, #tpu.memory_space<vmem>>)
      tpu.yield
    }) : () -> ()
    %add3A_31 = arith.constant 128 : i32
    %add3A_32 = arith.addi %multiple_of3A_24, %add3A_31 : i32
    "tpu.region"() ({
      %run_scoped3A = tpu.sem_alloc : memref<!tpu.dma_semaphore, #tpu.memory_space<semaphore_mem>>
      %dma_start3A = arith.constant 0 : i32
      %dma_start3A_45 = arith.constant 0 : i32
      %dma_start3A_46 = tpu.memref_slice %arg9[%dma_start3A, %dma_start3A_45] : memref<128x128xf32, #tpu.memory_space<vmem>> -> memref<128x128xf32, #tpu.memory_space<vmem>>
      %dma_start3A_47 = arith.constant 0 : i32
      %dma_start3A_48 = tpu.memref_slice %arg6[%add3A_32, %dma_start3A_47] : memref<20224x128xf32, #tpu.memory_space<hbm>> -> memref<128x128xf32, #tpu.memory_space<hbm>>
      %dma_start3A_49 = arith.constant 0 : i32
      %dma_start3A_50 = tpu.memref_slice %arg6[%add3A_32, %dma_start3A_49] : memref<20224x128xf32, #tpu.memory_space<hbm>> -> memref<128x128xf32, #tpu.memory_space<hbm>>
      %dma_start3A_51 = arith.constant 0 : i32
      %dma_start3A_52 = arith.constant 0 : i32
      %dma_start3A_53 = tpu.memref_slice %arg9[%dma_start3A_51, %dma_start3A_52] : memref<128x128xf32, #tpu.memory_space<vmem>> -> memref<128x128xf32, #tpu.memory_space<vmem>>
      tpu.enqueue_dma source(%dma_start3A_53 : memref<128x128xf32, #tpu.memory_space<vmem>>) target(%dma_start3A_50 : memref<128x128xf32, #tpu.memory_space<hbm>>) target_semaphore(%run_scoped3A : memref<!tpu.dma_semaphore, #tpu.memory_space<semaphore_mem>>)
      %dma_wait3A = arith.constant 0 : i32
      %dma_wait3A_54 = arith.constant 0 : i32
      %dma_wait3A_55 = tpu.memref_slice %arg9[%dma_wait3A, %dma_wait3A_54] : memref<128x128xf32, #tpu.memory_space<vmem>> -> memref<128x128xf32, #tpu.memory_space<vmem>>
      %dma_wait3A_56 = arith.constant 0 : i32
      %dma_wait3A_57 = tpu.memref_slice %arg6[%add3A_32, %dma_wait3A_56] : memref<20224x128xf32, #tpu.memory_space<hbm>> -> memref<128x128xf32, #tpu.memory_space<hbm>>
      %dma_wait3A_58 = arith.constant 0 : i32
      %dma_wait3A_59 = tpu.memref_slice %arg6[%add3A_32, %dma_wait3A_58] : memref<20224x128xf32, #tpu.memory_space<hbm>> -> memref<128x128xf32, #tpu.memory_space<hbm>>
      %dma_wait3A_60 = arith.constant 0 : i32
      %dma_wait3A_61 = arith.constant 0 : i32
      %dma_wait3A_62 = tpu.memref_slice %arg9[%dma_wait3A_60, %dma_wait3A_61] : memref<128x128xf32, #tpu.memory_space<vmem>> -> memref<128x128xf32, #tpu.memory_space<vmem>>
      tpu.wait_dma2 semaphore(%run_scoped3A : memref<!tpu.dma_semaphore, #tpu.memory_space<semaphore_mem>>) src(%dma_wait3A_62 : memref<128x128xf32, #tpu.memory_space<vmem>>) dst(%dma_wait3A_59 : memref<128x128xf32, #tpu.memory_space<hbm>>)
      tpu.yield
    }) : () -> ()
    %add3A_33 = arith.constant 256 : i32
    %add3A_34 = arith.addi %multiple_of3A, %add3A_33 : i32
    "tpu.region"() ({
      %run_scoped3A = tpu.sem_alloc : memref<!tpu.dma_semaphore, #tpu.memory_space<semaphore_mem>>
      %dma_start3A = arith.constant 0 : i32
      %dma_start3A_45 = arith.constant 0 : i32
      %dma_start3A_46 = tpu.memref_slice %arg9[%dma_start3A, %dma_start3A_45] : memref<128x128xf32, #tpu.memory_space<vmem>> -> memref<128x128xf32, #tpu.memory_space<vmem>>
      %dma_start3A_47 = arith.constant 0 : i32
      %dma_start3A_48 = tpu.memref_slice %arg10[%add3A_34, %dma_start3A_47] : memref<10112x128xf32, #tpu.memory_space<vmem_shared>> -> memref<128x128xf32, #tpu.memory_space<vmem_shared>>
      %dma_start3A_49 = arith.constant 0 : i32
      %dma_start3A_50 = arith.constant 0 : i32
      %dma_start3A_51 = tpu.memref_slice %arg9[%dma_start3A_49, %dma_start3A_50] : memref<128x128xf32, #tpu.memory_space<vmem>> -> memref<128x128xf32, #tpu.memory_space<vmem>>
      %dma_start3A_52 = arith.constant 0 : i32
      %dma_start3A_53 = tpu.memref_slice %arg10[%add3A_34, %dma_start3A_52] : memref<10112x128xf32, #tpu.memory_space<vmem_shared>> -> memref<128x128xf32, #tpu.memory_space<vmem_shared>>
      tpu.enqueue_dma source(%dma_start3A_53 : memref<128x128xf32, #tpu.memory_space<vmem_shared>>) target(%dma_start3A_51 : memref<128x128xf32, #tpu.memory_space<vmem>>) target_semaphore(%run_scoped3A : memref<!tpu.dma_semaphore, #tpu.memory_space<semaphore_mem>>)
      %dma_wait3A = arith.constant 0 : i32
      %dma_wait3A_54 = arith.constant 0 : i32
      %dma_wait3A_55 = tpu.memref_slice %arg9[%dma_wait3A, %dma_wait3A_54] : memref<128x128xf32, #tpu.memory_space<vmem>> -> memref<128x128xf32, #tpu.memory_space<vmem>>
      %dma_wait3A_56 = arith.constant 0 : i32
      %dma_wait3A_57 = tpu.memref_slice %arg10[%add3A_34, %dma_wait3A_56] : memref<10112x128xf32, #tpu.memory_space<vmem_shared>> -> memref<128x128xf32, #tpu.memory_space<vmem_shared>>
      %dma_wait3A_58 = arith.constant 0 : i32
      %dma_wait3A_59 = arith.constant 0 : i32
      %dma_wait3A_60 = tpu.memref_slice %arg9[%dma_wait3A_58, %dma_wait3A_59] : memref<128x128xf32, #tpu.memory_space<vmem>> -> memref<128x128xf32, #tpu.memory_space<vmem>>
      %dma_wait3A_61 = arith.constant 0 : i32
      %dma_wait3A_62 = tpu.memref_slice %arg10[%add3A_34, %dma_wait3A_61] : memref<10112x128xf32, #tpu.memory_space<vmem_shared>> -> memref<128x128xf32, #tpu.memory_space<vmem_shared>>
      tpu.wait_dma2 semaphore(%run_scoped3A : memref<!tpu.dma_semaphore, #tpu.memory_space<semaphore_mem>>) src(%dma_wait3A_62 : memref<128x128xf32, #tpu.memory_space<vmem_shared>>) dst(%dma_wait3A_60 : memref<128x128xf32, #tpu.memory_space<vmem>>)
      tpu.yield
    }) : () -> ()
    %add3A_35 = arith.constant 256 : i32
    %add3A_36 = arith.addi %multiple_of3A_24, %add3A_35 : i32
    "tpu.region"() ({
      %run_scoped3A = tpu.sem_alloc : memref<!tpu.dma_semaphore, #tpu.memory_space<semaphore_mem>>
      %dma_start3A = arith.constant 0 : i32
      %dma_start3A_45 = arith.constant 0 : i32
      %dma_start3A_46 = tpu.memref_slice %arg9[%dma_start3A, %dma_start3A_45] : memref<128x128xf32, #tpu.memory_space<vmem>> -> memref<128x128xf32, #tpu.memory_space<vmem>>
      %dma_start3A_47 = arith.constant 0 : i32
      %dma_start3A_48 = tpu.memref_slice %arg6[%add3A_36, %dma_start3A_47] : memref<20224x128xf32, #tpu.memory_space<hbm>> -> memref<128x128xf32, #tpu.memory_space<hbm>>
      %dma_start3A_49 = arith.constant 0 : i32
      %dma_start3A_50 = tpu.memref_slice %arg6[%add3A_36, %dma_start3A_49] : memref<20224x128xf32, #tpu.memory_space<hbm>> -> memref<128x128xf32, #tpu.memory_space<hbm>>
      %dma_start3A_51 = arith.constant 0 : i32
      %dma_start3A_52 = arith.constant 0 : i32
      %dma_start3A_53 = tpu.memref_slice %arg9[%dma_start3A_51, %dma_start3A_52] : memref<128x128xf32, #tpu.memory_space<vmem>> -> memref<128x128xf32, #tpu.memory_space<vmem>>
      tpu.enqueue_dma source(%dma_start3A_53 : memref<128x128xf32, #tpu.memory_space<vmem>>) target(%dma_start3A_50 : memref<128x128xf32, #tpu.memory_space<hbm>>) target_semaphore(%run_scoped3A : memref<!tpu.dma_semaphore, #tpu.memory_space<semaphore_mem>>)
      %dma_wait3A = arith.constant 0 : i32
      %dma_wait3A_54 = arith.constant 0 : i32
      %dma_wait3A_55 = tpu.memref_slice %arg9[%dma_wait3A, %dma_wait3A_54] : memref<128x128xf32, #tpu.memory_space<vmem>> -> memref<128x128xf32, #tpu.memory_space<vmem>>
      %dma_wait3A_56 = arith.constant 0 : i32
      %dma_wait3A_57 = tpu.memref_slice %arg6[%add3A_36, %dma_wait3A_56] : memref<20224x128xf32, #tpu.memory_space<hbm>> -> memref<128x128xf32, #tpu.memory_space<hbm>>
      %dma_wait3A_58 = arith.constant 0 : i32
      %dma_wait3A_59 = tpu.memref_slice %arg6[%add3A_36, %dma_wait3A_58] : memref<20224x128xf32, #tpu.memory_space<hbm>> -> memref<128x128xf32, #tpu.memory_space<hbm>>
      %dma_wait3A_60 = arith.constant 0 : i32
      %dma_wait3A_61 = arith.constant 0 : i32
      %dma_wait3A_62 = tpu.memref_slice %arg9[%dma_wait3A_60, %dma_wait3A_61] : memref<128x128xf32, #tpu.memory_space<vmem>> -> memref<128x128xf32, #tpu.memory_space<vmem>>
      tpu.wait_dma2 semaphore(%run_scoped3A : memref<!tpu.dma_semaphore, #tpu.memory_space<semaphore_mem>>) src(%dma_wait3A_62 : memref<128x128xf32, #tpu.memory_space<vmem>>) dst(%dma_wait3A_59 : memref<128x128xf32, #tpu.memory_space<hbm>>)
      tpu.yield
    }) : () -> ()
    %add3A_37 = arith.constant 384 : i32
    %add3A_38 = arith.addi %multiple_of3A, %add3A_37 : i32
    "tpu.region"() ({
      %run_scoped3A = tpu.sem_alloc : memref<!tpu.dma_semaphore, #tpu.memory_space<semaphore_mem>>
      %dma_start3A = arith.constant 0 : i32
      %dma_start3A_45 = arith.constant 0 : i32
      %dma_start3A_46 = tpu.memref_slice %arg9[%dma_start3A, %dma_start3A_45] : memref<128x128xf32, #tpu.memory_space<vmem>> -> memref<128x128xf32, #tpu.memory_space<vmem>>
      %dma_start3A_47 = arith.constant 0 : i32
      %dma_start3A_48 = tpu.memref_slice %arg10[%add3A_38, %dma_start3A_47] : memref<10112x128xf32, #tpu.memory_space<vmem_shared>> -> memref<128x128xf32, #tpu.memory_space<vmem_shared>>
      %dma_start3A_49 = arith.constant 0 : i32
      %dma_start3A_50 = arith.constant 0 : i32
      %dma_start3A_51 = tpu.memref_slice %arg9[%dma_start3A_49, %dma_start3A_50] : memref<128x128xf32, #tpu.memory_space<vmem>> -> memref<128x128xf32, #tpu.memory_space<vmem>>
      %dma_start3A_52 = arith.constant 0 : i32
      %dma_start3A_53 = tpu.memref_slice %arg10[%add3A_38, %dma_start3A_52] : memref<10112x128xf32, #tpu.memory_space<vmem_shared>> -> memref<128x128xf32, #tpu.memory_space<vmem_shared>>
      tpu.enqueue_dma source(%dma_start3A_53 : memref<128x128xf32, #tpu.memory_space<vmem_shared>>) target(%dma_start3A_51 : memref<128x128xf32, #tpu.memory_space<vmem>>) target_semaphore(%run_scoped3A : memref<!tpu.dma_semaphore, #tpu.memory_space<semaphore_mem>>)
      %dma_wait3A = arith.constant 0 : i32
      %dma_wait3A_54 = arith.constant 0 : i32
      %dma_wait3A_55 = tpu.memref_slice %arg9[%dma_wait3A, %dma_wait3A_54] : memref<128x128xf32, #tpu.memory_space<vmem>> -> memref<128x128xf32, #tpu.memory_space<vmem>>
      %dma_wait3A_56 = arith.constant 0 : i32
      %dma_wait3A_57 = tpu.memref_slice %arg10[%add3A_38, %dma_wait3A_56] : memref<10112x128xf32, #tpu.memory_space<vmem_shared>> -> memref<128x128xf32, #tpu.memory_space<vmem_shared>>
      %dma_wait3A_58 = arith.constant 0 : i32
      %dma_wait3A_59 = arith.constant 0 : i32
      %dma_wait3A_60 = tpu.memref_slice %arg9[%dma_wait3A_58, %dma_wait3A_59] : memref<128x128xf32, #tpu.memory_space<vmem>> -> memref<128x128xf32, #tpu.memory_space<vmem>>
      %dma_wait3A_61 = arith.constant 0 : i32
      %dma_wait3A_62 = tpu.memref_slice %arg10[%add3A_38, %dma_wait3A_61] : memref<10112x128xf32, #tpu.memory_space<vmem_shared>> -> memref<128x128xf32, #tpu.memory_space<vmem_shared>>
      tpu.wait_dma2 semaphore(%run_scoped3A : memref<!tpu.dma_semaphore, #tpu.memory_space<semaphore_mem>>) src(%dma_wait3A_62 : memref<128x128xf32, #tpu.memory_space<vmem_shared>>) dst(%dma_wait3A_60 : memref<128x128xf32, #tpu.memory_space<vmem>>)
      tpu.yield
    }) : () -> ()
    %add3A_39 = arith.constant 384 : i32
    %add3A_40 = arith.addi %multiple_of3A_24, %add3A_39 : i32
    "tpu.region"() ({
      %run_scoped3A = tpu.sem_alloc : memref<!tpu.dma_semaphore, #tpu.memory_space<semaphore_mem>>
      %dma_start3A = arith.constant 0 : i32
      %dma_start3A_45 = arith.constant 0 : i32
      %dma_start3A_46 = tpu.memref_slice %arg9[%dma_start3A, %dma_start3A_45] : memref<128x128xf32, #tpu.memory_space<vmem>> -> memref<128x128xf32, #tpu.memory_space<vmem>>
      %dma_start3A_47 = arith.constant 0 : i32
      %dma_start3A_48 = tpu.memref_slice %arg6[%add3A_40, %dma_start3A_47] : memref<20224x128xf32, #tpu.memory_space<hbm>> -> memref<128x128xf32, #tpu.memory_space<hbm>>
      %dma_start3A_49 = arith.constant 0 : i32
      %dma_start3A_50 = tpu.memref_slice %arg6[%add3A_40, %dma_start3A_49] : memref<20224x128xf32, #tpu.memory_space<hbm>> -> memref<128x128xf32, #tpu.memory_space<hbm>>
      %dma_start3A_51 = arith.constant 0 : i32
      %dma_start3A_52 = arith.constant 0 : i32
      %dma_start3A_53 = tpu.memref_slice %arg9[%dma_start3A_51, %dma_start3A_52] : memref<128x128xf32, #tpu.memory_space<vmem>> -> memref<128x128xf32, #tpu.memory_space<vmem>>
      tpu.enqueue_dma source(%dma_start3A_53 : memref<128x128xf32, #tpu.memory_space<vmem>>) target(%dma_start3A_50 : memref<128x128xf32, #tpu.memory_space<hbm>>) target_semaphore(%run_scoped3A : memref<!tpu.dma_semaphore, #tpu.memory_space<semaphore_mem>>)
      %dma_wait3A = arith.constant 0 : i32
      %dma_wait3A_54 = arith.constant 0 : i32
      %dma_wait3A_55 = tpu.memref_slice %arg9[%dma_wait3A, %dma_wait3A_54] : memref<128x128xf32, #tpu.memory_space<vmem>> -> memref<128x128xf32, #tpu.memory_space<vmem>>
      %dma_wait3A_56 = arith.constant 0 : i32
      %dma_wait3A_57 = tpu.memref_slice %arg6[%add3A_40, %dma_wait3A_56] : memref<20224x128xf32, #tpu.memory_space<hbm>> -> memref<128x128xf32, #tpu.memory_space<hbm>>
      %dma_wait3A_58 = arith.constant 0 : i32
      %dma_wait3A_59 = tpu.memref_slice %arg6[%add3A_40, %dma_wait3A_58] : memref<20224x128xf32, #tpu.memory_space<hbm>> -> memref<128x128xf32, #tpu.memory_space<hbm>>
      %dma_wait3A_60 = arith.constant 0 : i32
      %dma_wait3A_61 = arith.constant 0 : i32
      %dma_wait3A_62 = tpu.memref_slice %arg9[%dma_wait3A_60, %dma_wait3A_61] : memref<128x128xf32, #tpu.memory_space<vmem>> -> memref<128x128xf32, #tpu.memory_space<vmem>>
      tpu.wait_dma2 semaphore(%run_scoped3A : memref<!tpu.dma_semaphore, #tpu.memory_space<semaphore_mem>>) src(%dma_wait3A_62 : memref<128x128xf32, #tpu.memory_space<vmem>>) dst(%dma_wait3A_59 : memref<128x128xf32, #tpu.memory_space<hbm>>)
      tpu.yield
    }) : () -> ()
    %add3A_41 = arith.constant 512 : i32
    %add3A_42 = arith.addi %multiple_of3A, %add3A_41 : i32
    "tpu.region"() ({
      %run_scoped3A = tpu.sem_alloc : memref<!tpu.dma_semaphore, #tpu.memory_space<semaphore_mem>>
      %dma_start3A = arith.constant 0 : i32
      %dma_start3A_45 = arith.constant 0 : i32
      %dma_start3A_46 = tpu.memref_slice %arg9[%dma_start3A, %dma_start3A_45] : memref<128x128xf32, #tpu.memory_space<vmem>> -> memref<120x128xf32, #tpu.memory_space<vmem>>
      %dma_start3A_47 = arith.constant 0 : i32
      %dma_start3A_48 = tpu.memref_slice %arg10[%add3A_42, %dma_start3A_47] : memref<10112x128xf32, #tpu.memory_space<vmem_shared>> -> memref<120x128xf32, #tpu.memory_space<vmem_shared>>
      %dma_start3A_49 = arith.constant 0 : i32
      %dma_start3A_50 = arith.constant 0 : i32
      %dma_start3A_51 = tpu.memref_slice %arg9[%dma_start3A_49, %dma_start3A_50] : memref<128x128xf32, #tpu.memory_space<vmem>> -> memref<120x128xf32, #tpu.memory_space<vmem>>
      %dma_start3A_52 = arith.constant 0 : i32
      %dma_start3A_53 = tpu.memref_slice %arg10[%add3A_42, %dma_start3A_52] : memref<10112x128xf32, #tpu.memory_space<vmem_shared>> -> memref<120x128xf32, #tpu.memory_space<vmem_shared>>
      tpu.enqueue_dma source(%dma_start3A_53 : memref<120x128xf32, #tpu.memory_space<vmem_shared>>) target(%dma_start3A_51 : memref<120x128xf32, #tpu.memory_space<vmem>>) target_semaphore(%run_scoped3A : memref<!tpu.dma_semaphore, #tpu.memory_space<semaphore_mem>>)
      %dma_wait3A = arith.constant 0 : i32
      %dma_wait3A_54 = arith.constant 0 : i32
      %dma_wait3A_55 = tpu.memref_slice %arg9[%dma_wait3A, %dma_wait3A_54] : memref<128x128xf32, #tpu.memory_space<vmem>> -> memref<120x128xf32, #tpu.memory_space<vmem>>
      %dma_wait3A_56 = arith.constant 0 : i32
      %dma_wait3A_57 = tpu.memref_slice %arg10[%add3A_42, %dma_wait3A_56] : memref<10112x128xf32, #tpu.memory_space<vmem_shared>> -> memref<120x128xf32, #tpu.memory_space<vmem_shared>>
      %dma_wait3A_58 = arith.constant 0 : i32
      %dma_wait3A_59 = arith.constant 0 : i32
      %dma_wait3A_60 = tpu.memref_slice %arg9[%dma_wait3A_58, %dma_wait3A_59] : memref<128x128xf32, #tpu.memory_space<vmem>> -> memref<120x128xf32, #tpu.memory_space<vmem>>
      %dma_wait3A_61 = arith.constant 0 : i32
      %dma_wait3A_62 = tpu.memref_slice %arg10[%add3A_42, %dma_wait3A_61] : memref<10112x128xf32, #tpu.memory_space<vmem_shared>> -> memref<120x128xf32, #tpu.memory_space<vmem_shared>>
      tpu.wait_dma2 semaphore(%run_scoped3A : memref<!tpu.dma_semaphore, #tpu.memory_space<semaphore_mem>>) src(%dma_wait3A_62 : memref<120x128xf32, #tpu.memory_space<vmem_shared>>) dst(%dma_wait3A_60 : memref<120x128xf32, #tpu.memory_space<vmem>>)
      tpu.yield
    }) : () -> ()
    %add3A_43 = arith.constant 512 : i32
    %add3A_44 = arith.addi %multiple_of3A_24, %add3A_43 : i32
    "tpu.region"() ({
      %run_scoped3A = tpu.sem_alloc : memref<!tpu.dma_semaphore, #tpu.memory_space<semaphore_mem>>
      %dma_start3A = arith.constant 0 : i32
      %dma_start3A_45 = arith.constant 0 : i32
      %dma_start3A_46 = tpu.memref_slice %arg9[%dma_start3A, %dma_start3A_45] : memref<128x128xf32, #tpu.memory_space<vmem>> -> memref<120x128xf32, #tpu.memory_space<vmem>>
      %dma_start3A_47 = arith.constant 0 : i32
      %dma_start3A_48 = tpu.memref_slice %arg6[%add3A_44, %dma_start3A_47] : memref<20224x128xf32, #tpu.memory_space<hbm>> -> memref<120x128xf32, #tpu.memory_space<hbm>>
      %dma_start3A_49 = arith.constant 0 : i32
      %dma_start3A_50 = tpu.memref_slice %arg6[%add3A_44, %dma_start3A_49] : memref<20224x128xf32, #tpu.memory_space<hbm>> -> memref<120x128xf32, #tpu.memory_space<hbm>>
      %dma_start3A_51 = arith.constant 0 : i32
      %dma_start3A_52 = arith.constant 0 : i32
      %dma_start3A_53 = tpu.memref_slice %arg9[%dma_start3A_51, %dma_start3A_52] : memref<128x128xf32, #tpu.memory_space<vmem>> -> memref<120x128xf32, #tpu.memory_space<vmem>>
      tpu.enqueue_dma source(%dma_start3A_53 : memref<120x128xf32, #tpu.memory_space<vmem>>) target(%dma_start3A_50 : memref<120x128xf32, #tpu.memory_space<hbm>>) target_semaphore(%run_scoped3A : memref<!tpu.dma_semaphore, #tpu.memory_space<semaphore_mem>>)
      %dma_wait3A = arith.constant 0 : i32
      %dma_wait3A_54 = arith.constant 0 : i32
      %dma_wait3A_55 = tpu.memref_slice %arg9[%dma_wait3A, %dma_wait3A_54] : memref<128x128xf32, #tpu.memory_space<vmem>> -> memref<120x128xf32, #tpu.memory_space<vmem>>
      %dma_wait3A_56 = arith.constant 0 : i32
      %dma_wait3A_57 = tpu.memref_slice %arg6[%add3A_44, %dma_wait3A_56] : memref<20224x128xf32, #tpu.memory_space<hbm>> -> memref<120x128xf32, #tpu.memory_space<hbm>>
      %dma_wait3A_58 = arith.constant 0 : i32
      %dma_wait3A_59 = tpu.memref_slice %arg6[%add3A_44, %dma_wait3A_58] : memref<20224x128xf32, #tpu.memory_space<hbm>> -> memref<120x128xf32, #tpu.memory_space<hbm>>
      %dma_wait3A_60 = arith.constant 0 : i32
      %dma_wait3A_61 = arith.constant 0 : i32
      %dma_wait3A_62 = tpu.memref_slice %arg9[%dma_wait3A_60, %dma_wait3A_61] : memref<128x128xf32, #tpu.memory_space<vmem>> -> memref<120x128xf32, #tpu.memory_space<vmem>>
      tpu.wait_dma2 semaphore(%run_scoped3A : memref<!tpu.dma_semaphore, #tpu.memory_space<semaphore_mem>>) src(%dma_wait3A_62 : memref<120x128xf32, #tpu.memory_space<vmem>>) dst(%dma_wait3A_59 : memref<120x128xf32, #tpu.memory_space<hbm>>)
      tpu.yield
    }) : () -> ()
    return
  }
}

#map = affine_map<(d0, d1) -> (0, 0)>
#map1 = affine_map<(d0, d1) -> (0)>
module attributes {stable_mosaic.version = 14 : i64} {
  func.func @_sc_agg_body(%arg0: i32, %arg1: i32, %arg2: memref<10000x128xf32, #tpu.memory_space<hbm>>, %arg3: memref<323584xi32, #tpu.memory_space<hbm>>, %arg4: memref<323584xi32, #tpu.memory_space<hbm>>, %arg5: memref<10112x128xf32, #tpu.memory_space<hbm>>, %arg6: memref<20224x128xf32, #tpu.memory_space<hbm>>, %arg7: memref<128xi32, #tpu.memory_space<vmem>>, %arg8: memref<128xi32, #tpu.memory_space<vmem>>, %arg9: memref<128x128xf32, #tpu.memory_space<vmem>>, %arg10: memref<10112x128xf32, #tpu.memory_space<vmem_shared>>, %arg11: memref<!tpu.dma_semaphore, #tpu.memory_space<semaphore_mem>>) attributes {dimension_semantics = [#tpu.dimension_semantics<core_parallel>, #tpu.dimension_semantics<subcore_parallel>], iteration_bounds = array<i64: 2, 16>, scalar_prefetch = 0 : i64, scratch_operands = 5 : i64, tpu.core_type = #tpu.core_type<sc_vector_subcore>, window_params = [{transform_indices = #map}, {transform_indices = #map1}, {transform_indices = #map1}, {transform_indices = #map}, {transform_indices = #map}]} {
    %mul3A = arith.constant 2 : i32
    %mul3A_0 = arith.muli %arg1, %mul3A : i32
    %add3A = arith.addi %mul3A_0, %arg0 : i32
    %mul3A_1 = arith.constant 632 : i32
    %mul3A_2 = arith.muli %arg1, %mul3A_1 : i32
    %multiple_of3A = tpu.assume_multiple %mul3A_2, 8 : i32
    "tpu.region"() ({
      %run_scoped3A = tpu.sem_alloc : memref<!tpu.dma_semaphore, #tpu.memory_space<semaphore_mem>>
      %dma_start3A = arith.constant 0 : i32
      %dma_start3A_45 = arith.constant 0 : i32
      %dma_start3A_46 = tpu.memref_slice %arg5[%dma_start3A, %dma_start3A_45] : memref<10112x128xf32, #tpu.memory_space<hbm>> -> memref<128x128xf32, #tpu.memory_space<hbm>>
      %dma_start3A_47 = arith.constant 0 : i32
      %dma_start3A_48 = arith.constant 0 : i32
      %dma_start3A_49 = tpu.memref_slice %arg5[%dma_start3A_47, %dma_start3A_48] : memref<10112x128xf32, #tpu.memory_space<hbm>> -> memref<128x128xf32, #tpu.memory_space<hbm>>
      tpu.enqueue_dma source(%dma_start3A_49 : memref<128x128xf32, #tpu.memory_space<hbm>>) target(%arg9 : memref<128x128xf32, #tpu.memory_space<vmem>>) target_semaphore(%run_scoped3A : memref<!tpu.dma_semaphore, #tpu.memory_space<semaphore_mem>>)
      %dma_wait3A = arith.constant 0 : i32
      %dma_wait3A_50 = arith.constant 0 : i32
      %dma_wait3A_51 = tpu.memref_slice %arg5[%dma_wait3A, %dma_wait3A_50] : memref<10112x128xf32, #tpu.memory_space<hbm>> -> memref<128x128xf32, #tpu.memory_space<hbm>>
      %dma_wait3A_52 = arith.constant 0 : i32
      %dma_wait3A_53 = arith.constant 0 : i32
      %dma_wait3A_54 = tpu.memref_slice %arg5[%dma_wait3A_52, %dma_wait3A_53] : memref<10112x128xf32, #tpu.memory_space<hbm>> -> memref<128x128xf32, #tpu.memory_space<hbm>>
      tpu.wait_dma2 semaphore(%run_scoped3A : memref<!tpu.dma_semaphore, #tpu.memory_space<semaphore_mem>>) src(%dma_wait3A_54 : memref<128x128xf32, #tpu.memory_space<hbm>>) dst(%arg9 : memref<128x128xf32, #tpu.memory_space<vmem>>)
      tpu.yield
    }) : () -> ()
    %add3A_3 = arith.constant 0 : i32
    %add3A_4 = arith.addi %multiple_of3A, %add3A_3 : i32
    "tpu.region"() ({
      %run_scoped3A = tpu.sem_alloc : memref<!tpu.dma_semaphore, #tpu.memory_space<semaphore_mem>>
      %dma_start3A = arith.constant 0 : i32
      %dma_start3A_45 = arith.constant 0 : i32
      %dma_start3A_46 = tpu.memref_slice %arg9[%dma_start3A, %dma_start3A_45] : memref<128x128xf32, #tpu.memory_space<vmem>> -> memref<128x128xf32, #tpu.memory_space<vmem>>
      %dma_start3A_47 = arith.constant 0 : i32
      %dma_start3A_48 = tpu.memref_slice %arg10[%add3A_4, %dma_start3A_47] : memref<10112x128xf32, #tpu.memory_space<vmem_shared>> -> memref<128x128xf32, #tpu.memory_space<vmem_shared>>
      %dma_start3A_49 = arith.constant 0 : i32
      %dma_start3A_50 = tpu.memref_slice %arg10[%add3A_4, %dma_start3A_49] : memref<10112x128xf32, #tpu.memory_space<vmem_shared>> -> memref<128x128xf32, #tpu.memory_space<vmem_shared>>
      %dma_start3A_51 = arith.constant 0 : i32
      %dma_start3A_52 = arith.constant 0 : i32
      %dma_start3A_53 = tpu.memref_slice %arg9[%dma_start3A_51, %dma_start3A_52] : memref<128x128xf32, #tpu.memory_space<vmem>> -> memref<128x128xf32, #tpu.memory_space<vmem>>
      tpu.enqueue_dma source(%dma_start3A_53 : memref<128x128xf32, #tpu.memory_space<vmem>>) target(%dma_start3A_50 : memref<128x128xf32, #tpu.memory_space<vmem_shared>>) target_semaphore(%run_scoped3A : memref<!tpu.dma_semaphore, #tpu.memory_space<semaphore_mem>>)
      %dma_wait3A = arith.constant 0 : i32
      %dma_wait3A_54 = arith.constant 0 : i32
      %dma_wait3A_55 = tpu.memref_slice %arg9[%dma_wait3A, %dma_wait3A_54] : memref<128x128xf32, #tpu.memory_space<vmem>> -> memref<128x128xf32, #tpu.memory_space<vmem>>
      %dma_wait3A_56 = arith.constant 0 : i32
      %dma_wait3A_57 = tpu.memref_slice %arg10[%add3A_4, %dma_wait3A_56] : memref<10112x128xf32, #tpu.memory_space<vmem_shared>> -> memref<128x128xf32, #tpu.memory_space<vmem_shared>>
      %dma_wait3A_58 = arith.constant 0 : i32
      %dma_wait3A_59 = tpu.memref_slice %arg10[%add3A_4, %dma_wait3A_58] : memref<10112x128xf32, #tpu.memory_space<vmem_shared>> -> memref<128x128xf32, #tpu.memory_space<vmem_shared>>
      %dma_wait3A_60 = arith.constant 0 : i32
      %dma_wait3A_61 = arith.constant 0 : i32
      %dma_wait3A_62 = tpu.memref_slice %arg9[%dma_wait3A_60, %dma_wait3A_61] : memref<128x128xf32, #tpu.memory_space<vmem>> -> memref<128x128xf32, #tpu.memory_space<vmem>>
      tpu.wait_dma2 semaphore(%run_scoped3A : memref<!tpu.dma_semaphore, #tpu.memory_space<semaphore_mem>>) src(%dma_wait3A_62 : memref<128x128xf32, #tpu.memory_space<vmem>>) dst(%dma_wait3A_59 : memref<128x128xf32, #tpu.memory_space<vmem_shared>>)
      tpu.yield
    }) : () -> ()
    %add3A_5 = arith.constant 128 : i32
    %add3A_6 = arith.addi %multiple_of3A, %add3A_5 : i32
    "tpu.region"() ({
      %run_scoped3A = tpu.sem_alloc : memref<!tpu.dma_semaphore, #tpu.memory_space<semaphore_mem>>
      %dma_start3A = arith.constant 0 : i32
      %dma_start3A_45 = arith.constant 0 : i32
      %dma_start3A_46 = tpu.memref_slice %arg9[%dma_start3A, %dma_start3A_45] : memref<128x128xf32, #tpu.memory_space<vmem>> -> memref<128x128xf32, #tpu.memory_space<vmem>>
      %dma_start3A_47 = arith.constant 0 : i32
      %dma_start3A_48 = tpu.memref_slice %arg10[%add3A_6, %dma_start3A_47] : memref<10112x128xf32, #tpu.memory_space<vmem_shared>> -> memref<128x128xf32, #tpu.memory_space<vmem_shared>>
      %dma_start3A_49 = arith.constant 0 : i32
      %dma_start3A_50 = tpu.memref_slice %arg10[%add3A_6, %dma_start3A_49] : memref<10112x128xf32, #tpu.memory_space<vmem_shared>> -> memref<128x128xf32, #tpu.memory_space<vmem_shared>>
      %dma_start3A_51 = arith.constant 0 : i32
      %dma_start3A_52 = arith.constant 0 : i32
      %dma_start3A_53 = tpu.memref_slice %arg9[%dma_start3A_51, %dma_start3A_52] : memref<128x128xf32, #tpu.memory_space<vmem>> -> memref<128x128xf32, #tpu.memory_space<vmem>>
      tpu.enqueue_dma source(%dma_start3A_53 : memref<128x128xf32, #tpu.memory_space<vmem>>) target(%dma_start3A_50 : memref<128x128xf32, #tpu.memory_space<vmem_shared>>) target_semaphore(%run_scoped3A : memref<!tpu.dma_semaphore, #tpu.memory_space<semaphore_mem>>)
      %dma_wait3A = arith.constant 0 : i32
      %dma_wait3A_54 = arith.constant 0 : i32
      %dma_wait3A_55 = tpu.memref_slice %arg9[%dma_wait3A, %dma_wait3A_54] : memref<128x128xf32, #tpu.memory_space<vmem>> -> memref<128x128xf32, #tpu.memory_space<vmem>>
      %dma_wait3A_56 = arith.constant 0 : i32
      %dma_wait3A_57 = tpu.memref_slice %arg10[%add3A_6, %dma_wait3A_56] : memref<10112x128xf32, #tpu.memory_space<vmem_shared>> -> memref<128x128xf32, #tpu.memory_space<vmem_shared>>
      %dma_wait3A_58 = arith.constant 0 : i32
      %dma_wait3A_59 = tpu.memref_slice %arg10[%add3A_6, %dma_wait3A_58] : memref<10112x128xf32, #tpu.memory_space<vmem_shared>> -> memref<128x128xf32, #tpu.memory_space<vmem_shared>>
      %dma_wait3A_60 = arith.constant 0 : i32
      %dma_wait3A_61 = arith.constant 0 : i32
      %dma_wait3A_62 = tpu.memref_slice %arg9[%dma_wait3A_60, %dma_wait3A_61] : memref<128x128xf32, #tpu.memory_space<vmem>> -> memref<128x128xf32, #tpu.memory_space<vmem>>
      tpu.wait_dma2 semaphore(%run_scoped3A : memref<!tpu.dma_semaphore, #tpu.memory_space<semaphore_mem>>) src(%dma_wait3A_62 : memref<128x128xf32, #tpu.memory_space<vmem>>) dst(%dma_wait3A_59 : memref<128x128xf32, #tpu.memory_space<vmem_shared>>)
      tpu.yield
    }) : () -> ()
    %add3A_7 = arith.constant 256 : i32
    %add3A_8 = arith.addi %multiple_of3A, %add3A_7 : i32
    "tpu.region"() ({
      %run_scoped3A = tpu.sem_alloc : memref<!tpu.dma_semaphore, #tpu.memory_space<semaphore_mem>>
      %dma_start3A = arith.constant 0 : i32
      %dma_start3A_45 = arith.constant 0 : i32
      %dma_start3A_46 = tpu.memref_slice %arg9[%dma_start3A, %dma_start3A_45] : memref<128x128xf32, #tpu.memory_space<vmem>> -> memref<128x128xf32, #tpu.memory_space<vmem>>
      %dma_start3A_47 = arith.constant 0 : i32
      %dma_start3A_48 = tpu.memref_slice %arg10[%add3A_8, %dma_start3A_47] : memref<10112x128xf32, #tpu.memory_space<vmem_shared>> -> memref<128x128xf32, #tpu.memory_space<vmem_shared>>
      %dma_start3A_49 = arith.constant 0 : i32
      %dma_start3A_50 = tpu.memref_slice %arg10[%add3A_8, %dma_start3A_49] : memref<10112x128xf32, #tpu.memory_space<vmem_shared>> -> memref<128x128xf32, #tpu.memory_space<vmem_shared>>
      %dma_start3A_51 = arith.constant 0 : i32
      %dma_start3A_52 = arith.constant 0 : i32
      %dma_start3A_53 = tpu.memref_slice %arg9[%dma_start3A_51, %dma_start3A_52] : memref<128x128xf32, #tpu.memory_space<vmem>> -> memref<128x128xf32, #tpu.memory_space<vmem>>
      tpu.enqueue_dma source(%dma_start3A_53 : memref<128x128xf32, #tpu.memory_space<vmem>>) target(%dma_start3A_50 : memref<128x128xf32, #tpu.memory_space<vmem_shared>>) target_semaphore(%run_scoped3A : memref<!tpu.dma_semaphore, #tpu.memory_space<semaphore_mem>>)
      %dma_wait3A = arith.constant 0 : i32
      %dma_wait3A_54 = arith.constant 0 : i32
      %dma_wait3A_55 = tpu.memref_slice %arg9[%dma_wait3A, %dma_wait3A_54] : memref<128x128xf32, #tpu.memory_space<vmem>> -> memref<128x128xf32, #tpu.memory_space<vmem>>
      %dma_wait3A_56 = arith.constant 0 : i32
      %dma_wait3A_57 = tpu.memref_slice %arg10[%add3A_8, %dma_wait3A_56] : memref<10112x128xf32, #tpu.memory_space<vmem_shared>> -> memref<128x128xf32, #tpu.memory_space<vmem_shared>>
      %dma_wait3A_58 = arith.constant 0 : i32
      %dma_wait3A_59 = tpu.memref_slice %arg10[%add3A_8, %dma_wait3A_58] : memref<10112x128xf32, #tpu.memory_space<vmem_shared>> -> memref<128x128xf32, #tpu.memory_space<vmem_shared>>
      %dma_wait3A_60 = arith.constant 0 : i32
      %dma_wait3A_61 = arith.constant 0 : i32
      %dma_wait3A_62 = tpu.memref_slice %arg9[%dma_wait3A_60, %dma_wait3A_61] : memref<128x128xf32, #tpu.memory_space<vmem>> -> memref<128x128xf32, #tpu.memory_space<vmem>>
      tpu.wait_dma2 semaphore(%run_scoped3A : memref<!tpu.dma_semaphore, #tpu.memory_space<semaphore_mem>>) src(%dma_wait3A_62 : memref<128x128xf32, #tpu.memory_space<vmem>>) dst(%dma_wait3A_59 : memref<128x128xf32, #tpu.memory_space<vmem_shared>>)
      tpu.yield
    }) : () -> ()
    %add3A_9 = arith.constant 384 : i32
    %add3A_10 = arith.addi %multiple_of3A, %add3A_9 : i32
    "tpu.region"() ({
      %run_scoped3A = tpu.sem_alloc : memref<!tpu.dma_semaphore, #tpu.memory_space<semaphore_mem>>
      %dma_start3A = arith.constant 0 : i32
      %dma_start3A_45 = arith.constant 0 : i32
      %dma_start3A_46 = tpu.memref_slice %arg9[%dma_start3A, %dma_start3A_45] : memref<128x128xf32, #tpu.memory_space<vmem>> -> memref<128x128xf32, #tpu.memory_space<vmem>>
      %dma_start3A_47 = arith.constant 0 : i32
      %dma_start3A_48 = tpu.memref_slice %arg10[%add3A_10, %dma_start3A_47] : memref<10112x128xf32, #tpu.memory_space<vmem_shared>> -> memref<128x128xf32, #tpu.memory_space<vmem_shared>>
      %dma_start3A_49 = arith.constant 0 : i32
      %dma_start3A_50 = tpu.memref_slice %arg10[%add3A_10, %dma_start3A_49] : memref<10112x128xf32, #tpu.memory_space<vmem_shared>> -> memref<128x128xf32, #tpu.memory_space<vmem_shared>>
      %dma_start3A_51 = arith.constant 0 : i32
      %dma_start3A_52 = arith.constant 0 : i32
      %dma_start3A_53 = tpu.memref_slice %arg9[%dma_start3A_51, %dma_start3A_52] : memref<128x128xf32, #tpu.memory_space<vmem>> -> memref<128x128xf32, #tpu.memory_space<vmem>>
      tpu.enqueue_dma source(%dma_start3A_53 : memref<128x128xf32, #tpu.memory_space<vmem>>) target(%dma_start3A_50 : memref<128x128xf32, #tpu.memory_space<vmem_shared>>) target_semaphore(%run_scoped3A : memref<!tpu.dma_semaphore, #tpu.memory_space<semaphore_mem>>)
      %dma_wait3A = arith.constant 0 : i32
      %dma_wait3A_54 = arith.constant 0 : i32
      %dma_wait3A_55 = tpu.memref_slice %arg9[%dma_wait3A, %dma_wait3A_54] : memref<128x128xf32, #tpu.memory_space<vmem>> -> memref<128x128xf32, #tpu.memory_space<vmem>>
      %dma_wait3A_56 = arith.constant 0 : i32
      %dma_wait3A_57 = tpu.memref_slice %arg10[%add3A_10, %dma_wait3A_56] : memref<10112x128xf32, #tpu.memory_space<vmem_shared>> -> memref<128x128xf32, #tpu.memory_space<vmem_shared>>
      %dma_wait3A_58 = arith.constant 0 : i32
      %dma_wait3A_59 = tpu.memref_slice %arg10[%add3A_10, %dma_wait3A_58] : memref<10112x128xf32, #tpu.memory_space<vmem_shared>> -> memref<128x128xf32, #tpu.memory_space<vmem_shared>>
      %dma_wait3A_60 = arith.constant 0 : i32
      %dma_wait3A_61 = arith.constant 0 : i32
      %dma_wait3A_62 = tpu.memref_slice %arg9[%dma_wait3A_60, %dma_wait3A_61] : memref<128x128xf32, #tpu.memory_space<vmem>> -> memref<128x128xf32, #tpu.memory_space<vmem>>
      tpu.wait_dma2 semaphore(%run_scoped3A : memref<!tpu.dma_semaphore, #tpu.memory_space<semaphore_mem>>) src(%dma_wait3A_62 : memref<128x128xf32, #tpu.memory_space<vmem>>) dst(%dma_wait3A_59 : memref<128x128xf32, #tpu.memory_space<vmem_shared>>)
      tpu.yield
    }) : () -> ()
    %add3A_11 = arith.constant 512 : i32
    %add3A_12 = arith.addi %multiple_of3A, %add3A_11 : i32
    "tpu.region"() ({
      %run_scoped3A = tpu.sem_alloc : memref<!tpu.dma_semaphore, #tpu.memory_space<semaphore_mem>>
      %dma_start3A = arith.constant 0 : i32
      %dma_start3A_45 = arith.constant 0 : i32
      %dma_start3A_46 = tpu.memref_slice %arg9[%dma_start3A, %dma_start3A_45] : memref<128x128xf32, #tpu.memory_space<vmem>> -> memref<120x128xf32, #tpu.memory_space<vmem>>
      %dma_start3A_47 = arith.constant 0 : i32
      %dma_start3A_48 = tpu.memref_slice %arg10[%add3A_12, %dma_start3A_47] : memref<10112x128xf32, #tpu.memory_space<vmem_shared>> -> memref<120x128xf32, #tpu.memory_space<vmem_shared>>
      %dma_start3A_49 = arith.constant 0 : i32
      %dma_start3A_50 = tpu.memref_slice %arg10[%add3A_12, %dma_start3A_49] : memref<10112x128xf32, #tpu.memory_space<vmem_shared>> -> memref<120x128xf32, #tpu.memory_space<vmem_shared>>
      %dma_start3A_51 = arith.constant 0 : i32
      %dma_start3A_52 = arith.constant 0 : i32
      %dma_start3A_53 = tpu.memref_slice %arg9[%dma_start3A_51, %dma_start3A_52] : memref<128x128xf32, #tpu.memory_space<vmem>> -> memref<120x128xf32, #tpu.memory_space<vmem>>
      tpu.enqueue_dma source(%dma_start3A_53 : memref<120x128xf32, #tpu.memory_space<vmem>>) target(%dma_start3A_50 : memref<120x128xf32, #tpu.memory_space<vmem_shared>>) target_semaphore(%run_scoped3A : memref<!tpu.dma_semaphore, #tpu.memory_space<semaphore_mem>>)
      %dma_wait3A = arith.constant 0 : i32
      %dma_wait3A_54 = arith.constant 0 : i32
      %dma_wait3A_55 = tpu.memref_slice %arg9[%dma_wait3A, %dma_wait3A_54] : memref<128x128xf32, #tpu.memory_space<vmem>> -> memref<120x128xf32, #tpu.memory_space<vmem>>
      %dma_wait3A_56 = arith.constant 0 : i32
      %dma_wait3A_57 = tpu.memref_slice %arg10[%add3A_12, %dma_wait3A_56] : memref<10112x128xf32, #tpu.memory_space<vmem_shared>> -> memref<120x128xf32, #tpu.memory_space<vmem_shared>>
      %dma_wait3A_58 = arith.constant 0 : i32
      %dma_wait3A_59 = tpu.memref_slice %arg10[%add3A_12, %dma_wait3A_58] : memref<10112x128xf32, #tpu.memory_space<vmem_shared>> -> memref<120x128xf32, #tpu.memory_space<vmem_shared>>
      %dma_wait3A_60 = arith.constant 0 : i32
      %dma_wait3A_61 = arith.constant 0 : i32
      %dma_wait3A_62 = tpu.memref_slice %arg9[%dma_wait3A_60, %dma_wait3A_61] : memref<128x128xf32, #tpu.memory_space<vmem>> -> memref<120x128xf32, #tpu.memory_space<vmem>>
      tpu.wait_dma2 semaphore(%run_scoped3A : memref<!tpu.dma_semaphore, #tpu.memory_space<semaphore_mem>>) src(%dma_wait3A_62 : memref<120x128xf32, #tpu.memory_space<vmem>>) dst(%dma_wait3A_59 : memref<120x128xf32, #tpu.memory_space<vmem_shared>>)
      tpu.yield
    }) : () -> ()
    %barrier3A = arith.constant 0 : index
    tpu.barrier barrier_id(%barrier3A)
    %scan3A = arith.constant 0 : i32
    %scan3A_13 = arith.constant 0 : i32
    %scan3A_14 = arith.constant 79 : i32
    %scan3A_15 = arith.addi %scan3A_13, %scan3A_14 : i32
    %scan3A_16 = arith.constant 1 : i32
    scf.for %scan3A_45 = %scan3A_13 to %scan3A_15 step %scan3A_16  : i32 {
      %mul3A_46 = arith.constant 10112 : i32
      %mul3A_47 = arith.muli %add3A, %mul3A_46 : i32
      %mul3A_48 = arith.constant 128 : i32
      %mul3A_49 = arith.muli %scan3A_45, %mul3A_48 : i32
      %add3A_50 = arith.addi %mul3A_47, %mul3A_49 : i32
      %multiple_of3A_51 = tpu.assume_multiple %add3A_50, 8 : i32
      "tpu.region"() ({
        %run_scoped3A = tpu.sem_alloc : memref<!tpu.dma_semaphore, #tpu.memory_space<semaphore_mem>>
        %dma_start3A_56 = tpu.memref_slice %arg3[%multiple_of3A_51] : memref<323584xi32, #tpu.memory_space<hbm>> -> memref<128xi32, #tpu.memory_space<hbm>>
        %dma_start3A_57 = tpu.memref_slice %arg3[%multiple_of3A_51] : memref<323584xi32, #tpu.memory_space<hbm>> -> memref<128xi32, #tpu.memory_space<hbm>>
        tpu.enqueue_dma source(%dma_start3A_57 : memref<128xi32, #tpu.memory_space<hbm>>) target(%arg7 : memref<128xi32, #tpu.memory_space<vmem>>) target_semaphore(%run_scoped3A : memref<!tpu.dma_semaphore, #tpu.memory_space<semaphore_mem>>)
        %dma_wait3A_58 = tpu.memref_slice %arg3[%multiple_of3A_51] : memref<323584xi32, #tpu.memory_space<hbm>> -> memref<128xi32, #tpu.memory_space<hbm>>
        %dma_wait3A_59 = tpu.memref_slice %arg3[%multiple_of3A_51] : memref<323584xi32, #tpu.memory_space<hbm>> -> memref<128xi32, #tpu.memory_space<hbm>>
        tpu.wait_dma2 semaphore(%run_scoped3A : memref<!tpu.dma_semaphore, #tpu.memory_space<semaphore_mem>>) src(%dma_wait3A_59 : memref<128xi32, #tpu.memory_space<hbm>>) dst(%arg7 : memref<128xi32, #tpu.memory_space<vmem>>)
        tpu.yield
      }) : () -> ()
      "tpu.region"() ({
        %run_scoped3A = tpu.sem_alloc : memref<!tpu.dma_semaphore, #tpu.memory_space<semaphore_mem>>
        %dma_start3A_56 = tpu.memref_slice %arg4[%multiple_of3A_51] : memref<323584xi32, #tpu.memory_space<hbm>> -> memref<128xi32, #tpu.memory_space<hbm>>
        %dma_start3A_57 = tpu.memref_slice %arg4[%multiple_of3A_51] : memref<323584xi32, #tpu.memory_space<hbm>> -> memref<128xi32, #tpu.memory_space<hbm>>
        tpu.enqueue_dma source(%dma_start3A_57 : memref<128xi32, #tpu.memory_space<hbm>>) target(%arg8 : memref<128xi32, #tpu.memory_space<vmem>>) target_semaphore(%run_scoped3A : memref<!tpu.dma_semaphore, #tpu.memory_space<semaphore_mem>>)
        %dma_wait3A_58 = tpu.memref_slice %arg4[%multiple_of3A_51] : memref<323584xi32, #tpu.memory_space<hbm>> -> memref<128xi32, #tpu.memory_space<hbm>>
        %dma_wait3A_59 = tpu.memref_slice %arg4[%multiple_of3A_51] : memref<323584xi32, #tpu.memory_space<hbm>> -> memref<128xi32, #tpu.memory_space<hbm>>
        tpu.wait_dma2 semaphore(%run_scoped3A : memref<!tpu.dma_semaphore, #tpu.memory_space<semaphore_mem>>) src(%dma_wait3A_59 : memref<128xi32, #tpu.memory_space<hbm>>) dst(%arg8 : memref<128xi32, #tpu.memory_space<vmem>>)
        tpu.yield
      }) : () -> ()
      %dma_start3A = arith.constant 0 : i32
      %dma_start3A_52 = arith.constant 0 : i32
      %dma_start3A_53 = tpu.memref_slice %arg2[%dma_start3A, %dma_start3A_52] : memref<10000x128xf32, #tpu.memory_space<hbm>> -> memref<10000x128xf32, #tpu.memory_space<hbm>>
      tpu.enqueue_indirect_dma source(%dma_start3A_53 : memref<10000x128xf32, #tpu.memory_space<hbm>>) target(%arg9 : memref<128x128xf32, #tpu.memory_space<vmem>>) offsets(%arg7 : memref<128xi32, #tpu.memory_space<vmem>>) semaphore(%arg11 : memref<!tpu.dma_semaphore, #tpu.memory_space<semaphore_mem>>)
      %dma_wait3A = arith.constant 0 : i32
      %dma_wait3A_54 = arith.constant 0 : i32
      %dma_wait3A_55 = tpu.memref_slice %arg2[%dma_wait3A, %dma_wait3A_54] : memref<10000x128xf32, #tpu.memory_space<hbm>> -> memref<10000x128xf32, #tpu.memory_space<hbm>>
      tpu.wait_indirect_dma semaphore(%arg11 : memref<!tpu.dma_semaphore, #tpu.memory_space<semaphore_mem>>) src(%dma_wait3A_55 : memref<10000x128xf32, #tpu.memory_space<hbm>>) dst(%arg9 : memref<128x128xf32, #tpu.memory_space<vmem>>)
      "tpu.region"() ({
        %run_scoped3A = tpu.sem_alloc : memref<!tpu.dma_semaphore, #tpu.memory_space<semaphore_mem>>
        %dma_start3A_56 = arith.constant 0 : i32
        %dma_start3A_57 = arith.constant 0 : i32
        %dma_start3A_58 = tpu.memref_slice %arg10[%dma_start3A_56, %dma_start3A_57] : memref<10112x128xf32, #tpu.memory_space<vmem_shared>> -> memref<10112x128xf32, #tpu.memory_space<vmem_shared>>
        tpu.enqueue_indirect_dma source(%arg9 : memref<128x128xf32, #tpu.memory_space<vmem>>) target(%dma_start3A_58 : memref<10112x128xf32, #tpu.memory_space<vmem_shared>>) offsets(%arg8 : memref<128xi32, #tpu.memory_space<vmem>>) semaphore(%run_scoped3A : memref<!tpu.dma_semaphore, #tpu.memory_space<semaphore_mem>>) {add = true}
        %dma_wait3A_59 = arith.constant 0 : i32
        %dma_wait3A_60 = arith.constant 0 : i32
        %dma_wait3A_61 = tpu.memref_slice %arg10[%dma_wait3A_59, %dma_wait3A_60] : memref<10112x128xf32, #tpu.memory_space<vmem_shared>> -> memref<10112x128xf32, #tpu.memory_space<vmem_shared>>
        tpu.wait_indirect_dma semaphore(%run_scoped3A : memref<!tpu.dma_semaphore, #tpu.memory_space<semaphore_mem>>) src(%arg9 : memref<128x128xf32, #tpu.memory_space<vmem>>) dst(%dma_wait3A_61 : memref<10112x128xf32, #tpu.memory_space<vmem_shared>>)
        tpu.yield
      }) : () -> ()
    }
    %scan3A_17 = arith.constant 79 : i32
    %barrier3A_18 = arith.constant 0 : index
    tpu.barrier barrier_id(%barrier3A_18)
    %mul3A_19 = arith.constant 10112 : i32
    %mul3A_20 = arith.muli %arg0, %mul3A_19 : i32
    %mul3A_21 = arith.constant 632 : i32
    %mul3A_22 = arith.muli %arg1, %mul3A_21 : i32
    %add3A_23 = arith.addi %mul3A_20, %mul3A_22 : i32
    %multiple_of3A_24 = tpu.assume_multiple %add3A_23, 8 : i32
    %add3A_25 = arith.constant 0 : i32
    %add3A_26 = arith.addi %multiple_of3A, %add3A_25 : i32
    "tpu.region"() ({
      %run_scoped3A = tpu.sem_alloc : memref<!tpu.dma_semaphore, #tpu.memory_space<semaphore_mem>>
      %dma_start3A = arith.constant 0 : i32
      %dma_start3A_45 = arith.constant 0 : i32
      %dma_start3A_46 = tpu.memref_slice %arg9[%dma_start3A, %dma_start3A_45] : memref<128x128xf32, #tpu.memory_space<vmem>> -> memref<128x128xf32, #tpu.memory_space<vmem>>
      %dma_start3A_47 = arith.constant 0 : i32
      %dma_start3A_48 = tpu.memref_slice %arg10[%add3A_26, %dma_start3A_47] : memref<10112x128xf32, #tpu.memory_space<vmem_shared>> -> memref<128x128xf32, #tpu.memory_space<vmem_shared>>
      %dma_start3A_49 = arith.constant 0 : i32
      %dma_start3A_50 = arith.constant 0 : i32
      %dma_start3A_51 = tpu.memref_slice %arg9[%dma_start3A_49, %dma_start3A_50] : memref<128x128xf32, #tpu.memory_space<vmem>> -> memref<128x128xf32, #tpu.memory_space<vmem>>
      %dma_start3A_52 = arith.constant 0 : i32
      %dma_start3A_53 = tpu.memref_slice %arg10[%add3A_26, %dma_start3A_52] : memref<10112x128xf32, #tpu.memory_space<vmem_shared>> -> memref<128x128xf32, #tpu.memory_space<vmem_shared>>
      tpu.enqueue_dma source(%dma_start3A_53 : memref<128x128xf32, #tpu.memory_space<vmem_shared>>) target(%dma_start3A_51 : memref<128x128xf32, #tpu.memory_space<vmem>>) target_semaphore(%run_scoped3A : memref<!tpu.dma_semaphore, #tpu.memory_space<semaphore_mem>>)
      %dma_wait3A = arith.constant 0 : i32
      %dma_wait3A_54 = arith.constant 0 : i32
      %dma_wait3A_55 = tpu.memref_slice %arg9[%dma_wait3A, %dma_wait3A_54] : memref<128x128xf32, #tpu.memory_space<vmem>> -> memref<128x128xf32, #tpu.memory_space<vmem>>
      %dma_wait3A_56 = arith.constant 0 : i32
      %dma_wait3A_57 = tpu.memref_slice %arg10[%add3A_26, %dma_wait3A_56] : memref<10112x128xf32, #tpu.memory_space<vmem_shared>> -> memref<128x128xf32, #tpu.memory_space<vmem_shared>>
      %dma_wait3A_58 = arith.constant 0 : i32
      %dma_wait3A_59 = arith.constant 0 : i32
      %dma_wait3A_60 = tpu.memref_slice %arg9[%dma_wait3A_58, %dma_wait3A_59] : memref<128x128xf32, #tpu.memory_space<vmem>> -> memref<128x128xf32, #tpu.memory_space<vmem>>
      %dma_wait3A_61 = arith.constant 0 : i32
      %dma_wait3A_62 = tpu.memref_slice %arg10[%add3A_26, %dma_wait3A_61] : memref<10112x128xf32, #tpu.memory_space<vmem_shared>> -> memref<128x128xf32, #tpu.memory_space<vmem_shared>>
      tpu.wait_dma2 semaphore(%run_scoped3A : memref<!tpu.dma_semaphore, #tpu.memory_space<semaphore_mem>>) src(%dma_wait3A_62 : memref<128x128xf32, #tpu.memory_space<vmem_shared>>) dst(%dma_wait3A_60 : memref<128x128xf32, #tpu.memory_space<vmem>>)
      tpu.yield
    }) : () -> ()
    %add3A_27 = arith.constant 0 : i32
    %add3A_28 = arith.addi %multiple_of3A_24, %add3A_27 : i32
    "tpu.region"() ({
      %run_scoped3A = tpu.sem_alloc : memref<!tpu.dma_semaphore, #tpu.memory_space<semaphore_mem>>
      %dma_start3A = arith.constant 0 : i32
      %dma_start3A_45 = arith.constant 0 : i32
      %dma_start3A_46 = tpu.memref_slice %arg9[%dma_start3A, %dma_start3A_45] : memref<128x128xf32, #tpu.memory_space<vmem>> -> memref<128x128xf32, #tpu.memory_space<vmem>>
      %dma_start3A_47 = arith.constant 0 : i32
      %dma_start3A_48 = tpu.memref_slice %arg6[%add3A_28, %dma_start3A_47] : memref<20224x128xf32, #tpu.memory_space<hbm>> -> memref<128x128xf32, #tpu.memory_space<hbm>>
      %dma_start3A_49 = arith.constant 0 : i32
      %dma_start3A_50 = tpu.memref_slice %arg6[%add3A_28, %dma_start3A_49] : memref<20224x128xf32, #tpu.memory_space<hbm>> -> memref<128x128xf32, #tpu.memory_space<hbm>>
      %dma_start3A_51 = arith.constant 0 : i32
      %dma_start3A_52 = arith.constant 0 : i32
      %dma_start3A_53 = tpu.memref_slice %arg9[%dma_start3A_51, %dma_start3A_52] : memref<128x128xf32, #tpu.memory_space<vmem>> -> memref<128x128xf32, #tpu.memory_space<vmem>>
      tpu.enqueue_dma source(%dma_start3A_53 : memref<128x128xf32, #tpu.memory_space<vmem>>) target(%dma_start3A_50 : memref<128x128xf32, #tpu.memory_space<hbm>>) target_semaphore(%run_scoped3A : memref<!tpu.dma_semaphore, #tpu.memory_space<semaphore_mem>>)
      %dma_wait3A = arith.constant 0 : i32
      %dma_wait3A_54 = arith.constant 0 : i32
      %dma_wait3A_55 = tpu.memref_slice %arg9[%dma_wait3A, %dma_wait3A_54] : memref<128x128xf32, #tpu.memory_space<vmem>> -> memref<128x128xf32, #tpu.memory_space<vmem>>
      %dma_wait3A_56 = arith.constant 0 : i32
      %dma_wait3A_57 = tpu.memref_slice %arg6[%add3A_28, %dma_wait3A_56] : memref<20224x128xf32, #tpu.memory_space<hbm>> -> memref<128x128xf32, #tpu.memory_space<hbm>>
      %dma_wait3A_58 = arith.constant 0 : i32
      %dma_wait3A_59 = tpu.memref_slice %arg6[%add3A_28, %dma_wait3A_58] : memref<20224x128xf32, #tpu.memory_space<hbm>> -> memref<128x128xf32, #tpu.memory_space<hbm>>
      %dma_wait3A_60 = arith.constant 0 : i32
      %dma_wait3A_61 = arith.constant 0 : i32
      %dma_wait3A_62 = tpu.memref_slice %arg9[%dma_wait3A_60, %dma_wait3A_61] : memref<128x128xf32, #tpu.memory_space<vmem>> -> memref<128x128xf32, #tpu.memory_space<vmem>>
      tpu.wait_dma2 semaphore(%run_scoped3A : memref<!tpu.dma_semaphore, #tpu.memory_space<semaphore_mem>>) src(%dma_wait3A_62 : memref<128x128xf32, #tpu.memory_space<vmem>>) dst(%dma_wait3A_59 : memref<128x128xf32, #tpu.memory_space<hbm>>)
      tpu.yield
    }) : () -> ()
    %add3A_29 = arith.constant 128 : i32
    %add3A_30 = arith.addi %multiple_of3A, %add3A_29 : i32
    "tpu.region"() ({
      %run_scoped3A = tpu.sem_alloc : memref<!tpu.dma_semaphore, #tpu.memory_space<semaphore_mem>>
      %dma_start3A = arith.constant 0 : i32
      %dma_start3A_45 = arith.constant 0 : i32
      %dma_start3A_46 = tpu.memref_slice %arg9[%dma_start3A, %dma_start3A_45] : memref<128x128xf32, #tpu.memory_space<vmem>> -> memref<128x128xf32, #tpu.memory_space<vmem>>
      %dma_start3A_47 = arith.constant 0 : i32
      %dma_start3A_48 = tpu.memref_slice %arg10[%add3A_30, %dma_start3A_47] : memref<10112x128xf32, #tpu.memory_space<vmem_shared>> -> memref<128x128xf32, #tpu.memory_space<vmem_shared>>
      %dma_start3A_49 = arith.constant 0 : i32
      %dma_start3A_50 = arith.constant 0 : i32
      %dma_start3A_51 = tpu.memref_slice %arg9[%dma_start3A_49, %dma_start3A_50] : memref<128x128xf32, #tpu.memory_space<vmem>> -> memref<128x128xf32, #tpu.memory_space<vmem>>
      %dma_start3A_52 = arith.constant 0 : i32
      %dma_start3A_53 = tpu.memref_slice %arg10[%add3A_30, %dma_start3A_52] : memref<10112x128xf32, #tpu.memory_space<vmem_shared>> -> memref<128x128xf32, #tpu.memory_space<vmem_shared>>
      tpu.enqueue_dma source(%dma_start3A_53 : memref<128x128xf32, #tpu.memory_space<vmem_shared>>) target(%dma_start3A_51 : memref<128x128xf32, #tpu.memory_space<vmem>>) target_semaphore(%run_scoped3A : memref<!tpu.dma_semaphore, #tpu.memory_space<semaphore_mem>>)
      %dma_wait3A = arith.constant 0 : i32
      %dma_wait3A_54 = arith.constant 0 : i32
      %dma_wait3A_55 = tpu.memref_slice %arg9[%dma_wait3A, %dma_wait3A_54] : memref<128x128xf32, #tpu.memory_space<vmem>> -> memref<128x128xf32, #tpu.memory_space<vmem>>
      %dma_wait3A_56 = arith.constant 0 : i32
      %dma_wait3A_57 = tpu.memref_slice %arg10[%add3A_30, %dma_wait3A_56] : memref<10112x128xf32, #tpu.memory_space<vmem_shared>> -> memref<128x128xf32, #tpu.memory_space<vmem_shared>>
      %dma_wait3A_58 = arith.constant 0 : i32
      %dma_wait3A_59 = arith.constant 0 : i32
      %dma_wait3A_60 = tpu.memref_slice %arg9[%dma_wait3A_58, %dma_wait3A_59] : memref<128x128xf32, #tpu.memory_space<vmem>> -> memref<128x128xf32, #tpu.memory_space<vmem>>
      %dma_wait3A_61 = arith.constant 0 : i32
      %dma_wait3A_62 = tpu.memref_slice %arg10[%add3A_30, %dma_wait3A_61] : memref<10112x128xf32, #tpu.memory_space<vmem_shared>> -> memref<128x128xf32, #tpu.memory_space<vmem_shared>>
      tpu.wait_dma2 semaphore(%run_scoped3A : memref<!tpu.dma_semaphore, #tpu.memory_space<semaphore_mem>>) src(%dma_wait3A_62 : memref<128x128xf32, #tpu.memory_space<vmem_shared>>) dst(%dma_wait3A_60 : memref<128x128xf32, #tpu.memory_space<vmem>>)
      tpu.yield
    }) : () -> ()
    %add3A_31 = arith.constant 128 : i32
    %add3A_32 = arith.addi %multiple_of3A_24, %add3A_31 : i32
    "tpu.region"() ({
      %run_scoped3A = tpu.sem_alloc : memref<!tpu.dma_semaphore, #tpu.memory_space<semaphore_mem>>
      %dma_start3A = arith.constant 0 : i32
      %dma_start3A_45 = arith.constant 0 : i32
      %dma_start3A_46 = tpu.memref_slice %arg9[%dma_start3A, %dma_start3A_45] : memref<128x128xf32, #tpu.memory_space<vmem>> -> memref<128x128xf32, #tpu.memory_space<vmem>>
      %dma_start3A_47 = arith.constant 0 : i32
      %dma_start3A_48 = tpu.memref_slice %arg6[%add3A_32, %dma_start3A_47] : memref<20224x128xf32, #tpu.memory_space<hbm>> -> memref<128x128xf32, #tpu.memory_space<hbm>>
      %dma_start3A_49 = arith.constant 0 : i32
      %dma_start3A_50 = tpu.memref_slice %arg6[%add3A_32, %dma_start3A_49] : memref<20224x128xf32, #tpu.memory_space<hbm>> -> memref<128x128xf32, #tpu.memory_space<hbm>>
      %dma_start3A_51 = arith.constant 0 : i32
      %dma_start3A_52 = arith.constant 0 : i32
      %dma_start3A_53 = tpu.memref_slice %arg9[%dma_start3A_51, %dma_start3A_52] : memref<128x128xf32, #tpu.memory_space<vmem>> -> memref<128x128xf32, #tpu.memory_space<vmem>>
      tpu.enqueue_dma source(%dma_start3A_53 : memref<128x128xf32, #tpu.memory_space<vmem>>) target(%dma_start3A_50 : memref<128x128xf32, #tpu.memory_space<hbm>>) target_semaphore(%run_scoped3A : memref<!tpu.dma_semaphore, #tpu.memory_space<semaphore_mem>>)
      %dma_wait3A = arith.constant 0 : i32
      %dma_wait3A_54 = arith.constant 0 : i32
      %dma_wait3A_55 = tpu.memref_slice %arg9[%dma_wait3A, %dma_wait3A_54] : memref<128x128xf32, #tpu.memory_space<vmem>> -> memref<128x128xf32, #tpu.memory_space<vmem>>
      %dma_wait3A_56 = arith.constant 0 : i32
      %dma_wait3A_57 = tpu.memref_slice %arg6[%add3A_32, %dma_wait3A_56] : memref<20224x128xf32, #tpu.memory_space<hbm>> -> memref<128x128xf32, #tpu.memory_space<hbm>>
      %dma_wait3A_58 = arith.constant 0 : i32
      %dma_wait3A_59 = tpu.memref_slice %arg6[%add3A_32, %dma_wait3A_58] : memref<20224x128xf32, #tpu.memory_space<hbm>> -> memref<128x128xf32, #tpu.memory_space<hbm>>
      %dma_wait3A_60 = arith.constant 0 : i32
      %dma_wait3A_61 = arith.constant 0 : i32
      %dma_wait3A_62 = tpu.memref_slice %arg9[%dma_wait3A_60, %dma_wait3A_61] : memref<128x128xf32, #tpu.memory_space<vmem>> -> memref<128x128xf32, #tpu.memory_space<vmem>>
      tpu.wait_dma2 semaphore(%run_scoped3A : memref<!tpu.dma_semaphore, #tpu.memory_space<semaphore_mem>>) src(%dma_wait3A_62 : memref<128x128xf32, #tpu.memory_space<vmem>>) dst(%dma_wait3A_59 : memref<128x128xf32, #tpu.memory_space<hbm>>)
      tpu.yield
    }) : () -> ()
    %add3A_33 = arith.constant 256 : i32
    %add3A_34 = arith.addi %multiple_of3A, %add3A_33 : i32
    "tpu.region"() ({
      %run_scoped3A = tpu.sem_alloc : memref<!tpu.dma_semaphore, #tpu.memory_space<semaphore_mem>>
      %dma_start3A = arith.constant 0 : i32
      %dma_start3A_45 = arith.constant 0 : i32
      %dma_start3A_46 = tpu.memref_slice %arg9[%dma_start3A, %dma_start3A_45] : memref<128x128xf32, #tpu.memory_space<vmem>> -> memref<128x128xf32, #tpu.memory_space<vmem>>
      %dma_start3A_47 = arith.constant 0 : i32
      %dma_start3A_48 = tpu.memref_slice %arg10[%add3A_34, %dma_start3A_47] : memref<10112x128xf32, #tpu.memory_space<vmem_shared>> -> memref<128x128xf32, #tpu.memory_space<vmem_shared>>
      %dma_start3A_49 = arith.constant 0 : i32
      %dma_start3A_50 = arith.constant 0 : i32
      %dma_start3A_51 = tpu.memref_slice %arg9[%dma_start3A_49, %dma_start3A_50] : memref<128x128xf32, #tpu.memory_space<vmem>> -> memref<128x128xf32, #tpu.memory_space<vmem>>
      %dma_start3A_52 = arith.constant 0 : i32
      %dma_start3A_53 = tpu.memref_slice %arg10[%add3A_34, %dma_start3A_52] : memref<10112x128xf32, #tpu.memory_space<vmem_shared>> -> memref<128x128xf32, #tpu.memory_space<vmem_shared>>
      tpu.enqueue_dma source(%dma_start3A_53 : memref<128x128xf32, #tpu.memory_space<vmem_shared>>) target(%dma_start3A_51 : memref<128x128xf32, #tpu.memory_space<vmem>>) target_semaphore(%run_scoped3A : memref<!tpu.dma_semaphore, #tpu.memory_space<semaphore_mem>>)
      %dma_wait3A = arith.constant 0 : i32
      %dma_wait3A_54 = arith.constant 0 : i32
      %dma_wait3A_55 = tpu.memref_slice %arg9[%dma_wait3A, %dma_wait3A_54] : memref<128x128xf32, #tpu.memory_space<vmem>> -> memref<128x128xf32, #tpu.memory_space<vmem>>
      %dma_wait3A_56 = arith.constant 0 : i32
      %dma_wait3A_57 = tpu.memref_slice %arg10[%add3A_34, %dma_wait3A_56] : memref<10112x128xf32, #tpu.memory_space<vmem_shared>> -> memref<128x128xf32, #tpu.memory_space<vmem_shared>>
      %dma_wait3A_58 = arith.constant 0 : i32
      %dma_wait3A_59 = arith.constant 0 : i32
      %dma_wait3A_60 = tpu.memref_slice %arg9[%dma_wait3A_58, %dma_wait3A_59] : memref<128x128xf32, #tpu.memory_space<vmem>> -> memref<128x128xf32, #tpu.memory_space<vmem>>
      %dma_wait3A_61 = arith.constant 0 : i32
      %dma_wait3A_62 = tpu.memref_slice %arg10[%add3A_34, %dma_wait3A_61] : memref<10112x128xf32, #tpu.memory_space<vmem_shared>> -> memref<128x128xf32, #tpu.memory_space<vmem_shared>>
      tpu.wait_dma2 semaphore(%run_scoped3A : memref<!tpu.dma_semaphore, #tpu.memory_space<semaphore_mem>>) src(%dma_wait3A_62 : memref<128x128xf32, #tpu.memory_space<vmem_shared>>) dst(%dma_wait3A_60 : memref<128x128xf32, #tpu.memory_space<vmem>>)
      tpu.yield
    }) : () -> ()
    %add3A_35 = arith.constant 256 : i32
    %add3A_36 = arith.addi %multiple_of3A_24, %add3A_35 : i32
    "tpu.region"() ({
      %run_scoped3A = tpu.sem_alloc : memref<!tpu.dma_semaphore, #tpu.memory_space<semaphore_mem>>
      %dma_start3A = arith.constant 0 : i32
      %dma_start3A_45 = arith.constant 0 : i32
      %dma_start3A_46 = tpu.memref_slice %arg9[%dma_start3A, %dma_start3A_45] : memref<128x128xf32, #tpu.memory_space<vmem>> -> memref<128x128xf32, #tpu.memory_space<vmem>>
      %dma_start3A_47 = arith.constant 0 : i32
      %dma_start3A_48 = tpu.memref_slice %arg6[%add3A_36, %dma_start3A_47] : memref<20224x128xf32, #tpu.memory_space<hbm>> -> memref<128x128xf32, #tpu.memory_space<hbm>>
      %dma_start3A_49 = arith.constant 0 : i32
      %dma_start3A_50 = tpu.memref_slice %arg6[%add3A_36, %dma_start3A_49] : memref<20224x128xf32, #tpu.memory_space<hbm>> -> memref<128x128xf32, #tpu.memory_space<hbm>>
      %dma_start3A_51 = arith.constant 0 : i32
      %dma_start3A_52 = arith.constant 0 : i32
      %dma_start3A_53 = tpu.memref_slice %arg9[%dma_start3A_51, %dma_start3A_52] : memref<128x128xf32, #tpu.memory_space<vmem>> -> memref<128x128xf32, #tpu.memory_space<vmem>>
      tpu.enqueue_dma source(%dma_start3A_53 : memref<128x128xf32, #tpu.memory_space<vmem>>) target(%dma_start3A_50 : memref<128x128xf32, #tpu.memory_space<hbm>>) target_semaphore(%run_scoped3A : memref<!tpu.dma_semaphore, #tpu.memory_space<semaphore_mem>>)
      %dma_wait3A = arith.constant 0 : i32
      %dma_wait3A_54 = arith.constant 0 : i32
      %dma_wait3A_55 = tpu.memref_slice %arg9[%dma_wait3A, %dma_wait3A_54] : memref<128x128xf32, #tpu.memory_space<vmem>> -> memref<128x128xf32, #tpu.memory_space<vmem>>
      %dma_wait3A_56 = arith.constant 0 : i32
      %dma_wait3A_57 = tpu.memref_slice %arg6[%add3A_36, %dma_wait3A_56] : memref<20224x128xf32, #tpu.memory_space<hbm>> -> memref<128x128xf32, #tpu.memory_space<hbm>>
      %dma_wait3A_58 = arith.constant 0 : i32
      %dma_wait3A_59 = tpu.memref_slice %arg6[%add3A_36, %dma_wait3A_58] : memref<20224x128xf32, #tpu.memory_space<hbm>> -> memref<128x128xf32, #tpu.memory_space<hbm>>
      %dma_wait3A_60 = arith.constant 0 : i32
      %dma_wait3A_61 = arith.constant 0 : i32
      %dma_wait3A_62 = tpu.memref_slice %arg9[%dma_wait3A_60, %dma_wait3A_61] : memref<128x128xf32, #tpu.memory_space<vmem>> -> memref<128x128xf32, #tpu.memory_space<vmem>>
      tpu.wait_dma2 semaphore(%run_scoped3A : memref<!tpu.dma_semaphore, #tpu.memory_space<semaphore_mem>>) src(%dma_wait3A_62 : memref<128x128xf32, #tpu.memory_space<vmem>>) dst(%dma_wait3A_59 : memref<128x128xf32, #tpu.memory_space<hbm>>)
      tpu.yield
    }) : () -> ()
    %add3A_37 = arith.constant 384 : i32
    %add3A_38 = arith.addi %multiple_of3A, %add3A_37 : i32
    "tpu.region"() ({
      %run_scoped3A = tpu.sem_alloc : memref<!tpu.dma_semaphore, #tpu.memory_space<semaphore_mem>>
      %dma_start3A = arith.constant 0 : i32
      %dma_start3A_45 = arith.constant 0 : i32
      %dma_start3A_46 = tpu.memref_slice %arg9[%dma_start3A, %dma_start3A_45] : memref<128x128xf32, #tpu.memory_space<vmem>> -> memref<128x128xf32, #tpu.memory_space<vmem>>
      %dma_start3A_47 = arith.constant 0 : i32
      %dma_start3A_48 = tpu.memref_slice %arg10[%add3A_38, %dma_start3A_47] : memref<10112x128xf32, #tpu.memory_space<vmem_shared>> -> memref<128x128xf32, #tpu.memory_space<vmem_shared>>
      %dma_start3A_49 = arith.constant 0 : i32
      %dma_start3A_50 = arith.constant 0 : i32
      %dma_start3A_51 = tpu.memref_slice %arg9[%dma_start3A_49, %dma_start3A_50] : memref<128x128xf32, #tpu.memory_space<vmem>> -> memref<128x128xf32, #tpu.memory_space<vmem>>
      %dma_start3A_52 = arith.constant 0 : i32
      %dma_start3A_53 = tpu.memref_slice %arg10[%add3A_38, %dma_start3A_52] : memref<10112x128xf32, #tpu.memory_space<vmem_shared>> -> memref<128x128xf32, #tpu.memory_space<vmem_shared>>
      tpu.enqueue_dma source(%dma_start3A_53 : memref<128x128xf32, #tpu.memory_space<vmem_shared>>) target(%dma_start3A_51 : memref<128x128xf32, #tpu.memory_space<vmem>>) target_semaphore(%run_scoped3A : memref<!tpu.dma_semaphore, #tpu.memory_space<semaphore_mem>>)
      %dma_wait3A = arith.constant 0 : i32
      %dma_wait3A_54 = arith.constant 0 : i32
      %dma_wait3A_55 = tpu.memref_slice %arg9[%dma_wait3A, %dma_wait3A_54] : memref<128x128xf32, #tpu.memory_space<vmem>> -> memref<128x128xf32, #tpu.memory_space<vmem>>
      %dma_wait3A_56 = arith.constant 0 : i32
      %dma_wait3A_57 = tpu.memref_slice %arg10[%add3A_38, %dma_wait3A_56] : memref<10112x128xf32, #tpu.memory_space<vmem_shared>> -> memref<128x128xf32, #tpu.memory_space<vmem_shared>>
      %dma_wait3A_58 = arith.constant 0 : i32
      %dma_wait3A_59 = arith.constant 0 : i32
      %dma_wait3A_60 = tpu.memref_slice %arg9[%dma_wait3A_58, %dma_wait3A_59] : memref<128x128xf32, #tpu.memory_space<vmem>> -> memref<128x128xf32, #tpu.memory_space<vmem>>
      %dma_wait3A_61 = arith.constant 0 : i32
      %dma_wait3A_62 = tpu.memref_slice %arg10[%add3A_38, %dma_wait3A_61] : memref<10112x128xf32, #tpu.memory_space<vmem_shared>> -> memref<128x128xf32, #tpu.memory_space<vmem_shared>>
      tpu.wait_dma2 semaphore(%run_scoped3A : memref<!tpu.dma_semaphore, #tpu.memory_space<semaphore_mem>>) src(%dma_wait3A_62 : memref<128x128xf32, #tpu.memory_space<vmem_shared>>) dst(%dma_wait3A_60 : memref<128x128xf32, #tpu.memory_space<vmem>>)
      tpu.yield
    }) : () -> ()
    %add3A_39 = arith.constant 384 : i32
    %add3A_40 = arith.addi %multiple_of3A_24, %add3A_39 : i32
    "tpu.region"() ({
      %run_scoped3A = tpu.sem_alloc : memref<!tpu.dma_semaphore, #tpu.memory_space<semaphore_mem>>
      %dma_start3A = arith.constant 0 : i32
      %dma_start3A_45 = arith.constant 0 : i32
      %dma_start3A_46 = tpu.memref_slice %arg9[%dma_start3A, %dma_start3A_45] : memref<128x128xf32, #tpu.memory_space<vmem>> -> memref<128x128xf32, #tpu.memory_space<vmem>>
      %dma_start3A_47 = arith.constant 0 : i32
      %dma_start3A_48 = tpu.memref_slice %arg6[%add3A_40, %dma_start3A_47] : memref<20224x128xf32, #tpu.memory_space<hbm>> -> memref<128x128xf32, #tpu.memory_space<hbm>>
      %dma_start3A_49 = arith.constant 0 : i32
      %dma_start3A_50 = tpu.memref_slice %arg6[%add3A_40, %dma_start3A_49] : memref<20224x128xf32, #tpu.memory_space<hbm>> -> memref<128x128xf32, #tpu.memory_space<hbm>>
      %dma_start3A_51 = arith.constant 0 : i32
      %dma_start3A_52 = arith.constant 0 : i32
      %dma_start3A_53 = tpu.memref_slice %arg9[%dma_start3A_51, %dma_start3A_52] : memref<128x128xf32, #tpu.memory_space<vmem>> -> memref<128x128xf32, #tpu.memory_space<vmem>>
      tpu.enqueue_dma source(%dma_start3A_53 : memref<128x128xf32, #tpu.memory_space<vmem>>) target(%dma_start3A_50 : memref<128x128xf32, #tpu.memory_space<hbm>>) target_semaphore(%run_scoped3A : memref<!tpu.dma_semaphore, #tpu.memory_space<semaphore_mem>>)
      %dma_wait3A = arith.constant 0 : i32
      %dma_wait3A_54 = arith.constant 0 : i32
      %dma_wait3A_55 = tpu.memref_slice %arg9[%dma_wait3A, %dma_wait3A_54] : memref<128x128xf32, #tpu.memory_space<vmem>> -> memref<128x128xf32, #tpu.memory_space<vmem>>
      %dma_wait3A_56 = arith.constant 0 : i32
      %dma_wait3A_57 = tpu.memref_slice %arg6[%add3A_40, %dma_wait3A_56] : memref<20224x128xf32, #tpu.memory_space<hbm>> -> memref<128x128xf32, #tpu.memory_space<hbm>>
      %dma_wait3A_58 = arith.constant 0 : i32
      %dma_wait3A_59 = tpu.memref_slice %arg6[%add3A_40, %dma_wait3A_58] : memref<20224x128xf32, #tpu.memory_space<hbm>> -> memref<128x128xf32, #tpu.memory_space<hbm>>
      %dma_wait3A_60 = arith.constant 0 : i32
      %dma_wait3A_61 = arith.constant 0 : i32
      %dma_wait3A_62 = tpu.memref_slice %arg9[%dma_wait3A_60, %dma_wait3A_61] : memref<128x128xf32, #tpu.memory_space<vmem>> -> memref<128x128xf32, #tpu.memory_space<vmem>>
      tpu.wait_dma2 semaphore(%run_scoped3A : memref<!tpu.dma_semaphore, #tpu.memory_space<semaphore_mem>>) src(%dma_wait3A_62 : memref<128x128xf32, #tpu.memory_space<vmem>>) dst(%dma_wait3A_59 : memref<128x128xf32, #tpu.memory_space<hbm>>)
      tpu.yield
    }) : () -> ()
    %add3A_41 = arith.constant 512 : i32
    %add3A_42 = arith.addi %multiple_of3A, %add3A_41 : i32
    "tpu.region"() ({
      %run_scoped3A = tpu.sem_alloc : memref<!tpu.dma_semaphore, #tpu.memory_space<semaphore_mem>>
      %dma_start3A = arith.constant 0 : i32
      %dma_start3A_45 = arith.constant 0 : i32
      %dma_start3A_46 = tpu.memref_slice %arg9[%dma_start3A, %dma_start3A_45] : memref<128x128xf32, #tpu.memory_space<vmem>> -> memref<120x128xf32, #tpu.memory_space<vmem>>
      %dma_start3A_47 = arith.constant 0 : i32
      %dma_start3A_48 = tpu.memref_slice %arg10[%add3A_42, %dma_start3A_47] : memref<10112x128xf32, #tpu.memory_space<vmem_shared>> -> memref<120x128xf32, #tpu.memory_space<vmem_shared>>
      %dma_start3A_49 = arith.constant 0 : i32
      %dma_start3A_50 = arith.constant 0 : i32
      %dma_start3A_51 = tpu.memref_slice %arg9[%dma_start3A_49, %dma_start3A_50] : memref<128x128xf32, #tpu.memory_space<vmem>> -> memref<120x128xf32, #tpu.memory_space<vmem>>
      %dma_start3A_52 = arith.constant 0 : i32
      %dma_start3A_53 = tpu.memref_slice %arg10[%add3A_42, %dma_start3A_52] : memref<10112x128xf32, #tpu.memory_space<vmem_shared>> -> memref<120x128xf32, #tpu.memory_space<vmem_shared>>
      tpu.enqueue_dma source(%dma_start3A_53 : memref<120x128xf32, #tpu.memory_space<vmem_shared>>) target(%dma_start3A_51 : memref<120x128xf32, #tpu.memory_space<vmem>>) target_semaphore(%run_scoped3A : memref<!tpu.dma_semaphore, #tpu.memory_space<semaphore_mem>>)
      %dma_wait3A = arith.constant 0 : i32
      %dma_wait3A_54 = arith.constant 0 : i32
      %dma_wait3A_55 = tpu.memref_slice %arg9[%dma_wait3A, %dma_wait3A_54] : memref<128x128xf32, #tpu.memory_space<vmem>> -> memref<120x128xf32, #tpu.memory_space<vmem>>
      %dma_wait3A_56 = arith.constant 0 : i32
      %dma_wait3A_57 = tpu.memref_slice %arg10[%add3A_42, %dma_wait3A_56] : memref<10112x128xf32, #tpu.memory_space<vmem_shared>> -> memref<120x128xf32, #tpu.memory_space<vmem_shared>>
      %dma_wait3A_58 = arith.constant 0 : i32
      %dma_wait3A_59 = arith.constant 0 : i32
      %dma_wait3A_60 = tpu.memref_slice %arg9[%dma_wait3A_58, %dma_wait3A_59] : memref<128x128xf32, #tpu.memory_space<vmem>> -> memref<120x128xf32, #tpu.memory_space<vmem>>
      %dma_wait3A_61 = arith.constant 0 : i32
      %dma_wait3A_62 = tpu.memref_slice %arg10[%add3A_42, %dma_wait3A_61] : memref<10112x128xf32, #tpu.memory_space<vmem_shared>> -> memref<120x128xf32, #tpu.memory_space<vmem_shared>>
      tpu.wait_dma2 semaphore(%run_scoped3A : memref<!tpu.dma_semaphore, #tpu.memory_space<semaphore_mem>>) src(%dma_wait3A_62 : memref<120x128xf32, #tpu.memory_space<vmem_shared>>) dst(%dma_wait3A_60 : memref<120x128xf32, #tpu.memory_space<vmem>>)
      tpu.yield
    }) : () -> ()
    %add3A_43 = arith.constant 512 : i32
    %add3A_44 = arith.addi %multiple_of3A_24, %add3A_43 : i32
    "tpu.region"() ({
      %run_scoped3A = tpu.sem_alloc : memref<!tpu.dma_semaphore, #tpu.memory_space<semaphore_mem>>
      %dma_start3A = arith.constant 0 : i32
      %dma_start3A_45 = arith.constant 0 : i32
      %dma_start3A_46 = tpu.memref_slice %arg9[%dma_start3A, %dma_start3A_45] : memref<128x128xf32, #tpu.memory_space<vmem>> -> memref<120x128xf32, #tpu.memory_space<vmem>>
      %dma_start3A_47 = arith.constant 0 : i32
      %dma_start3A_48 = tpu.memref_slice %arg6[%add3A_44, %dma_start3A_47] : memref<20224x128xf32, #tpu.memory_space<hbm>> -> memref<120x128xf32, #tpu.memory_space<hbm>>
      %dma_start3A_49 = arith.constant 0 : i32
      %dma_start3A_50 = tpu.memref_slice %arg6[%add3A_44, %dma_start3A_49] : memref<20224x128xf32, #tpu.memory_space<hbm>> -> memref<120x128xf32, #tpu.memory_space<hbm>>
      %dma_start3A_51 = arith.constant 0 : i32
      %dma_start3A_52 = arith.constant 0 : i32
      %dma_start3A_53 = tpu.memref_slice %arg9[%dma_start3A_51, %dma_start3A_52] : memref<128x128xf32, #tpu.memory_space<vmem>> -> memref<120x128xf32, #tpu.memory_space<vmem>>
      tpu.enqueue_dma source(%dma_start3A_53 : memref<120x128xf32, #tpu.memory_space<vmem>>) target(%dma_start3A_50 : memref<120x128xf32, #tpu.memory_space<hbm>>) target_semaphore(%run_scoped3A : memref<!tpu.dma_semaphore, #tpu.memory_space<semaphore_mem>>)
      %dma_wait3A = arith.constant 0 : i32
      %dma_wait3A_54 = arith.constant 0 : i32
      %dma_wait3A_55 = tpu.memref_slice %arg9[%dma_wait3A, %dma_wait3A_54] : memref<128x128xf32, #tpu.memory_space<vmem>> -> memref<120x128xf32, #tpu.memory_space<vmem>>
      %dma_wait3A_56 = arith.constant 0 : i32
      %dma_wait3A_57 = tpu.memref_slice %arg6[%add3A_44, %dma_wait3A_56] : memref<20224x128xf32, #tpu.memory_space<hbm>> -> memref<120x128xf32, #tpu.memory_space<hbm>>
      %dma_wait3A_58 = arith.constant 0 : i32
      %dma_wait3A_59 = tpu.memref_slice %arg6[%add3A_44, %dma_wait3A_58] : memref<20224x128xf32, #tpu.memory_space<hbm>> -> memref<120x128xf32, #tpu.memory_space<hbm>>
      %dma_wait3A_60 = arith.constant 0 : i32
      %dma_wait3A_61 = arith.constant 0 : i32
      %dma_wait3A_62 = tpu.memref_slice %arg9[%dma_wait3A_60, %dma_wait3A_61] : memref<128x128xf32, #tpu.memory_space<vmem>> -> memref<120x128xf32, #tpu.memory_space<vmem>>
      tpu.wait_dma2 semaphore(%run_scoped3A : memref<!tpu.dma_semaphore, #tpu.memory_space<semaphore_mem>>) src(%dma_wait3A_62 : memref<120x128xf32, #tpu.memory_space<vmem>>) dst(%dma_wait3A_59 : memref<120x128xf32, #tpu.memory_space<hbm>>)
      tpu.yield
    }) : () -> ()
    return
  }
}

#map = affine_map<(d0, d1) -> (0, 0)>
#map1 = affine_map<(d0, d1) -> (0)>
module attributes {stable_mosaic.version = 14 : i64} {
  func.func @_sc_agg_body(%arg0: i32, %arg1: i32, %arg2: memref<10000x128xf32, #tpu.memory_space<hbm>>, %arg3: memref<323584xi32, #tpu.memory_space<hbm>>, %arg4: memref<323584xi32, #tpu.memory_space<hbm>>, %arg5: memref<10112x128xf32, #tpu.memory_space<hbm>>, %arg6: memref<20224x128xf32, #tpu.memory_space<hbm>>, %arg7: memref<128xi32, #tpu.memory_space<vmem>>, %arg8: memref<128xi32, #tpu.memory_space<vmem>>, %arg9: memref<128x128xf32, #tpu.memory_space<vmem>>, %arg10: memref<10112x128xf32, #tpu.memory_space<vmem_shared>>, %arg11: memref<!tpu.dma_semaphore, #tpu.memory_space<semaphore_mem>>) attributes {dimension_semantics = [#tpu.dimension_semantics<core_parallel>, #tpu.dimension_semantics<subcore_parallel>], iteration_bounds = array<i64: 2, 16>, scalar_prefetch = 0 : i64, scratch_operands = 5 : i64, tpu.core_type = #tpu.core_type<sc_vector_subcore>, window_params = [{transform_indices = #map}, {transform_indices = #map1}, {transform_indices = #map1}, {transform_indices = #map}, {transform_indices = #map}]} {
    %mul3A = arith.constant 2 : i32
    %mul3A_0 = arith.muli %arg1, %mul3A : i32
    %add3A = arith.addi %mul3A_0, %arg0 : i32
    %mul3A_1 = arith.constant 632 : i32
    %mul3A_2 = arith.muli %arg1, %mul3A_1 : i32
    %multiple_of3A = tpu.assume_multiple %mul3A_2, 8 : i32
    "tpu.region"() ({
      %run_scoped3A = tpu.sem_alloc : memref<!tpu.dma_semaphore, #tpu.memory_space<semaphore_mem>>
      %dma_start3A = arith.constant 0 : i32
      %dma_start3A_45 = arith.constant 0 : i32
      %dma_start3A_46 = tpu.memref_slice %arg5[%dma_start3A, %dma_start3A_45] : memref<10112x128xf32, #tpu.memory_space<hbm>> -> memref<128x128xf32, #tpu.memory_space<hbm>>
      %dma_start3A_47 = arith.constant 0 : i32
      %dma_start3A_48 = arith.constant 0 : i32
      %dma_start3A_49 = tpu.memref_slice %arg5[%dma_start3A_47, %dma_start3A_48] : memref<10112x128xf32, #tpu.memory_space<hbm>> -> memref<128x128xf32, #tpu.memory_space<hbm>>
      tpu.enqueue_dma source(%dma_start3A_49 : memref<128x128xf32, #tpu.memory_space<hbm>>) target(%arg9 : memref<128x128xf32, #tpu.memory_space<vmem>>) target_semaphore(%run_scoped3A : memref<!tpu.dma_semaphore, #tpu.memory_space<semaphore_mem>>)
      %dma_wait3A = arith.constant 0 : i32
      %dma_wait3A_50 = arith.constant 0 : i32
      %dma_wait3A_51 = tpu.memref_slice %arg5[%dma_wait3A, %dma_wait3A_50] : memref<10112x128xf32, #tpu.memory_space<hbm>> -> memref<128x128xf32, #tpu.memory_space<hbm>>
      %dma_wait3A_52 = arith.constant 0 : i32
      %dma_wait3A_53 = arith.constant 0 : i32
      %dma_wait3A_54 = tpu.memref_slice %arg5[%dma_wait3A_52, %dma_wait3A_53] : memref<10112x128xf32, #tpu.memory_space<hbm>> -> memref<128x128xf32, #tpu.memory_space<hbm>>
      tpu.wait_dma2 semaphore(%run_scoped3A : memref<!tpu.dma_semaphore, #tpu.memory_space<semaphore_mem>>) src(%dma_wait3A_54 : memref<128x128xf32, #tpu.memory_space<hbm>>) dst(%arg9 : memref<128x128xf32, #tpu.memory_space<vmem>>)
      tpu.yield
    }) : () -> ()
    %add3A_3 = arith.constant 0 : i32
    %add3A_4 = arith.addi %multiple_of3A, %add3A_3 : i32
    "tpu.region"() ({
      %run_scoped3A = tpu.sem_alloc : memref<!tpu.dma_semaphore, #tpu.memory_space<semaphore_mem>>
      %dma_start3A = arith.constant 0 : i32
      %dma_start3A_45 = arith.constant 0 : i32
      %dma_start3A_46 = tpu.memref_slice %arg9[%dma_start3A, %dma_start3A_45] : memref<128x128xf32, #tpu.memory_space<vmem>> -> memref<128x128xf32, #tpu.memory_space<vmem>>
      %dma_start3A_47 = arith.constant 0 : i32
      %dma_start3A_48 = tpu.memref_slice %arg10[%add3A_4, %dma_start3A_47] : memref<10112x128xf32, #tpu.memory_space<vmem_shared>> -> memref<128x128xf32, #tpu.memory_space<vmem_shared>>
      %dma_start3A_49 = arith.constant 0 : i32
      %dma_start3A_50 = tpu.memref_slice %arg10[%add3A_4, %dma_start3A_49] : memref<10112x128xf32, #tpu.memory_space<vmem_shared>> -> memref<128x128xf32, #tpu.memory_space<vmem_shared>>
      %dma_start3A_51 = arith.constant 0 : i32
      %dma_start3A_52 = arith.constant 0 : i32
      %dma_start3A_53 = tpu.memref_slice %arg9[%dma_start3A_51, %dma_start3A_52] : memref<128x128xf32, #tpu.memory_space<vmem>> -> memref<128x128xf32, #tpu.memory_space<vmem>>
      tpu.enqueue_dma source(%dma_start3A_53 : memref<128x128xf32, #tpu.memory_space<vmem>>) target(%dma_start3A_50 : memref<128x128xf32, #tpu.memory_space<vmem_shared>>) target_semaphore(%run_scoped3A : memref<!tpu.dma_semaphore, #tpu.memory_space<semaphore_mem>>)
      %dma_wait3A = arith.constant 0 : i32
      %dma_wait3A_54 = arith.constant 0 : i32
      %dma_wait3A_55 = tpu.memref_slice %arg9[%dma_wait3A, %dma_wait3A_54] : memref<128x128xf32, #tpu.memory_space<vmem>> -> memref<128x128xf32, #tpu.memory_space<vmem>>
      %dma_wait3A_56 = arith.constant 0 : i32
      %dma_wait3A_57 = tpu.memref_slice %arg10[%add3A_4, %dma_wait3A_56] : memref<10112x128xf32, #tpu.memory_space<vmem_shared>> -> memref<128x128xf32, #tpu.memory_space<vmem_shared>>
      %dma_wait3A_58 = arith.constant 0 : i32
      %dma_wait3A_59 = tpu.memref_slice %arg10[%add3A_4, %dma_wait3A_58] : memref<10112x128xf32, #tpu.memory_space<vmem_shared>> -> memref<128x128xf32, #tpu.memory_space<vmem_shared>>
      %dma_wait3A_60 = arith.constant 0 : i32
      %dma_wait3A_61 = arith.constant 0 : i32
      %dma_wait3A_62 = tpu.memref_slice %arg9[%dma_wait3A_60, %dma_wait3A_61] : memref<128x128xf32, #tpu.memory_space<vmem>> -> memref<128x128xf32, #tpu.memory_space<vmem>>
      tpu.wait_dma2 semaphore(%run_scoped3A : memref<!tpu.dma_semaphore, #tpu.memory_space<semaphore_mem>>) src(%dma_wait3A_62 : memref<128x128xf32, #tpu.memory_space<vmem>>) dst(%dma_wait3A_59 : memref<128x128xf32, #tpu.memory_space<vmem_shared>>)
      tpu.yield
    }) : () -> ()
    %add3A_5 = arith.constant 128 : i32
    %add3A_6 = arith.addi %multiple_of3A, %add3A_5 : i32
    "tpu.region"() ({
      %run_scoped3A = tpu.sem_alloc : memref<!tpu.dma_semaphore, #tpu.memory_space<semaphore_mem>>
      %dma_start3A = arith.constant 0 : i32
      %dma_start3A_45 = arith.constant 0 : i32
      %dma_start3A_46 = tpu.memref_slice %arg9[%dma_start3A, %dma_start3A_45] : memref<128x128xf32, #tpu.memory_space<vmem>> -> memref<128x128xf32, #tpu.memory_space<vmem>>
      %dma_start3A_47 = arith.constant 0 : i32
      %dma_start3A_48 = tpu.memref_slice %arg10[%add3A_6, %dma_start3A_47] : memref<10112x128xf32, #tpu.memory_space<vmem_shared>> -> memref<128x128xf32, #tpu.memory_space<vmem_shared>>
      %dma_start3A_49 = arith.constant 0 : i32
      %dma_start3A_50 = tpu.memref_slice %arg10[%add3A_6, %dma_start3A_49] : memref<10112x128xf32, #tpu.memory_space<vmem_shared>> -> memref<128x128xf32, #tpu.memory_space<vmem_shared>>
      %dma_start3A_51 = arith.constant 0 : i32
      %dma_start3A_52 = arith.constant 0 : i32
      %dma_start3A_53 = tpu.memref_slice %arg9[%dma_start3A_51, %dma_start3A_52] : memref<128x128xf32, #tpu.memory_space<vmem>> -> memref<128x128xf32, #tpu.memory_space<vmem>>
      tpu.enqueue_dma source(%dma_start3A_53 : memref<128x128xf32, #tpu.memory_space<vmem>>) target(%dma_start3A_50 : memref<128x128xf32, #tpu.memory_space<vmem_shared>>) target_semaphore(%run_scoped3A : memref<!tpu.dma_semaphore, #tpu.memory_space<semaphore_mem>>)
      %dma_wait3A = arith.constant 0 : i32
      %dma_wait3A_54 = arith.constant 0 : i32
      %dma_wait3A_55 = tpu.memref_slice %arg9[%dma_wait3A, %dma_wait3A_54] : memref<128x128xf32, #tpu.memory_space<vmem>> -> memref<128x128xf32, #tpu.memory_space<vmem>>
      %dma_wait3A_56 = arith.constant 0 : i32
      %dma_wait3A_57 = tpu.memref_slice %arg10[%add3A_6, %dma_wait3A_56] : memref<10112x128xf32, #tpu.memory_space<vmem_shared>> -> memref<128x128xf32, #tpu.memory_space<vmem_shared>>
      %dma_wait3A_58 = arith.constant 0 : i32
      %dma_wait3A_59 = tpu.memref_slice %arg10[%add3A_6, %dma_wait3A_58] : memref<10112x128xf32, #tpu.memory_space<vmem_shared>> -> memref<128x128xf32, #tpu.memory_space<vmem_shared>>
      %dma_wait3A_60 = arith.constant 0 : i32
      %dma_wait3A_61 = arith.constant 0 : i32
      %dma_wait3A_62 = tpu.memref_slice %arg9[%dma_wait3A_60, %dma_wait3A_61] : memref<128x128xf32, #tpu.memory_space<vmem>> -> memref<128x128xf32, #tpu.memory_space<vmem>>
      tpu.wait_dma2 semaphore(%run_scoped3A : memref<!tpu.dma_semaphore, #tpu.memory_space<semaphore_mem>>) src(%dma_wait3A_62 : memref<128x128xf32, #tpu.memory_space<vmem>>) dst(%dma_wait3A_59 : memref<128x128xf32, #tpu.memory_space<vmem_shared>>)
      tpu.yield
    }) : () -> ()
    %add3A_7 = arith.constant 256 : i32
    %add3A_8 = arith.addi %multiple_of3A, %add3A_7 : i32
    "tpu.region"() ({
      %run_scoped3A = tpu.sem_alloc : memref<!tpu.dma_semaphore, #tpu.memory_space<semaphore_mem>>
      %dma_start3A = arith.constant 0 : i32
      %dma_start3A_45 = arith.constant 0 : i32
      %dma_start3A_46 = tpu.memref_slice %arg9[%dma_start3A, %dma_start3A_45] : memref<128x128xf32, #tpu.memory_space<vmem>> -> memref<128x128xf32, #tpu.memory_space<vmem>>
      %dma_start3A_47 = arith.constant 0 : i32
      %dma_start3A_48 = tpu.memref_slice %arg10[%add3A_8, %dma_start3A_47] : memref<10112x128xf32, #tpu.memory_space<vmem_shared>> -> memref<128x128xf32, #tpu.memory_space<vmem_shared>>
      %dma_start3A_49 = arith.constant 0 : i32
      %dma_start3A_50 = tpu.memref_slice %arg10[%add3A_8, %dma_start3A_49] : memref<10112x128xf32, #tpu.memory_space<vmem_shared>> -> memref<128x128xf32, #tpu.memory_space<vmem_shared>>
      %dma_start3A_51 = arith.constant 0 : i32
      %dma_start3A_52 = arith.constant 0 : i32
      %dma_start3A_53 = tpu.memref_slice %arg9[%dma_start3A_51, %dma_start3A_52] : memref<128x128xf32, #tpu.memory_space<vmem>> -> memref<128x128xf32, #tpu.memory_space<vmem>>
      tpu.enqueue_dma source(%dma_start3A_53 : memref<128x128xf32, #tpu.memory_space<vmem>>) target(%dma_start3A_50 : memref<128x128xf32, #tpu.memory_space<vmem_shared>>) target_semaphore(%run_scoped3A : memref<!tpu.dma_semaphore, #tpu.memory_space<semaphore_mem>>)
      %dma_wait3A = arith.constant 0 : i32
      %dma_wait3A_54 = arith.constant 0 : i32
      %dma_wait3A_55 = tpu.memref_slice %arg9[%dma_wait3A, %dma_wait3A_54] : memref<128x128xf32, #tpu.memory_space<vmem>> -> memref<128x128xf32, #tpu.memory_space<vmem>>
      %dma_wait3A_56 = arith.constant 0 : i32
      %dma_wait3A_57 = tpu.memref_slice %arg10[%add3A_8, %dma_wait3A_56] : memref<10112x128xf32, #tpu.memory_space<vmem_shared>> -> memref<128x128xf32, #tpu.memory_space<vmem_shared>>
      %dma_wait3A_58 = arith.constant 0 : i32
      %dma_wait3A_59 = tpu.memref_slice %arg10[%add3A_8, %dma_wait3A_58] : memref<10112x128xf32, #tpu.memory_space<vmem_shared>> -> memref<128x128xf32, #tpu.memory_space<vmem_shared>>
      %dma_wait3A_60 = arith.constant 0 : i32
      %dma_wait3A_61 = arith.constant 0 : i32
      %dma_wait3A_62 = tpu.memref_slice %arg9[%dma_wait3A_60, %dma_wait3A_61] : memref<128x128xf32, #tpu.memory_space<vmem>> -> memref<128x128xf32, #tpu.memory_space<vmem>>
      tpu.wait_dma2 semaphore(%run_scoped3A : memref<!tpu.dma_semaphore, #tpu.memory_space<semaphore_mem>>) src(%dma_wait3A_62 : memref<128x128xf32, #tpu.memory_space<vmem>>) dst(%dma_wait3A_59 : memref<128x128xf32, #tpu.memory_space<vmem_shared>>)
      tpu.yield
    }) : () -> ()
    %add3A_9 = arith.constant 384 : i32
    %add3A_10 = arith.addi %multiple_of3A, %add3A_9 : i32
    "tpu.region"() ({
      %run_scoped3A = tpu.sem_alloc : memref<!tpu.dma_semaphore, #tpu.memory_space<semaphore_mem>>
      %dma_start3A = arith.constant 0 : i32
      %dma_start3A_45 = arith.constant 0 : i32
      %dma_start3A_46 = tpu.memref_slice %arg9[%dma_start3A, %dma_start3A_45] : memref<128x128xf32, #tpu.memory_space<vmem>> -> memref<128x128xf32, #tpu.memory_space<vmem>>
      %dma_start3A_47 = arith.constant 0 : i32
      %dma_start3A_48 = tpu.memref_slice %arg10[%add3A_10, %dma_start3A_47] : memref<10112x128xf32, #tpu.memory_space<vmem_shared>> -> memref<128x128xf32, #tpu.memory_space<vmem_shared>>
      %dma_start3A_49 = arith.constant 0 : i32
      %dma_start3A_50 = tpu.memref_slice %arg10[%add3A_10, %dma_start3A_49] : memref<10112x128xf32, #tpu.memory_space<vmem_shared>> -> memref<128x128xf32, #tpu.memory_space<vmem_shared>>
      %dma_start3A_51 = arith.constant 0 : i32
      %dma_start3A_52 = arith.constant 0 : i32
      %dma_start3A_53 = tpu.memref_slice %arg9[%dma_start3A_51, %dma_start3A_52] : memref<128x128xf32, #tpu.memory_space<vmem>> -> memref<128x128xf32, #tpu.memory_space<vmem>>
      tpu.enqueue_dma source(%dma_start3A_53 : memref<128x128xf32, #tpu.memory_space<vmem>>) target(%dma_start3A_50 : memref<128x128xf32, #tpu.memory_space<vmem_shared>>) target_semaphore(%run_scoped3A : memref<!tpu.dma_semaphore, #tpu.memory_space<semaphore_mem>>)
      %dma_wait3A = arith.constant 0 : i32
      %dma_wait3A_54 = arith.constant 0 : i32
      %dma_wait3A_55 = tpu.memref_slice %arg9[%dma_wait3A, %dma_wait3A_54] : memref<128x128xf32, #tpu.memory_space<vmem>> -> memref<128x128xf32, #tpu.memory_space<vmem>>
      %dma_wait3A_56 = arith.constant 0 : i32
      %dma_wait3A_57 = tpu.memref_slice %arg10[%add3A_10, %dma_wait3A_56] : memref<10112x128xf32, #tpu.memory_space<vmem_shared>> -> memref<128x128xf32, #tpu.memory_space<vmem_shared>>
      %dma_wait3A_58 = arith.constant 0 : i32
      %dma_wait3A_59 = tpu.memref_slice %arg10[%add3A_10, %dma_wait3A_58] : memref<10112x128xf32, #tpu.memory_space<vmem_shared>> -> memref<128x128xf32, #tpu.memory_space<vmem_shared>>
      %dma_wait3A_60 = arith.constant 0 : i32
      %dma_wait3A_61 = arith.constant 0 : i32
      %dma_wait3A_62 = tpu.memref_slice %arg9[%dma_wait3A_60, %dma_wait3A_61] : memref<128x128xf32, #tpu.memory_space<vmem>> -> memref<128x128xf32, #tpu.memory_space<vmem>>
      tpu.wait_dma2 semaphore(%run_scoped3A : memref<!tpu.dma_semaphore, #tpu.memory_space<semaphore_mem>>) src(%dma_wait3A_62 : memref<128x128xf32, #tpu.memory_space<vmem>>) dst(%dma_wait3A_59 : memref<128x128xf32, #tpu.memory_space<vmem_shared>>)
      tpu.yield
    }) : () -> ()
    %add3A_11 = arith.constant 512 : i32
    %add3A_12 = arith.addi %multiple_of3A, %add3A_11 : i32
    "tpu.region"() ({
      %run_scoped3A = tpu.sem_alloc : memref<!tpu.dma_semaphore, #tpu.memory_space<semaphore_mem>>
      %dma_start3A = arith.constant 0 : i32
      %dma_start3A_45 = arith.constant 0 : i32
      %dma_start3A_46 = tpu.memref_slice %arg9[%dma_start3A, %dma_start3A_45] : memref<128x128xf32, #tpu.memory_space<vmem>> -> memref<120x128xf32, #tpu.memory_space<vmem>>
      %dma_start3A_47 = arith.constant 0 : i32
      %dma_start3A_48 = tpu.memref_slice %arg10[%add3A_12, %dma_start3A_47] : memref<10112x128xf32, #tpu.memory_space<vmem_shared>> -> memref<120x128xf32, #tpu.memory_space<vmem_shared>>
      %dma_start3A_49 = arith.constant 0 : i32
      %dma_start3A_50 = tpu.memref_slice %arg10[%add3A_12, %dma_start3A_49] : memref<10112x128xf32, #tpu.memory_space<vmem_shared>> -> memref<120x128xf32, #tpu.memory_space<vmem_shared>>
      %dma_start3A_51 = arith.constant 0 : i32
      %dma_start3A_52 = arith.constant 0 : i32
      %dma_start3A_53 = tpu.memref_slice %arg9[%dma_start3A_51, %dma_start3A_52] : memref<128x128xf32, #tpu.memory_space<vmem>> -> memref<120x128xf32, #tpu.memory_space<vmem>>
      tpu.enqueue_dma source(%dma_start3A_53 : memref<120x128xf32, #tpu.memory_space<vmem>>) target(%dma_start3A_50 : memref<120x128xf32, #tpu.memory_space<vmem_shared>>) target_semaphore(%run_scoped3A : memref<!tpu.dma_semaphore, #tpu.memory_space<semaphore_mem>>)
      %dma_wait3A = arith.constant 0 : i32
      %dma_wait3A_54 = arith.constant 0 : i32
      %dma_wait3A_55 = tpu.memref_slice %arg9[%dma_wait3A, %dma_wait3A_54] : memref<128x128xf32, #tpu.memory_space<vmem>> -> memref<120x128xf32, #tpu.memory_space<vmem>>
      %dma_wait3A_56 = arith.constant 0 : i32
      %dma_wait3A_57 = tpu.memref_slice %arg10[%add3A_12, %dma_wait3A_56] : memref<10112x128xf32, #tpu.memory_space<vmem_shared>> -> memref<120x128xf32, #tpu.memory_space<vmem_shared>>
      %dma_wait3A_58 = arith.constant 0 : i32
      %dma_wait3A_59 = tpu.memref_slice %arg10[%add3A_12, %dma_wait3A_58] : memref<10112x128xf32, #tpu.memory_space<vmem_shared>> -> memref<120x128xf32, #tpu.memory_space<vmem_shared>>
      %dma_wait3A_60 = arith.constant 0 : i32
      %dma_wait3A_61 = arith.constant 0 : i32
      %dma_wait3A_62 = tpu.memref_slice %arg9[%dma_wait3A_60, %dma_wait3A_61] : memref<128x128xf32, #tpu.memory_space<vmem>> -> memref<120x128xf32, #tpu.memory_space<vmem>>
      tpu.wait_dma2 semaphore(%run_scoped3A : memref<!tpu.dma_semaphore, #tpu.memory_space<semaphore_mem>>) src(%dma_wait3A_62 : memref<120x128xf32, #tpu.memory_space<vmem>>) dst(%dma_wait3A_59 : memref<120x128xf32, #tpu.memory_space<vmem_shared>>)
      tpu.yield
    }) : () -> ()
    %barrier3A = arith.constant 0 : index
    tpu.barrier barrier_id(%barrier3A)
    %scan3A = arith.constant 0 : i32
    %scan3A_13 = arith.constant 0 : i32
    %scan3A_14 = arith.constant 79 : i32
    %scan3A_15 = arith.addi %scan3A_13, %scan3A_14 : i32
    %scan3A_16 = arith.constant 1 : i32
    scf.for %scan3A_45 = %scan3A_13 to %scan3A_15 step %scan3A_16  : i32 {
      %mul3A_46 = arith.constant 10112 : i32
      %mul3A_47 = arith.muli %add3A, %mul3A_46 : i32
      %mul3A_48 = arith.constant 128 : i32
      %mul3A_49 = arith.muli %scan3A_45, %mul3A_48 : i32
      %add3A_50 = arith.addi %mul3A_47, %mul3A_49 : i32
      %multiple_of3A_51 = tpu.assume_multiple %add3A_50, 8 : i32
      "tpu.region"() ({
        %run_scoped3A = tpu.sem_alloc : memref<!tpu.dma_semaphore, #tpu.memory_space<semaphore_mem>>
        %dma_start3A_56 = tpu.memref_slice %arg3[%multiple_of3A_51] : memref<323584xi32, #tpu.memory_space<hbm>> -> memref<128xi32, #tpu.memory_space<hbm>>
        %dma_start3A_57 = tpu.memref_slice %arg3[%multiple_of3A_51] : memref<323584xi32, #tpu.memory_space<hbm>> -> memref<128xi32, #tpu.memory_space<hbm>>
        tpu.enqueue_dma source(%dma_start3A_57 : memref<128xi32, #tpu.memory_space<hbm>>) target(%arg7 : memref<128xi32, #tpu.memory_space<vmem>>) target_semaphore(%run_scoped3A : memref<!tpu.dma_semaphore, #tpu.memory_space<semaphore_mem>>)
        %dma_wait3A_58 = tpu.memref_slice %arg3[%multiple_of3A_51] : memref<323584xi32, #tpu.memory_space<hbm>> -> memref<128xi32, #tpu.memory_space<hbm>>
        %dma_wait3A_59 = tpu.memref_slice %arg3[%multiple_of3A_51] : memref<323584xi32, #tpu.memory_space<hbm>> -> memref<128xi32, #tpu.memory_space<hbm>>
        tpu.wait_dma2 semaphore(%run_scoped3A : memref<!tpu.dma_semaphore, #tpu.memory_space<semaphore_mem>>) src(%dma_wait3A_59 : memref<128xi32, #tpu.memory_space<hbm>>) dst(%arg7 : memref<128xi32, #tpu.memory_space<vmem>>)
        tpu.yield
      }) : () -> ()
      "tpu.region"() ({
        %run_scoped3A = tpu.sem_alloc : memref<!tpu.dma_semaphore, #tpu.memory_space<semaphore_mem>>
        %dma_start3A_56 = tpu.memref_slice %arg4[%multiple_of3A_51] : memref<323584xi32, #tpu.memory_space<hbm>> -> memref<128xi32, #tpu.memory_space<hbm>>
        %dma_start3A_57 = tpu.memref_slice %arg4[%multiple_of3A_51] : memref<323584xi32, #tpu.memory_space<hbm>> -> memref<128xi32, #tpu.memory_space<hbm>>
        tpu.enqueue_dma source(%dma_start3A_57 : memref<128xi32, #tpu.memory_space<hbm>>) target(%arg8 : memref<128xi32, #tpu.memory_space<vmem>>) target_semaphore(%run_scoped3A : memref<!tpu.dma_semaphore, #tpu.memory_space<semaphore_mem>>)
        %dma_wait3A_58 = tpu.memref_slice %arg4[%multiple_of3A_51] : memref<323584xi32, #tpu.memory_space<hbm>> -> memref<128xi32, #tpu.memory_space<hbm>>
        %dma_wait3A_59 = tpu.memref_slice %arg4[%multiple_of3A_51] : memref<323584xi32, #tpu.memory_space<hbm>> -> memref<128xi32, #tpu.memory_space<hbm>>
        tpu.wait_dma2 semaphore(%run_scoped3A : memref<!tpu.dma_semaphore, #tpu.memory_space<semaphore_mem>>) src(%dma_wait3A_59 : memref<128xi32, #tpu.memory_space<hbm>>) dst(%arg8 : memref<128xi32, #tpu.memory_space<vmem>>)
        tpu.yield
      }) : () -> ()
      %dma_start3A = arith.constant 0 : i32
      %dma_start3A_52 = arith.constant 0 : i32
      %dma_start3A_53 = tpu.memref_slice %arg2[%dma_start3A, %dma_start3A_52] : memref<10000x128xf32, #tpu.memory_space<hbm>> -> memref<10000x128xf32, #tpu.memory_space<hbm>>
      tpu.enqueue_indirect_dma source(%dma_start3A_53 : memref<10000x128xf32, #tpu.memory_space<hbm>>) target(%arg9 : memref<128x128xf32, #tpu.memory_space<vmem>>) offsets(%arg7 : memref<128xi32, #tpu.memory_space<vmem>>) semaphore(%arg11 : memref<!tpu.dma_semaphore, #tpu.memory_space<semaphore_mem>>)
      %dma_wait3A = arith.constant 0 : i32
      %dma_wait3A_54 = arith.constant 0 : i32
      %dma_wait3A_55 = tpu.memref_slice %arg2[%dma_wait3A, %dma_wait3A_54] : memref<10000x128xf32, #tpu.memory_space<hbm>> -> memref<10000x128xf32, #tpu.memory_space<hbm>>
      tpu.wait_indirect_dma semaphore(%arg11 : memref<!tpu.dma_semaphore, #tpu.memory_space<semaphore_mem>>) src(%dma_wait3A_55 : memref<10000x128xf32, #tpu.memory_space<hbm>>) dst(%arg9 : memref<128x128xf32, #tpu.memory_space<vmem>>)
      "tpu.region"() ({
        %run_scoped3A = tpu.sem_alloc : memref<!tpu.dma_semaphore, #tpu.memory_space<semaphore_mem>>
        %dma_start3A_56 = arith.constant 0 : i32
        %dma_start3A_57 = arith.constant 0 : i32
        %dma_start3A_58 = tpu.memref_slice %arg10[%dma_start3A_56, %dma_start3A_57] : memref<10112x128xf32, #tpu.memory_space<vmem_shared>> -> memref<10112x128xf32, #tpu.memory_space<vmem_shared>>
        tpu.enqueue_indirect_dma source(%arg9 : memref<128x128xf32, #tpu.memory_space<vmem>>) target(%dma_start3A_58 : memref<10112x128xf32, #tpu.memory_space<vmem_shared>>) offsets(%arg8 : memref<128xi32, #tpu.memory_space<vmem>>) semaphore(%run_scoped3A : memref<!tpu.dma_semaphore, #tpu.memory_space<semaphore_mem>>) {add = true}
        %dma_wait3A_59 = arith.constant 0 : i32
        %dma_wait3A_60 = arith.constant 0 : i32
        %dma_wait3A_61 = tpu.memref_slice %arg10[%dma_wait3A_59, %dma_wait3A_60] : memref<10112x128xf32, #tpu.memory_space<vmem_shared>> -> memref<10112x128xf32, #tpu.memory_space<vmem_shared>>
        tpu.wait_indirect_dma semaphore(%run_scoped3A : memref<!tpu.dma_semaphore, #tpu.memory_space<semaphore_mem>>) src(%arg9 : memref<128x128xf32, #tpu.memory_space<vmem>>) dst(%dma_wait3A_61 : memref<10112x128xf32, #tpu.memory_space<vmem_shared>>)
        tpu.yield
      }) : () -> ()
    }
    %scan3A_17 = arith.constant 79 : i32
    %barrier3A_18 = arith.constant 0 : index
    tpu.barrier barrier_id(%barrier3A_18)
    %mul3A_19 = arith.constant 10112 : i32
    %mul3A_20 = arith.muli %arg0, %mul3A_19 : i32
    %mul3A_21 = arith.constant 632 : i32
    %mul3A_22 = arith.muli %arg1, %mul3A_21 : i32
    %add3A_23 = arith.addi %mul3A_20, %mul3A_22 : i32
    %multiple_of3A_24 = tpu.assume_multiple %add3A_23, 8 : i32
    %add3A_25 = arith.constant 0 : i32
    %add3A_26 = arith.addi %multiple_of3A, %add3A_25 : i32
    "tpu.region"() ({
      %run_scoped3A = tpu.sem_alloc : memref<!tpu.dma_semaphore, #tpu.memory_space<semaphore_mem>>
      %dma_start3A = arith.constant 0 : i32
      %dma_start3A_45 = arith.constant 0 : i32
      %dma_start3A_46 = tpu.memref_slice %arg9[%dma_start3A, %dma_start3A_45] : memref<128x128xf32, #tpu.memory_space<vmem>> -> memref<128x128xf32, #tpu.memory_space<vmem>>
      %dma_start3A_47 = arith.constant 0 : i32
      %dma_start3A_48 = tpu.memref_slice %arg10[%add3A_26, %dma_start3A_47] : memref<10112x128xf32, #tpu.memory_space<vmem_shared>> -> memref<128x128xf32, #tpu.memory_space<vmem_shared>>
      %dma_start3A_49 = arith.constant 0 : i32
      %dma_start3A_50 = arith.constant 0 : i32
      %dma_start3A_51 = tpu.memref_slice %arg9[%dma_start3A_49, %dma_start3A_50] : memref<128x128xf32, #tpu.memory_space<vmem>> -> memref<128x128xf32, #tpu.memory_space<vmem>>
      %dma_start3A_52 = arith.constant 0 : i32
      %dma_start3A_53 = tpu.memref_slice %arg10[%add3A_26, %dma_start3A_52] : memref<10112x128xf32, #tpu.memory_space<vmem_shared>> -> memref<128x128xf32, #tpu.memory_space<vmem_shared>>
      tpu.enqueue_dma source(%dma_start3A_53 : memref<128x128xf32, #tpu.memory_space<vmem_shared>>) target(%dma_start3A_51 : memref<128x128xf32, #tpu.memory_space<vmem>>) target_semaphore(%run_scoped3A : memref<!tpu.dma_semaphore, #tpu.memory_space<semaphore_mem>>)
      %dma_wait3A = arith.constant 0 : i32
      %dma_wait3A_54 = arith.constant 0 : i32
      %dma_wait3A_55 = tpu.memref_slice %arg9[%dma_wait3A, %dma_wait3A_54] : memref<128x128xf32, #tpu.memory_space<vmem>> -> memref<128x128xf32, #tpu.memory_space<vmem>>
      %dma_wait3A_56 = arith.constant 0 : i32
      %dma_wait3A_57 = tpu.memref_slice %arg10[%add3A_26, %dma_wait3A_56] : memref<10112x128xf32, #tpu.memory_space<vmem_shared>> -> memref<128x128xf32, #tpu.memory_space<vmem_shared>>
      %dma_wait3A_58 = arith.constant 0 : i32
      %dma_wait3A_59 = arith.constant 0 : i32
      %dma_wait3A_60 = tpu.memref_slice %arg9[%dma_wait3A_58, %dma_wait3A_59] : memref<128x128xf32, #tpu.memory_space<vmem>> -> memref<128x128xf32, #tpu.memory_space<vmem>>
      %dma_wait3A_61 = arith.constant 0 : i32
      %dma_wait3A_62 = tpu.memref_slice %arg10[%add3A_26, %dma_wait3A_61] : memref<10112x128xf32, #tpu.memory_space<vmem_shared>> -> memref<128x128xf32, #tpu.memory_space<vmem_shared>>
      tpu.wait_dma2 semaphore(%run_scoped3A : memref<!tpu.dma_semaphore, #tpu.memory_space<semaphore_mem>>) src(%dma_wait3A_62 : memref<128x128xf32, #tpu.memory_space<vmem_shared>>) dst(%dma_wait3A_60 : memref<128x128xf32, #tpu.memory_space<vmem>>)
      tpu.yield
    }) : () -> ()
    %add3A_27 = arith.constant 0 : i32
    %add3A_28 = arith.addi %multiple_of3A_24, %add3A_27 : i32
    "tpu.region"() ({
      %run_scoped3A = tpu.sem_alloc : memref<!tpu.dma_semaphore, #tpu.memory_space<semaphore_mem>>
      %dma_start3A = arith.constant 0 : i32
      %dma_start3A_45 = arith.constant 0 : i32
      %dma_start3A_46 = tpu.memref_slice %arg9[%dma_start3A, %dma_start3A_45] : memref<128x128xf32, #tpu.memory_space<vmem>> -> memref<128x128xf32, #tpu.memory_space<vmem>>
      %dma_start3A_47 = arith.constant 0 : i32
      %dma_start3A_48 = tpu.memref_slice %arg6[%add3A_28, %dma_start3A_47] : memref<20224x128xf32, #tpu.memory_space<hbm>> -> memref<128x128xf32, #tpu.memory_space<hbm>>
      %dma_start3A_49 = arith.constant 0 : i32
      %dma_start3A_50 = tpu.memref_slice %arg6[%add3A_28, %dma_start3A_49] : memref<20224x128xf32, #tpu.memory_space<hbm>> -> memref<128x128xf32, #tpu.memory_space<hbm>>
      %dma_start3A_51 = arith.constant 0 : i32
      %dma_start3A_52 = arith.constant 0 : i32
      %dma_start3A_53 = tpu.memref_slice %arg9[%dma_start3A_51, %dma_start3A_52] : memref<128x128xf32, #tpu.memory_space<vmem>> -> memref<128x128xf32, #tpu.memory_space<vmem>>
      tpu.enqueue_dma source(%dma_start3A_53 : memref<128x128xf32, #tpu.memory_space<vmem>>) target(%dma_start3A_50 : memref<128x128xf32, #tpu.memory_space<hbm>>) target_semaphore(%run_scoped3A : memref<!tpu.dma_semaphore, #tpu.memory_space<semaphore_mem>>)
      %dma_wait3A = arith.constant 0 : i32
      %dma_wait3A_54 = arith.constant 0 : i32
      %dma_wait3A_55 = tpu.memref_slice %arg9[%dma_wait3A, %dma_wait3A_54] : memref<128x128xf32, #tpu.memory_space<vmem>> -> memref<128x128xf32, #tpu.memory_space<vmem>>
      %dma_wait3A_56 = arith.constant 0 : i32
      %dma_wait3A_57 = tpu.memref_slice %arg6[%add3A_28, %dma_wait3A_56] : memref<20224x128xf32, #tpu.memory_space<hbm>> -> memref<128x128xf32, #tpu.memory_space<hbm>>
      %dma_wait3A_58 = arith.constant 0 : i32
      %dma_wait3A_59 = tpu.memref_slice %arg6[%add3A_28, %dma_wait3A_58] : memref<20224x128xf32, #tpu.memory_space<hbm>> -> memref<128x128xf32, #tpu.memory_space<hbm>>
      %dma_wait3A_60 = arith.constant 0 : i32
      %dma_wait3A_61 = arith.constant 0 : i32
      %dma_wait3A_62 = tpu.memref_slice %arg9[%dma_wait3A_60, %dma_wait3A_61] : memref<128x128xf32, #tpu.memory_space<vmem>> -> memref<128x128xf32, #tpu.memory_space<vmem>>
      tpu.wait_dma2 semaphore(%run_scoped3A : memref<!tpu.dma_semaphore, #tpu.memory_space<semaphore_mem>>) src(%dma_wait3A_62 : memref<128x128xf32, #tpu.memory_space<vmem>>) dst(%dma_wait3A_59 : memref<128x128xf32, #tpu.memory_space<hbm>>)
      tpu.yield
    }) : () -> ()
    %add3A_29 = arith.constant 128 : i32
    %add3A_30 = arith.addi %multiple_of3A, %add3A_29 : i32
    "tpu.region"() ({
      %run_scoped3A = tpu.sem_alloc : memref<!tpu.dma_semaphore, #tpu.memory_space<semaphore_mem>>
      %dma_start3A = arith.constant 0 : i32
      %dma_start3A_45 = arith.constant 0 : i32
      %dma_start3A_46 = tpu.memref_slice %arg9[%dma_start3A, %dma_start3A_45] : memref<128x128xf32, #tpu.memory_space<vmem>> -> memref<128x128xf32, #tpu.memory_space<vmem>>
      %dma_start3A_47 = arith.constant 0 : i32
      %dma_start3A_48 = tpu.memref_slice %arg10[%add3A_30, %dma_start3A_47] : memref<10112x128xf32, #tpu.memory_space<vmem_shared>> -> memref<128x128xf32, #tpu.memory_space<vmem_shared>>
      %dma_start3A_49 = arith.constant 0 : i32
      %dma_start3A_50 = arith.constant 0 : i32
      %dma_start3A_51 = tpu.memref_slice %arg9[%dma_start3A_49, %dma_start3A_50] : memref<128x128xf32, #tpu.memory_space<vmem>> -> memref<128x128xf32, #tpu.memory_space<vmem>>
      %dma_start3A_52 = arith.constant 0 : i32
      %dma_start3A_53 = tpu.memref_slice %arg10[%add3A_30, %dma_start3A_52] : memref<10112x128xf32, #tpu.memory_space<vmem_shared>> -> memref<128x128xf32, #tpu.memory_space<vmem_shared>>
      tpu.enqueue_dma source(%dma_start3A_53 : memref<128x128xf32, #tpu.memory_space<vmem_shared>>) target(%dma_start3A_51 : memref<128x128xf32, #tpu.memory_space<vmem>>) target_semaphore(%run_scoped3A : memref<!tpu.dma_semaphore, #tpu.memory_space<semaphore_mem>>)
      %dma_wait3A = arith.constant 0 : i32
      %dma_wait3A_54 = arith.constant 0 : i32
      %dma_wait3A_55 = tpu.memref_slice %arg9[%dma_wait3A, %dma_wait3A_54] : memref<128x128xf32, #tpu.memory_space<vmem>> -> memref<128x128xf32, #tpu.memory_space<vmem>>
      %dma_wait3A_56 = arith.constant 0 : i32
      %dma_wait3A_57 = tpu.memref_slice %arg10[%add3A_30, %dma_wait3A_56] : memref<10112x128xf32, #tpu.memory_space<vmem_shared>> -> memref<128x128xf32, #tpu.memory_space<vmem_shared>>
      %dma_wait3A_58 = arith.constant 0 : i32
      %dma_wait3A_59 = arith.constant 0 : i32
      %dma_wait3A_60 = tpu.memref_slice %arg9[%dma_wait3A_58, %dma_wait3A_59] : memref<128x128xf32, #tpu.memory_space<vmem>> -> memref<128x128xf32, #tpu.memory_space<vmem>>
      %dma_wait3A_61 = arith.constant 0 : i32
      %dma_wait3A_62 = tpu.memref_slice %arg10[%add3A_30, %dma_wait3A_61] : memref<10112x128xf32, #tpu.memory_space<vmem_shared>> -> memref<128x128xf32, #tpu.memory_space<vmem_shared>>
      tpu.wait_dma2 semaphore(%run_scoped3A : memref<!tpu.dma_semaphore, #tpu.memory_space<semaphore_mem>>) src(%dma_wait3A_62 : memref<128x128xf32, #tpu.memory_space<vmem_shared>>) dst(%dma_wait3A_60 : memref<128x128xf32, #tpu.memory_space<vmem>>)
      tpu.yield
    }) : () -> ()
    %add3A_31 = arith.constant 128 : i32
    %add3A_32 = arith.addi %multiple_of3A_24, %add3A_31 : i32
    "tpu.region"() ({
      %run_scoped3A = tpu.sem_alloc : memref<!tpu.dma_semaphore, #tpu.memory_space<semaphore_mem>>
      %dma_start3A = arith.constant 0 : i32
      %dma_start3A_45 = arith.constant 0 : i32
      %dma_start3A_46 = tpu.memref_slice %arg9[%dma_start3A, %dma_start3A_45] : memref<128x128xf32, #tpu.memory_space<vmem>> -> memref<128x128xf32, #tpu.memory_space<vmem>>
      %dma_start3A_47 = arith.constant 0 : i32
      %dma_start3A_48 = tpu.memref_slice %arg6[%add3A_32, %dma_start3A_47] : memref<20224x128xf32, #tpu.memory_space<hbm>> -> memref<128x128xf32, #tpu.memory_space<hbm>>
      %dma_start3A_49 = arith.constant 0 : i32
      %dma_start3A_50 = tpu.memref_slice %arg6[%add3A_32, %dma_start3A_49] : memref<20224x128xf32, #tpu.memory_space<hbm>> -> memref<128x128xf32, #tpu.memory_space<hbm>>
      %dma_start3A_51 = arith.constant 0 : i32
      %dma_start3A_52 = arith.constant 0 : i32
      %dma_start3A_53 = tpu.memref_slice %arg9[%dma_start3A_51, %dma_start3A_52] : memref<128x128xf32, #tpu.memory_space<vmem>> -> memref<128x128xf32, #tpu.memory_space<vmem>>
      tpu.enqueue_dma source(%dma_start3A_53 : memref<128x128xf32, #tpu.memory_space<vmem>>) target(%dma_start3A_50 : memref<128x128xf32, #tpu.memory_space<hbm>>) target_semaphore(%run_scoped3A : memref<!tpu.dma_semaphore, #tpu.memory_space<semaphore_mem>>)
      %dma_wait3A = arith.constant 0 : i32
      %dma_wait3A_54 = arith.constant 0 : i32
      %dma_wait3A_55 = tpu.memref_slice %arg9[%dma_wait3A, %dma_wait3A_54] : memref<128x128xf32, #tpu.memory_space<vmem>> -> memref<128x128xf32, #tpu.memory_space<vmem>>
      %dma_wait3A_56 = arith.constant 0 : i32
      %dma_wait3A_57 = tpu.memref_slice %arg6[%add3A_32, %dma_wait3A_56] : memref<20224x128xf32, #tpu.memory_space<hbm>> -> memref<128x128xf32, #tpu.memory_space<hbm>>
      %dma_wait3A_58 = arith.constant 0 : i32
      %dma_wait3A_59 = tpu.memref_slice %arg6[%add3A_32, %dma_wait3A_58] : memref<20224x128xf32, #tpu.memory_space<hbm>> -> memref<128x128xf32, #tpu.memory_space<hbm>>
      %dma_wait3A_60 = arith.constant 0 : i32
      %dma_wait3A_61 = arith.constant 0 : i32
      %dma_wait3A_62 = tpu.memref_slice %arg9[%dma_wait3A_60, %dma_wait3A_61] : memref<128x128xf32, #tpu.memory_space<vmem>> -> memref<128x128xf32, #tpu.memory_space<vmem>>
      tpu.wait_dma2 semaphore(%run_scoped3A : memref<!tpu.dma_semaphore, #tpu.memory_space<semaphore_mem>>) src(%dma_wait3A_62 : memref<128x128xf32, #tpu.memory_space<vmem>>) dst(%dma_wait3A_59 : memref<128x128xf32, #tpu.memory_space<hbm>>)
      tpu.yield
    }) : () -> ()
    %add3A_33 = arith.constant 256 : i32
    %add3A_34 = arith.addi %multiple_of3A, %add3A_33 : i32
    "tpu.region"() ({
      %run_scoped3A = tpu.sem_alloc : memref<!tpu.dma_semaphore, #tpu.memory_space<semaphore_mem>>
      %dma_start3A = arith.constant 0 : i32
      %dma_start3A_45 = arith.constant 0 : i32
      %dma_start3A_46 = tpu.memref_slice %arg9[%dma_start3A, %dma_start3A_45] : memref<128x128xf32, #tpu.memory_space<vmem>> -> memref<128x128xf32, #tpu.memory_space<vmem>>
      %dma_start3A_47 = arith.constant 0 : i32
      %dma_start3A_48 = tpu.memref_slice %arg10[%add3A_34, %dma_start3A_47] : memref<10112x128xf32, #tpu.memory_space<vmem_shared>> -> memref<128x128xf32, #tpu.memory_space<vmem_shared>>
      %dma_start3A_49 = arith.constant 0 : i32
      %dma_start3A_50 = arith.constant 0 : i32
      %dma_start3A_51 = tpu.memref_slice %arg9[%dma_start3A_49, %dma_start3A_50] : memref<128x128xf32, #tpu.memory_space<vmem>> -> memref<128x128xf32, #tpu.memory_space<vmem>>
      %dma_start3A_52 = arith.constant 0 : i32
      %dma_start3A_53 = tpu.memref_slice %arg10[%add3A_34, %dma_start3A_52] : memref<10112x128xf32, #tpu.memory_space<vmem_shared>> -> memref<128x128xf32, #tpu.memory_space<vmem_shared>>
      tpu.enqueue_dma source(%dma_start3A_53 : memref<128x128xf32, #tpu.memory_space<vmem_shared>>) target(%dma_start3A_51 : memref<128x128xf32, #tpu.memory_space<vmem>>) target_semaphore(%run_scoped3A : memref<!tpu.dma_semaphore, #tpu.memory_space<semaphore_mem>>)
      %dma_wait3A = arith.constant 0 : i32
      %dma_wait3A_54 = arith.constant 0 : i32
      %dma_wait3A_55 = tpu.memref_slice %arg9[%dma_wait3A, %dma_wait3A_54] : memref<128x128xf32, #tpu.memory_space<vmem>> -> memref<128x128xf32, #tpu.memory_space<vmem>>
      %dma_wait3A_56 = arith.constant 0 : i32
      %dma_wait3A_57 = tpu.memref_slice %arg10[%add3A_34, %dma_wait3A_56] : memref<10112x128xf32, #tpu.memory_space<vmem_shared>> -> memref<128x128xf32, #tpu.memory_space<vmem_shared>>
      %dma_wait3A_58 = arith.constant 0 : i32
      %dma_wait3A_59 = arith.constant 0 : i32
      %dma_wait3A_60 = tpu.memref_slice %arg9[%dma_wait3A_58, %dma_wait3A_59] : memref<128x128xf32, #tpu.memory_space<vmem>> -> memref<128x128xf32, #tpu.memory_space<vmem>>
      %dma_wait3A_61 = arith.constant 0 : i32
      %dma_wait3A_62 = tpu.memref_slice %arg10[%add3A_34, %dma_wait3A_61] : memref<10112x128xf32, #tpu.memory_space<vmem_shared>> -> memref<128x128xf32, #tpu.memory_space<vmem_shared>>
      tpu.wait_dma2 semaphore(%run_scoped3A : memref<!tpu.dma_semaphore, #tpu.memory_space<semaphore_mem>>) src(%dma_wait3A_62 : memref<128x128xf32, #tpu.memory_space<vmem_shared>>) dst(%dma_wait3A_60 : memref<128x128xf32, #tpu.memory_space<vmem>>)
      tpu.yield
    }) : () -> ()
    %add3A_35 = arith.constant 256 : i32
    %add3A_36 = arith.addi %multiple_of3A_24, %add3A_35 : i32
    "tpu.region"() ({
      %run_scoped3A = tpu.sem_alloc : memref<!tpu.dma_semaphore, #tpu.memory_space<semaphore_mem>>
      %dma_start3A = arith.constant 0 : i32
      %dma_start3A_45 = arith.constant 0 : i32
      %dma_start3A_46 = tpu.memref_slice %arg9[%dma_start3A, %dma_start3A_45] : memref<128x128xf32, #tpu.memory_space<vmem>> -> memref<128x128xf32, #tpu.memory_space<vmem>>
      %dma_start3A_47 = arith.constant 0 : i32
      %dma_start3A_48 = tpu.memref_slice %arg6[%add3A_36, %dma_start3A_47] : memref<20224x128xf32, #tpu.memory_space<hbm>> -> memref<128x128xf32, #tpu.memory_space<hbm>>
      %dma_start3A_49 = arith.constant 0 : i32
      %dma_start3A_50 = tpu.memref_slice %arg6[%add3A_36, %dma_start3A_49] : memref<20224x128xf32, #tpu.memory_space<hbm>> -> memref<128x128xf32, #tpu.memory_space<hbm>>
      %dma_start3A_51 = arith.constant 0 : i32
      %dma_start3A_52 = arith.constant 0 : i32
      %dma_start3A_53 = tpu.memref_slice %arg9[%dma_start3A_51, %dma_start3A_52] : memref<128x128xf32, #tpu.memory_space<vmem>> -> memref<128x128xf32, #tpu.memory_space<vmem>>
      tpu.enqueue_dma source(%dma_start3A_53 : memref<128x128xf32, #tpu.memory_space<vmem>>) target(%dma_start3A_50 : memref<128x128xf32, #tpu.memory_space<hbm>>) target_semaphore(%run_scoped3A : memref<!tpu.dma_semaphore, #tpu.memory_space<semaphore_mem>>)
      %dma_wait3A = arith.constant 0 : i32
      %dma_wait3A_54 = arith.constant 0 : i32
      %dma_wait3A_55 = tpu.memref_slice %arg9[%dma_wait3A, %dma_wait3A_54] : memref<128x128xf32, #tpu.memory_space<vmem>> -> memref<128x128xf32, #tpu.memory_space<vmem>>
      %dma_wait3A_56 = arith.constant 0 : i32
      %dma_wait3A_57 = tpu.memref_slice %arg6[%add3A_36, %dma_wait3A_56] : memref<20224x128xf32, #tpu.memory_space<hbm>> -> memref<128x128xf32, #tpu.memory_space<hbm>>
      %dma_wait3A_58 = arith.constant 0 : i32
      %dma_wait3A_59 = tpu.memref_slice %arg6[%add3A_36, %dma_wait3A_58] : memref<20224x128xf32, #tpu.memory_space<hbm>> -> memref<128x128xf32, #tpu.memory_space<hbm>>
      %dma_wait3A_60 = arith.constant 0 : i32
      %dma_wait3A_61 = arith.constant 0 : i32
      %dma_wait3A_62 = tpu.memref_slice %arg9[%dma_wait3A_60, %dma_wait3A_61] : memref<128x128xf32, #tpu.memory_space<vmem>> -> memref<128x128xf32, #tpu.memory_space<vmem>>
      tpu.wait_dma2 semaphore(%run_scoped3A : memref<!tpu.dma_semaphore, #tpu.memory_space<semaphore_mem>>) src(%dma_wait3A_62 : memref<128x128xf32, #tpu.memory_space<vmem>>) dst(%dma_wait3A_59 : memref<128x128xf32, #tpu.memory_space<hbm>>)
      tpu.yield
    }) : () -> ()
    %add3A_37 = arith.constant 384 : i32
    %add3A_38 = arith.addi %multiple_of3A, %add3A_37 : i32
    "tpu.region"() ({
      %run_scoped3A = tpu.sem_alloc : memref<!tpu.dma_semaphore, #tpu.memory_space<semaphore_mem>>
      %dma_start3A = arith.constant 0 : i32
      %dma_start3A_45 = arith.constant 0 : i32
      %dma_start3A_46 = tpu.memref_slice %arg9[%dma_start3A, %dma_start3A_45] : memref<128x128xf32, #tpu.memory_space<vmem>> -> memref<128x128xf32, #tpu.memory_space<vmem>>
      %dma_start3A_47 = arith.constant 0 : i32
      %dma_start3A_48 = tpu.memref_slice %arg10[%add3A_38, %dma_start3A_47] : memref<10112x128xf32, #tpu.memory_space<vmem_shared>> -> memref<128x128xf32, #tpu.memory_space<vmem_shared>>
      %dma_start3A_49 = arith.constant 0 : i32
      %dma_start3A_50 = arith.constant 0 : i32
      %dma_start3A_51 = tpu.memref_slice %arg9[%dma_start3A_49, %dma_start3A_50] : memref<128x128xf32, #tpu.memory_space<vmem>> -> memref<128x128xf32, #tpu.memory_space<vmem>>
      %dma_start3A_52 = arith.constant 0 : i32
      %dma_start3A_53 = tpu.memref_slice %arg10[%add3A_38, %dma_start3A_52] : memref<10112x128xf32, #tpu.memory_space<vmem_shared>> -> memref<128x128xf32, #tpu.memory_space<vmem_shared>>
      tpu.enqueue_dma source(%dma_start3A_53 : memref<128x128xf32, #tpu.memory_space<vmem_shared>>) target(%dma_start3A_51 : memref<128x128xf32, #tpu.memory_space<vmem>>) target_semaphore(%run_scoped3A : memref<!tpu.dma_semaphore, #tpu.memory_space<semaphore_mem>>)
      %dma_wait3A = arith.constant 0 : i32
      %dma_wait3A_54 = arith.constant 0 : i32
      %dma_wait3A_55 = tpu.memref_slice %arg9[%dma_wait3A, %dma_wait3A_54] : memref<128x128xf32, #tpu.memory_space<vmem>> -> memref<128x128xf32, #tpu.memory_space<vmem>>
      %dma_wait3A_56 = arith.constant 0 : i32
      %dma_wait3A_57 = tpu.memref_slice %arg10[%add3A_38, %dma_wait3A_56] : memref<10112x128xf32, #tpu.memory_space<vmem_shared>> -> memref<128x128xf32, #tpu.memory_space<vmem_shared>>
      %dma_wait3A_58 = arith.constant 0 : i32
      %dma_wait3A_59 = arith.constant 0 : i32
      %dma_wait3A_60 = tpu.memref_slice %arg9[%dma_wait3A_58, %dma_wait3A_59] : memref<128x128xf32, #tpu.memory_space<vmem>> -> memref<128x128xf32, #tpu.memory_space<vmem>>
      %dma_wait3A_61 = arith.constant 0 : i32
      %dma_wait3A_62 = tpu.memref_slice %arg10[%add3A_38, %dma_wait3A_61] : memref<10112x128xf32, #tpu.memory_space<vmem_shared>> -> memref<128x128xf32, #tpu.memory_space<vmem_shared>>
      tpu.wait_dma2 semaphore(%run_scoped3A : memref<!tpu.dma_semaphore, #tpu.memory_space<semaphore_mem>>) src(%dma_wait3A_62 : memref<128x128xf32, #tpu.memory_space<vmem_shared>>) dst(%dma_wait3A_60 : memref<128x128xf32, #tpu.memory_space<vmem>>)
      tpu.yield
    }) : () -> ()
    %add3A_39 = arith.constant 384 : i32
    %add3A_40 = arith.addi %multiple_of3A_24, %add3A_39 : i32
    "tpu.region"() ({
      %run_scoped3A = tpu.sem_alloc : memref<!tpu.dma_semaphore, #tpu.memory_space<semaphore_mem>>
      %dma_start3A = arith.constant 0 : i32
      %dma_start3A_45 = arith.constant 0 : i32
      %dma_start3A_46 = tpu.memref_slice %arg9[%dma_start3A, %dma_start3A_45] : memref<128x128xf32, #tpu.memory_space<vmem>> -> memref<128x128xf32, #tpu.memory_space<vmem>>
      %dma_start3A_47 = arith.constant 0 : i32
      %dma_start3A_48 = tpu.memref_slice %arg6[%add3A_40, %dma_start3A_47] : memref<20224x128xf32, #tpu.memory_space<hbm>> -> memref<128x128xf32, #tpu.memory_space<hbm>>
      %dma_start3A_49 = arith.constant 0 : i32
      %dma_start3A_50 = tpu.memref_slice %arg6[%add3A_40, %dma_start3A_49] : memref<20224x128xf32, #tpu.memory_space<hbm>> -> memref<128x128xf32, #tpu.memory_space<hbm>>
      %dma_start3A_51 = arith.constant 0 : i32
      %dma_start3A_52 = arith.constant 0 : i32
      %dma_start3A_53 = tpu.memref_slice %arg9[%dma_start3A_51, %dma_start3A_52] : memref<128x128xf32, #tpu.memory_space<vmem>> -> memref<128x128xf32, #tpu.memory_space<vmem>>
      tpu.enqueue_dma source(%dma_start3A_53 : memref<128x128xf32, #tpu.memory_space<vmem>>) target(%dma_start3A_50 : memref<128x128xf32, #tpu.memory_space<hbm>>) target_semaphore(%run_scoped3A : memref<!tpu.dma_semaphore, #tpu.memory_space<semaphore_mem>>)
      %dma_wait3A = arith.constant 0 : i32
      %dma_wait3A_54 = arith.constant 0 : i32
      %dma_wait3A_55 = tpu.memref_slice %arg9[%dma_wait3A, %dma_wait3A_54] : memref<128x128xf32, #tpu.memory_space<vmem>> -> memref<128x128xf32, #tpu.memory_space<vmem>>
      %dma_wait3A_56 = arith.constant 0 : i32
      %dma_wait3A_57 = tpu.memref_slice %arg6[%add3A_40, %dma_wait3A_56] : memref<20224x128xf32, #tpu.memory_space<hbm>> -> memref<128x128xf32, #tpu.memory_space<hbm>>
      %dma_wait3A_58 = arith.constant 0 : i32
      %dma_wait3A_59 = tpu.memref_slice %arg6[%add3A_40, %dma_wait3A_58] : memref<20224x128xf32, #tpu.memory_space<hbm>> -> memref<128x128xf32, #tpu.memory_space<hbm>>
      %dma_wait3A_60 = arith.constant 0 : i32
      %dma_wait3A_61 = arith.constant 0 : i32
      %dma_wait3A_62 = tpu.memref_slice %arg9[%dma_wait3A_60, %dma_wait3A_61] : memref<128x128xf32, #tpu.memory_space<vmem>> -> memref<128x128xf32, #tpu.memory_space<vmem>>
      tpu.wait_dma2 semaphore(%run_scoped3A : memref<!tpu.dma_semaphore, #tpu.memory_space<semaphore_mem>>) src(%dma_wait3A_62 : memref<128x128xf32, #tpu.memory_space<vmem>>) dst(%dma_wait3A_59 : memref<128x128xf32, #tpu.memory_space<hbm>>)
      tpu.yield
    }) : () -> ()
    %add3A_41 = arith.constant 512 : i32
    %add3A_42 = arith.addi %multiple_of3A, %add3A_41 : i32
    "tpu.region"() ({
      %run_scoped3A = tpu.sem_alloc : memref<!tpu.dma_semaphore, #tpu.memory_space<semaphore_mem>>
      %dma_start3A = arith.constant 0 : i32
      %dma_start3A_45 = arith.constant 0 : i32
      %dma_start3A_46 = tpu.memref_slice %arg9[%dma_start3A, %dma_start3A_45] : memref<128x128xf32, #tpu.memory_space<vmem>> -> memref<120x128xf32, #tpu.memory_space<vmem>>
      %dma_start3A_47 = arith.constant 0 : i32
      %dma_start3A_48 = tpu.memref_slice %arg10[%add3A_42, %dma_start3A_47] : memref<10112x128xf32, #tpu.memory_space<vmem_shared>> -> memref<120x128xf32, #tpu.memory_space<vmem_shared>>
      %dma_start3A_49 = arith.constant 0 : i32
      %dma_start3A_50 = arith.constant 0 : i32
      %dma_start3A_51 = tpu.memref_slice %arg9[%dma_start3A_49, %dma_start3A_50] : memref<128x128xf32, #tpu.memory_space<vmem>> -> memref<120x128xf32, #tpu.memory_space<vmem>>
      %dma_start3A_52 = arith.constant 0 : i32
      %dma_start3A_53 = tpu.memref_slice %arg10[%add3A_42, %dma_start3A_52] : memref<10112x128xf32, #tpu.memory_space<vmem_shared>> -> memref<120x128xf32, #tpu.memory_space<vmem_shared>>
      tpu.enqueue_dma source(%dma_start3A_53 : memref<120x128xf32, #tpu.memory_space<vmem_shared>>) target(%dma_start3A_51 : memref<120x128xf32, #tpu.memory_space<vmem>>) target_semaphore(%run_scoped3A : memref<!tpu.dma_semaphore, #tpu.memory_space<semaphore_mem>>)
      %dma_wait3A = arith.constant 0 : i32
      %dma_wait3A_54 = arith.constant 0 : i32
      %dma_wait3A_55 = tpu.memref_slice %arg9[%dma_wait3A, %dma_wait3A_54] : memref<128x128xf32, #tpu.memory_space<vmem>> -> memref<120x128xf32, #tpu.memory_space<vmem>>
      %dma_wait3A_56 = arith.constant 0 : i32
      %dma_wait3A_57 = tpu.memref_slice %arg10[%add3A_42, %dma_wait3A_56] : memref<10112x128xf32, #tpu.memory_space<vmem_shared>> -> memref<120x128xf32, #tpu.memory_space<vmem_shared>>
      %dma_wait3A_58 = arith.constant 0 : i32
      %dma_wait3A_59 = arith.constant 0 : i32
      %dma_wait3A_60 = tpu.memref_slice %arg9[%dma_wait3A_58, %dma_wait3A_59] : memref<128x128xf32, #tpu.memory_space<vmem>> -> memref<120x128xf32, #tpu.memory_space<vmem>>
      %dma_wait3A_61 = arith.constant 0 : i32
      %dma_wait3A_62 = tpu.memref_slice %arg10[%add3A_42, %dma_wait3A_61] : memref<10112x128xf32, #tpu.memory_space<vmem_shared>> -> memref<120x128xf32, #tpu.memory_space<vmem_shared>>
      tpu.wait_dma2 semaphore(%run_scoped3A : memref<!tpu.dma_semaphore, #tpu.memory_space<semaphore_mem>>) src(%dma_wait3A_62 : memref<120x128xf32, #tpu.memory_space<vmem_shared>>) dst(%dma_wait3A_60 : memref<120x128xf32, #tpu.memory_space<vmem>>)
      tpu.yield
    }) : () -> ()
    %add3A_43 = arith.constant 512 : i32
    %add3A_44 = arith.addi %multiple_of3A_24, %add3A_43 : i32
    "tpu.region"() ({
      %run_scoped3A = tpu.sem_alloc : memref<!tpu.dma_semaphore, #tpu.memory_space<semaphore_mem>>
      %dma_start3A = arith.constant 0 : i32
      %dma_start3A_45 = arith.constant 0 : i32
      %dma_start3A_46 = tpu.memref_slice %arg9[%dma_start3A, %dma_start3A_45] : memref<128x128xf32, #tpu.memory_space<vmem>> -> memref<120x128xf32, #tpu.memory_space<vmem>>
      %dma_start3A_47 = arith.constant 0 : i32
      %dma_start3A_48 = tpu.memref_slice %arg6[%add3A_44, %dma_start3A_47] : memref<20224x128xf32, #tpu.memory_space<hbm>> -> memref<120x128xf32, #tpu.memory_space<hbm>>
      %dma_start3A_49 = arith.constant 0 : i32
      %dma_start3A_50 = tpu.memref_slice %arg6[%add3A_44, %dma_start3A_49] : memref<20224x128xf32, #tpu.memory_space<hbm>> -> memref<120x128xf32, #tpu.memory_space<hbm>>
      %dma_start3A_51 = arith.constant 0 : i32
      %dma_start3A_52 = arith.constant 0 : i32
      %dma_start3A_53 = tpu.memref_slice %arg9[%dma_start3A_51, %dma_start3A_52] : memref<128x128xf32, #tpu.memory_space<vmem>> -> memref<120x128xf32, #tpu.memory_space<vmem>>
      tpu.enqueue_dma source(%dma_start3A_53 : memref<120x128xf32, #tpu.memory_space<vmem>>) target(%dma_start3A_50 : memref<120x128xf32, #tpu.memory_space<hbm>>) target_semaphore(%run_scoped3A : memref<!tpu.dma_semaphore, #tpu.memory_space<semaphore_mem>>)
      %dma_wait3A = arith.constant 0 : i32
      %dma_wait3A_54 = arith.constant 0 : i32
      %dma_wait3A_55 = tpu.memref_slice %arg9[%dma_wait3A, %dma_wait3A_54] : memref<128x128xf32, #tpu.memory_space<vmem>> -> memref<120x128xf32, #tpu.memory_space<vmem>>
      %dma_wait3A_56 = arith.constant 0 : i32
      %dma_wait3A_57 = tpu.memref_slice %arg6[%add3A_44, %dma_wait3A_56] : memref<20224x128xf32, #tpu.memory_space<hbm>> -> memref<120x128xf32, #tpu.memory_space<hbm>>
      %dma_wait3A_58 = arith.constant 0 : i32
      %dma_wait3A_59 = tpu.memref_slice %arg6[%add3A_44, %dma_wait3A_58] : memref<20224x128xf32, #tpu.memory_space<hbm>> -> memref<120x128xf32, #tpu.memory_space<hbm>>
      %dma_wait3A_60 = arith.constant 0 : i32
      %dma_wait3A_61 = arith.constant 0 : i32
      %dma_wait3A_62 = tpu.memref_slice %arg9[%dma_wait3A_60, %dma_wait3A_61] : memref<128x128xf32, #tpu.memory_space<vmem>> -> memref<120x128xf32, #tpu.memory_space<vmem>>
      tpu.wait_dma2 semaphore(%run_scoped3A : memref<!tpu.dma_semaphore, #tpu.memory_space<semaphore_mem>>) src(%dma_wait3A_62 : memref<120x128xf32, #tpu.memory_space<vmem>>) dst(%dma_wait3A_59 : memref<120x128xf32, #tpu.memory_space<hbm>>)
      tpu.yield
    }) : () -> ()
    return
  }
}

module attributes {stable_mosaic.version = 14 : i64} {
  func.func @_combine_body(%arg0: i32, %arg1: memref<1000x128xf32, #tpu.memory_space<vmem>>, %arg2: memref<1000x128xf32, #tpu.memory_space<vmem>>, %arg3: memref<1000x128xf32, #tpu.memory_space<vmem>>, %arg4: memref<1000x128xf32, #tpu.memory_space<vmem>>, %arg5: memref<1000x128xf32, #tpu.memory_space<vmem>>, %arg6: memref<128x128xf32, #tpu.memory_space<vmem>>, %arg7: memref<128x128xf32, #tpu.memory_space<vmem>>, %arg8: memref<1x128xf32, #tpu.memory_space<vmem>>, %arg9: memref<1x128xf32, #tpu.memory_space<vmem>>, %arg10: memref<1x128xf32, #tpu.memory_space<vmem>>, %arg11: memref<1000x128xf32, #tpu.memory_space<vmem>>) attributes {dimension_semantics = [#tpu.dimension_semantics<arbitrary>], iteration_bounds = array<i64: 10>, scalar_prefetch = 0 : i64, scratch_operands = 0 : i64, tpu.core_type = #tpu.core_type<tc>, window_params = [{transform_indices = @transform_0, window_bounds = array<i64: 1000, 128>}, {transform_indices = @transform_1, window_bounds = array<i64: 1000, 128>}, {transform_indices = @transform_2, window_bounds = array<i64: 1000, 128>}, {transform_indices = @transform_3, window_bounds = array<i64: 1000, 128>}, {transform_indices = @transform_4, window_bounds = array<i64: 1000, 128>}, {pipeline_mode = #tpu.pipeline_mode<synchronous>, transform_indices = @transform_5, window_bounds = array<i64: 128, 128>}, {pipeline_mode = #tpu.pipeline_mode<synchronous>, transform_indices = @transform_6, window_bounds = array<i64: 128, 128>}, {pipeline_mode = #tpu.pipeline_mode<synchronous>, transform_indices = @transform_7, window_bounds = array<i64: 1, 128>}, {pipeline_mode = #tpu.pipeline_mode<synchronous>, transform_indices = @transform_8, window_bounds = array<i64: 1, 128>}, {pipeline_mode = #tpu.pipeline_mode<synchronous>, transform_indices = @transform_9, window_bounds = array<i64: 1, 128>}, {transform_indices = @transform_10, window_bounds = array<i64: 1000, 128>}]} {
    %get3A = arith.constant 0 : index
    %get3A_0 = arith.constant 0 : index
    %get3A_1 = vector.load %arg4[%get3A, %get3A_0] : memref<1000x128xf32, #tpu.memory_space<vmem>>, vector<1000x1xf32>
    %get3A_2 = arith.constant 0 : index
    %get3A_3 = arith.constant 0 : index
    %get3A_4 = vector.load %arg5[%get3A_2, %get3A_3] : memref<1000x128xf32, #tpu.memory_space<vmem>>, vector<1000x1xf32>
    %add3A = arith.addf %get3A_1, %get3A_4 : vector<1000x1xf32>
    %get3A_5 = arith.constant 0 : index
    %get3A_6 = arith.constant 0 : index
    %get3A_7 = vector.load %arg2[%get3A_5, %get3A_6] : memref<1000x128xf32, #tpu.memory_space<vmem>>, vector<1000x128xf32>
    %get3A_8 = arith.constant 0 : index
    %get3A_9 = arith.constant 0 : index
    %get3A_10 = vector.load %arg3[%get3A_8, %get3A_9] : memref<1000x128xf32, #tpu.memory_space<vmem>>, vector<1000x128xf32>
    %add3A_11 = arith.addf %get3A_7, %get3A_10 : vector<1000x128xf32>
    %max3A = arith.constant 1.000000e+00 : f32
    %max3A_12 = vector.broadcast %max3A : f32 to vector<1000x1xf32>
    %max3A_13 = arith.maximumf %add3A, %max3A_12 : vector<1000x1xf32>
    %div3A = vector.broadcast %max3A_13 : vector<1000x1xf32> to vector<1000x128xf32>
    %div3A_14 = arith.divf %add3A_11, %div3A : vector<1000x128xf32>
    %get3A_15 = arith.constant 0 : index
    %get3A_16 = arith.constant 0 : index
    %get3A_17 = vector.load %arg1[%get3A_15, %get3A_16] : memref<1000x128xf32, #tpu.memory_space<vmem>>, vector<1000x128xf32>
    %get3A_18 = arith.constant 0 : index
    %get3A_19 = arith.constant 0 : index
    %get3A_20 = vector.load %arg6[%get3A_18, %get3A_19] : memref<128x128xf32, #tpu.memory_space<vmem>>, vector<128x128xf32>
    %dot_general3A = arith.constant dense<0.000000e+00> : vector<1000x128xf32>
    %dot_general3A_21 = tpu.matmul %get3A_17, %get3A_20, %dot_general3A {dimension_numbers = #tpu.dot_dimension_numbers<[1], [0], [0], [1], [0, 0, 1, 1], [], []>, transpose_lhs_hint = false} : vector<1000x128xf32>, vector<128x128xf32>, vector<1000x128xf32> -> vector<1000x128xf32>
    %get3A_22 = arith.constant 0 : index
    %get3A_23 = arith.constant 0 : index
    %get3A_24 = vector.load %arg7[%get3A_22, %get3A_23] : memref<128x128xf32, #tpu.memory_space<vmem>>, vector<128x128xf32>
    %dot_general3A_25 = arith.constant dense<0.000000e+00> : vector<1000x128xf32>
    %dot_general3A_26 = tpu.matmul %div3A_14, %get3A_24, %dot_general3A_25 {dimension_numbers = #tpu.dot_dimension_numbers<[1], [0], [0], [1], [0, 0, 1, 1], [], []>, transpose_lhs_hint = false} : vector<1000x128xf32>, vector<128x128xf32>, vector<1000x128xf32> -> vector<1000x128xf32>
    %add3A_27 = arith.addf %dot_general3A_21, %dot_general3A_26 : vector<1000x128xf32>
    %get3A_28 = arith.constant 0 : index
    %get3A_29 = arith.constant 0 : index
    %get3A_30 = vector.load %arg8[%get3A_28, %get3A_29] : memref<1x128xf32, #tpu.memory_space<vmem>>, vector<1x128xf32>
    %add3A_31 = vector.broadcast %get3A_30 : vector<1x128xf32> to vector<1000x128xf32>
    %add3A_32 = arith.addf %add3A_27, %add3A_31 : vector<1000x128xf32>
    %reduce_sum3A = arith.constant dense<0.000000e+00> : vector<1000xf32>
    %reduce_sum3A_33 = vector.multi_reduction <add>, %add3A_32, %reduce_sum3A [1] : vector<1000x128xf32> to vector<1000xf32>
    %broadcast_in_dim3A = vector.shape_cast %reduce_sum3A_33 : vector<1000xf32> to vector<1000x1xf32>
    %div3A_34 = arith.constant 1.280000e+02 : f32
    %div3A_35 = vector.broadcast %div3A_34 : f32 to vector<1000x1xf32>
    %div3A_36 = arith.divf %broadcast_in_dim3A, %div3A_35 : vector<1000x1xf32>
    %sub3A = vector.broadcast %div3A_36 : vector<1000x1xf32> to vector<1000x128xf32>
    %sub3A_37 = arith.subf %add3A_32, %sub3A : vector<1000x128xf32>
    %integer_pow3A = arith.mulf %sub3A_37, %sub3A_37 : vector<1000x128xf32>
    %reduce_sum3A_38 = arith.constant dense<0.000000e+00> : vector<1000xf32>
    %reduce_sum3A_39 = vector.multi_reduction <add>, %integer_pow3A, %reduce_sum3A_38 [1] : vector<1000x128xf32> to vector<1000xf32>
    %broadcast_in_dim3A_40 = vector.shape_cast %reduce_sum3A_39 : vector<1000xf32> to vector<1000x1xf32>
    %div3A_41 = arith.constant 1.280000e+02 : f32
    %div3A_42 = vector.broadcast %div3A_41 : f32 to vector<1000x1xf32>
    %div3A_43 = arith.divf %broadcast_in_dim3A_40, %div3A_42 : vector<1000x1xf32>
    %sub3A_44 = vector.broadcast %div3A_36 : vector<1000x1xf32> to vector<1000x128xf32>
    %sub3A_45 = arith.subf %add3A_32, %sub3A_44 : vector<1000x128xf32>
    %add3A_46 = arith.constant 9.99999974E-6 : f32
    %add3A_47 = vector.broadcast %add3A_46 : f32 to vector<1000x1xf32>
    %add3A_48 = arith.addf %div3A_43, %add3A_47 : vector<1000x1xf32>
    %rsqrt3A = math.rsqrt %add3A_48 : vector<1000x1xf32>
    %mul3A = vector.broadcast %rsqrt3A : vector<1000x1xf32> to vector<1000x128xf32>
    %mul3A_49 = arith.mulf %sub3A_45, %mul3A : vector<1000x128xf32>
    %get3A_50 = arith.constant 0 : index
    %get3A_51 = arith.constant 0 : index
    %get3A_52 = vector.load %arg9[%get3A_50, %get3A_51] : memref<1x128xf32, #tpu.memory_space<vmem>>, vector<1x128xf32>
    %mul3A_53 = vector.broadcast %get3A_52 : vector<1x128xf32> to vector<1000x128xf32>
    %mul3A_54 = arith.mulf %mul3A_49, %mul3A_53 : vector<1000x128xf32>
    %get3A_55 = arith.constant 0 : index
    %get3A_56 = arith.constant 0 : index
    %get3A_57 = vector.load %arg10[%get3A_55, %get3A_56] : memref<1x128xf32, #tpu.memory_space<vmem>>, vector<1x128xf32>
    %add3A_58 = vector.broadcast %get3A_57 : vector<1x128xf32> to vector<1000x128xf32>
    %add3A_59 = arith.addf %mul3A_54, %add3A_58 : vector<1000x128xf32>
    %max3A_60 = arith.constant 0.000000e+00 : f32
    %max3A_61 = vector.broadcast %max3A_60 : f32 to vector<1000x128xf32>
    %max3A_62 = arith.maximumf %add3A_59, %max3A_61 : vector<1000x128xf32>
    %swap3A = arith.constant 0 : index
    %swap3A_63 = arith.constant 0 : index
    %swap3A_64 = vector.load %arg11[%swap3A, %swap3A_63] : memref<1000x128xf32, #tpu.memory_space<vmem>>, vector<1000x128xf32>
    tpu.vector_store %arg11[%swap3A, %swap3A_63], %max3A_62 {strides = array<i32>} : memref<1000x128xf32, #tpu.memory_space<vmem>>, vector<1000x128xf32>,
    return
  }
  func.func @transform_0(%arg0: i32) -> (i32, i32) {
    %c0_i32 = arith.constant 0 : i32
    %c0_i32_0 = arith.constant 0 : i32
    return %arg0, %c0_i32 : i32, i32
  }
  func.func @transform_1(%arg0: i32) -> (i32, i32) {
    %c0_i32 = arith.constant 0 : i32
    %c0_i32_0 = arith.constant 0 : i32
    return %arg0, %c0_i32 : i32, i32
  }
  func.func @transform_2(%arg0: i32) -> (i32, i32) {
    %c0_i32 = arith.constant 0 : i32
    %c0_i32_0 = arith.constant 0 : i32
    return %arg0, %c0_i32 : i32, i32
  }
  func.func @transform_3(%arg0: i32) -> (i32, i32) {
    %c0_i32 = arith.constant 0 : i32
    %c0_i32_0 = arith.constant 0 : i32
    return %arg0, %c0_i32 : i32, i32
  }
  func.func @transform_4(%arg0: i32) -> (i32, i32) {
    %c0_i32 = arith.constant 0 : i32
    %c0_i32_0 = arith.constant 0 : i32
    return %arg0, %c0_i32 : i32, i32
  }
  func.func @transform_5(%arg0: i32) -> (i32, i32) {
    %c0_i32 = arith.constant 0 : i32
    %c0_i32_0 = arith.constant 0 : i32
    %c0_i32_1 = arith.constant 0 : i32
    return %c0_i32, %c0_i32_0 : i32, i32
  }
  func.func @transform_6(%arg0: i32) -> (i32, i32) {
    %c0_i32 = arith.constant 0 : i32
    %c0_i32_0 = arith.constant 0 : i32
    %c0_i32_1 = arith.constant 0 : i32
    return %c0_i32, %c0_i32_0 : i32, i32
  }
  func.func @transform_7(%arg0: i32) -> (i32, i32) {
    %c0_i32 = arith.constant 0 : i32
    %c0_i32_0 = arith.constant 0 : i32
    %c0_i32_1 = arith.constant 0 : i32
    return %c0_i32, %c0_i32_0 : i32, i32
  }
  func.func @transform_8(%arg0: i32) -> (i32, i32) {
    %c0_i32 = arith.constant 0 : i32
    %c0_i32_0 = arith.constant 0 : i32
    %c0_i32_1 = arith.constant 0 : i32
    return %c0_i32, %c0_i32_0 : i32, i32
  }
  func.func @transform_9(%arg0: i32) -> (i32, i32) {
    %c0_i32 = arith.constant 0 : i32
    %c0_i32_0 = arith.constant 0 : i32
    %c0_i32_1 = arith.constant 0 : i32
    return %c0_i32, %c0_i32_0 : i32, i32
  }
  func.func @transform_10(%arg0: i32) -> (i32, i32) {
    %c0_i32 = arith.constant 0 : i32
    %c0_i32_0 = arith.constant 0 : i32
    return %arg0, %c0_i32 : i32, i32
  }
}

module attributes {stable_mosaic.version = 14 : i64} {
  func.func @_combine_body(%arg0: i32, %arg1: memref<1000x128xf32, #tpu.memory_space<vmem>>, %arg2: memref<1000x128xf32, #tpu.memory_space<vmem>>, %arg3: memref<1000x128xf32, #tpu.memory_space<vmem>>, %arg4: memref<1000x128xf32, #tpu.memory_space<vmem>>, %arg5: memref<1000x128xf32, #tpu.memory_space<vmem>>, %arg6: memref<128x128xf32, #tpu.memory_space<vmem>>, %arg7: memref<128x128xf32, #tpu.memory_space<vmem>>, %arg8: memref<1x128xf32, #tpu.memory_space<vmem>>, %arg9: memref<1x128xf32, #tpu.memory_space<vmem>>, %arg10: memref<1x128xf32, #tpu.memory_space<vmem>>, %arg11: memref<1000x128xf32, #tpu.memory_space<vmem>>) attributes {dimension_semantics = [#tpu.dimension_semantics<arbitrary>], iteration_bounds = array<i64: 10>, scalar_prefetch = 0 : i64, scratch_operands = 0 : i64, tpu.core_type = #tpu.core_type<tc>, window_params = [{transform_indices = @transform_0, window_bounds = array<i64: 1000, 128>}, {transform_indices = @transform_1, window_bounds = array<i64: 1000, 128>}, {transform_indices = @transform_2, window_bounds = array<i64: 1000, 128>}, {transform_indices = @transform_3, window_bounds = array<i64: 1000, 128>}, {transform_indices = @transform_4, window_bounds = array<i64: 1000, 128>}, {pipeline_mode = #tpu.pipeline_mode<synchronous>, transform_indices = @transform_5, window_bounds = array<i64: 128, 128>}, {pipeline_mode = #tpu.pipeline_mode<synchronous>, transform_indices = @transform_6, window_bounds = array<i64: 128, 128>}, {pipeline_mode = #tpu.pipeline_mode<synchronous>, transform_indices = @transform_7, window_bounds = array<i64: 1, 128>}, {pipeline_mode = #tpu.pipeline_mode<synchronous>, transform_indices = @transform_8, window_bounds = array<i64: 1, 128>}, {pipeline_mode = #tpu.pipeline_mode<synchronous>, transform_indices = @transform_9, window_bounds = array<i64: 1, 128>}, {transform_indices = @transform_10, window_bounds = array<i64: 1000, 128>}]} {
    %get3A = arith.constant 0 : index
    %get3A_0 = arith.constant 0 : index
    %get3A_1 = vector.load %arg4[%get3A, %get3A_0] : memref<1000x128xf32, #tpu.memory_space<vmem>>, vector<1000x1xf32>
    %get3A_2 = arith.constant 0 : index
    %get3A_3 = arith.constant 0 : index
    %get3A_4 = vector.load %arg5[%get3A_2, %get3A_3] : memref<1000x128xf32, #tpu.memory_space<vmem>>, vector<1000x1xf32>
    %add3A = arith.addf %get3A_1, %get3A_4 : vector<1000x1xf32>
    %get3A_5 = arith.constant 0 : index
    %get3A_6 = arith.constant 0 : index
    %get3A_7 = vector.load %arg2[%get3A_5, %get3A_6] : memref<1000x128xf32, #tpu.memory_space<vmem>>, vector<1000x128xf32>
    %get3A_8 = arith.constant 0 : index
    %get3A_9 = arith.constant 0 : index
    %get3A_10 = vector.load %arg3[%get3A_8, %get3A_9] : memref<1000x128xf32, #tpu.memory_space<vmem>>, vector<1000x128xf32>
    %add3A_11 = arith.addf %get3A_7, %get3A_10 : vector<1000x128xf32>
    %max3A = arith.constant 1.000000e+00 : f32
    %max3A_12 = vector.broadcast %max3A : f32 to vector<1000x1xf32>
    %max3A_13 = arith.maximumf %add3A, %max3A_12 : vector<1000x1xf32>
    %div3A = vector.broadcast %max3A_13 : vector<1000x1xf32> to vector<1000x128xf32>
    %div3A_14 = arith.divf %add3A_11, %div3A : vector<1000x128xf32>
    %get3A_15 = arith.constant 0 : index
    %get3A_16 = arith.constant 0 : index
    %get3A_17 = vector.load %arg1[%get3A_15, %get3A_16] : memref<1000x128xf32, #tpu.memory_space<vmem>>, vector<1000x128xf32>
    %get3A_18 = arith.constant 0 : index
    %get3A_19 = arith.constant 0 : index
    %get3A_20 = vector.load %arg6[%get3A_18, %get3A_19] : memref<128x128xf32, #tpu.memory_space<vmem>>, vector<128x128xf32>
    %dot_general3A = arith.constant dense<0.000000e+00> : vector<1000x128xf32>
    %dot_general3A_21 = tpu.matmul %get3A_17, %get3A_20, %dot_general3A {dimension_numbers = #tpu.dot_dimension_numbers<[1], [0], [0], [1], [0, 0, 1, 1], [], []>, transpose_lhs_hint = false} : vector<1000x128xf32>, vector<128x128xf32>, vector<1000x128xf32> -> vector<1000x128xf32>
    %get3A_22 = arith.constant 0 : index
    %get3A_23 = arith.constant 0 : index
    %get3A_24 = vector.load %arg7[%get3A_22, %get3A_23] : memref<128x128xf32, #tpu.memory_space<vmem>>, vector<128x128xf32>
    %dot_general3A_25 = arith.constant dense<0.000000e+00> : vector<1000x128xf32>
    %dot_general3A_26 = tpu.matmul %div3A_14, %get3A_24, %dot_general3A_25 {dimension_numbers = #tpu.dot_dimension_numbers<[1], [0], [0], [1], [0, 0, 1, 1], [], []>, transpose_lhs_hint = false} : vector<1000x128xf32>, vector<128x128xf32>, vector<1000x128xf32> -> vector<1000x128xf32>
    %add3A_27 = arith.addf %dot_general3A_21, %dot_general3A_26 : vector<1000x128xf32>
    %get3A_28 = arith.constant 0 : index
    %get3A_29 = arith.constant 0 : index
    %get3A_30 = vector.load %arg8[%get3A_28, %get3A_29] : memref<1x128xf32, #tpu.memory_space<vmem>>, vector<1x128xf32>
    %add3A_31 = vector.broadcast %get3A_30 : vector<1x128xf32> to vector<1000x128xf32>
    %add3A_32 = arith.addf %add3A_27, %add3A_31 : vector<1000x128xf32>
    %reduce_max3A = arith.constant dense<0xFF800000> : vector<1000xf32>
    %reduce_max3A_33 = vector.multi_reduction <maximumf>, %add3A_32, %reduce_max3A [1] : vector<1000x128xf32> to vector<1000xf32>
    %broadcast_in_dim3A = vector.shape_cast %reduce_max3A_33 : vector<1000xf32> to vector<1000x1xf32>
    %sub3A = vector.broadcast %broadcast_in_dim3A : vector<1000x1xf32> to vector<1000x128xf32>
    %sub3A_34 = arith.subf %add3A_32, %sub3A : vector<1000x128xf32>
    %sub3A_35 = vector.broadcast %broadcast_in_dim3A : vector<1000x1xf32> to vector<1000x128xf32>
    %sub3A_36 = arith.subf %add3A_32, %sub3A_35 : vector<1000x128xf32>
    %exp3A = math.exp %sub3A_36 : vector<1000x128xf32>
    %reduce_sum3A = arith.constant dense<0.000000e+00> : vector<1000xf32>
    %reduce_sum3A_37 = vector.multi_reduction <add>, %exp3A, %reduce_sum3A [1] : vector<1000x128xf32> to vector<1000xf32>
    %broadcast_in_dim3A_38 = vector.shape_cast %reduce_sum3A_37 : vector<1000xf32> to vector<1000x1xf32>
    %log3A = math.log %broadcast_in_dim3A_38 : vector<1000x1xf32>
    %sub3A_39 = vector.broadcast %log3A : vector<1000x1xf32> to vector<1000x128xf32>
    %sub3A_40 = arith.subf %sub3A_34, %sub3A_39 : vector<1000x128xf32>
    %swap3A = arith.constant 0 : index
    %swap3A_41 = arith.constant 0 : index
    %swap3A_42 = vector.load %arg11[%swap3A, %swap3A_41] : memref<1000x128xf32, #tpu.memory_space<vmem>>, vector<1000x128xf32>
    tpu.vector_store %arg11[%swap3A, %swap3A_41], %sub3A_40 {strides = array<i32>} : memref<1000x128xf32, #tpu.memory_space<vmem>>, vector<1000x128xf32>,
    return
  }
  func.func @transform_0(%arg0: i32) -> (i32, i32) {
    %c0_i32 = arith.constant 0 : i32
    %c0_i32_0 = arith.constant 0 : i32
    return %arg0, %c0_i32 : i32, i32
  }
  func.func @transform_1(%arg0: i32) -> (i32, i32) {
    %c0_i32 = arith.constant 0 : i32
    %c0_i32_0 = arith.constant 0 : i32
    return %arg0, %c0_i32 : i32, i32
  }
  func.func @transform_2(%arg0: i32) -> (i32, i32) {
    %c0_i32 = arith.constant 0 : i32
    %c0_i32_0 = arith.constant 0 : i32
    return %arg0, %c0_i32 : i32, i32
  }
  func.func @transform_3(%arg0: i32) -> (i32, i32) {
    %c0_i32 = arith.constant 0 : i32
    %c0_i32_0 = arith.constant 0 : i32
    return %arg0, %c0_i32 : i32, i32
  }
  func.func @transform_4(%arg0: i32) -> (i32, i32) {
    %c0_i32 = arith.constant 0 : i32
    %c0_i32_0 = arith.constant 0 : i32
    return %arg0, %c0_i32 : i32, i32
  }
  func.func @transform_5(%arg0: i32) -> (i32, i32) {
    %c0_i32 = arith.constant 0 : i32
    %c0_i32_0 = arith.constant 0 : i32
    %c0_i32_1 = arith.constant 0 : i32
    return %c0_i32, %c0_i32_0 : i32, i32
  }
  func.func @transform_6(%arg0: i32) -> (i32, i32) {
    %c0_i32 = arith.constant 0 : i32
    %c0_i32_0 = arith.constant 0 : i32
    %c0_i32_1 = arith.constant 0 : i32
    return %c0_i32, %c0_i32_0 : i32, i32
  }
  func.func @transform_7(%arg0: i32) -> (i32, i32) {
    %c0_i32 = arith.constant 0 : i32
    %c0_i32_0 = arith.constant 0 : i32
    %c0_i32_1 = arith.constant 0 : i32
    return %c0_i32, %c0_i32_0 : i32, i32
  }
  func.func @transform_8(%arg0: i32) -> (i32, i32) {
    %c0_i32 = arith.constant 0 : i32
    %c0_i32_0 = arith.constant 0 : i32
    %c0_i32_1 = arith.constant 0 : i32
    return %c0_i32, %c0_i32_0 : i32, i32
  }
  func.func @transform_9(%arg0: i32) -> (i32, i32) {
    %c0_i32 = arith.constant 0 : i32
    %c0_i32_0 = arith.constant 0 : i32
    %c0_i32_1 = arith.constant 0 : i32
    return %c0_i32, %c0_i32_0 : i32, i32
  }
  func.func @transform_10(%arg0: i32) -> (i32, i32) {
    %c0_i32 = arith.constant 0 : i32
    %c0_i32_0 = arith.constant 0 : i32
    return %arg0, %c0_i32 : i32, i32
  }
}

</mosaic_0001>

<sc_bundles>
// kernel: kernel.12.cloned.1.call-start
scs
__scs_entry_jumppad:
0x0: {  	(pc) =	sbr.rel $0x88, $3  }
0x1: {  	(tag) =	ssettag $0x0;
	lr =	simm.s32 $0x1  }
0x2: {  	[smem:$0x3F92] =	sst lr;
	_ =	strace $0xD0000000  }
0x3: {  	_ = 	snop  }
0x4: {  	_ = 	snop  }
0x5: {  	_ = 	snop  }
0x6: {  	_ = 	snop  }
0x7: {  	_ = 	snop  }
__scs_overlays_trampoline_lowered:
0x8: {  	[smem:$0x3FA1] =	sst s0  }
0x9: {  	[smem:$0x3FA2] =	sst s1  }
0xa: {  	[smem:$0x3FA3] =	sst s2  }
0xb: {  	[smem:$0x3FA4] =	sst s3  }
0xc: {  	[smem:$0x3FA5] =	sst s4  }
0xd: {  	[smem:$0x3FA6] =	sst s5  }
0xe: {  	[smem:$0x3FA7] =	sst s6  }
0xf: {  	[smem:$0x3FA8] =	sst s7  }
0x10: {  	[smem:$0x3FA9] =	sst s8  }
0x11: {  	[smem:$0x3FAA] =	sst s9;
	s0 =	simm.s32 @!p0 $0x0  }
0x12: {  	s1 =	sld [smem:$0x3F90];
	s0 =	simm.s32 @p0 $0x1  }
0x13: {  	[smem:$0x3FAB] =	sst s0;
	s0 =	simm.s32 @!p1 $0x0  }
0x14: {  	s2 =	sld [smem:$0x3F8F];
	s0 =	simm.s32 @p1 $0x1  }
0x15: {  	[smem:$0x3FAC] =	sst s0;
	s0 =	simm.s32 @!p2 $0x0  }
0x16: {  	s3 =	sld [smem:$0x3FDB];
	s0 =	simm.s32 @p2 $0x1  }
0x17: {  	s4 =	simm.s32 $0x1BF5;
	[smem:$0x3FAE] =	sst s0  }
0x18: {  	s0 =	sld [smem:$0x3F91];
	_ =	swait.ge [sflag:s4], $0x0  }
0x19: {  	s7 =	sld [smem:$0x3F92]  }
0x1a: {  	s8 =	sadd.s32 $0xFFFFE003, lr  }
0x1b: {  	s9 =	sadd.s32 $0xFFFFFEF7, lr;
	s5 =	simm.s32 $0xFFFFFFFF;
	p2 =	slt.u32 s8, $0xFFFFF086  }
0x1c: {  	p1 =	slt.u32 s9, $0xF7A;
	s5 =	simm.s32 @!p2 $0x0  }
0x1d: {  	s5 =	simm.s32 @p1 $0x1;
	p0 =	seq.s32 s7, s2  }
0x1e: {  	s7 =	smul.u32 @!p0 $0xF7A, s2;
	p2 =	seq.s32 @!p0 s5, $0x0  }
0x1f: {  	s9 =	smul.u32 $0xF7A, s1;
	s8 =	simm.s32 @!p0 $0x1BF5;
	p2 =	por !p2, p0  }
0x20: {  	[sflag:s8] =	ssyncset.s32 @!p0 $0xFFFFF086;
	s6 =	sadd.s32 @!p0 s3, s7;
	s7 =	simm.s32 @!p0 $0x108  }
0x21: {  	s3 =	sadd.s32 s3, s9;
	s6 =	sadd.s32 @!p0 $0x88, s6;
	s7 =	simm.s32 @p2 $0x1082  }
0x22: {  	[simem:s7], [sflag:s8] =	dma.local @!p0 [hbm:s6], $0xF7A  }
0x23: {  	s9 =	sor.u32 $0xD0000000, s2;
	s6 =	simm.s32 $0x108;
	_ =	swait.ge @!p0 [sflag:s8], $0x0  }
0x24: {  	s3 =	sadd.s32 $0x88, s3;
	s6 =	simm.s32 @!p1 $0x1082;
	[sflag:s4] =	ssyncset.s32 $0xFFFFF086  }
0x25: {  	[simem:s6], [sflag:s4] =	dma.local [hbm:s3], $0xF7A  }
0x26: {  	[smem:$0x3F92] =	sst s1;
	(tag) =	ssettag s2;
	_ =	strace s9  }
0x27: {  	s1 =	sld [smem:$0x3FA2]  }
0x28: {  	s2 =	sld [smem:$0x3FA3]  }
0x29: {  	s4 =	sld [smem:$0x3FA5]  }
0x2a: {  	p0 =	seq.s32 s5, $0x0;
	s5 =	sld [smem:$0x3FA6]  }
0x2b: {  	s6 =	sld [smem:$0x3FA7]  }
0x2c: {  	s7 =	sld [smem:$0x3FA8]  }
0x2d: {  	s3 =	simm.s32 $0x108;
	s8 =	sld [smem:$0x3FA9]  }
0x2e: {  	s3 =	simm.s32 @!p0 $0x1082;
	s9 =	sld [smem:$0x3FAA]  }
0x2f: {  	lr =	sadd.s32 s0, s3;
	s0 =	sld [smem:$0x3FA1]  }
0x30: {  	s3 =	sld [smem:$0x3FA4]  }
0x31: {  	[smem:$0x3FAD] =	sst s10  }
0x32: {  	s10 =	sld [smem:$0x3FAB];
	_ =	sdelay $0x3  }
0x33: {  	p0 =	seq.s32 s10, $0x1;
	s10 =	sld [smem:$0x3FAD];
	_ =	sdelay $0x3  }
0x34: {  	[smem:$0x3FAD] =	sst s10  }
0x35: {  	s10 =	sld [smem:$0x3FAC];
	_ =	sdelay $0x3  }
0x36: {  	p1 =	seq.s32 s10, $0x1;
	s10 =	sld [smem:$0x3FAD];
	_ =	sdelay $0x3  }
0x37: {  	[smem:$0x3FAD] =	sst s10  }
0x38: {  	s10 =	sld [smem:$0x3FAE]  }
0x39: {  	_ = 	snop;
	(pc) =	sbr.ind lr, $3  }
0x3a: {  	_ = 	snop  }
0x3b: {  	_ = 	snop  }
0x3c: {  	p2 =	seq.s32 s10, $0x1;
	s10 =	sld [smem:$0x3FAD]  }
0x3d: {  	_ =	shalt  }
0x3e: {  	_ =	shalt  }
0x3f: {  	_ =	shalt  }
0x40: {  	_ =	shalt  }
0x41: {  	_ =	shalt  }
0x42: {  	_ =	shalt  }
0x43: {  	_ =	shalt  }
0x44: {  	_ =	shalt  }
0x45: {  	_ =	shalt  }
0x46: {  	_ =	shalt  }
0x47: {  	_ =	shalt  }
0x48: {  	_ =	shalt  }
0x49: {  	_ =	shalt  }
0x4a: {  	_ =	shalt  }
0x4b: {  	_ =	shalt  }
0x4c: {  	_ =	shalt  }
0x4d: {  	_ =	shalt  }
0x4e: {  	_ =	shalt  }
0x4f: {  	_ =	shalt  }
0x50: {  	_ =	shalt  }
0x51: {  	_ =	shalt  }
0x52: {  	_ =	shalt  }
0x53: {  	_ =	shalt  }
0x54: {  	_ =	shalt  }
0x55: {  	_ =	shalt  }
0x56: {  	_ =	shalt  }
0x57: {  	_ =	shalt  }
0x58: {  	_ =	shalt  }
0x59: {  	_ =	shalt  }
0x5a: {  	_ =	shalt  }
0x5b: {  	_ =	shalt  }
0x5c: {  	_ =	shalt  }
0x5d: {  	_ =	shalt  }
0x5e: {  	_ =	shalt  }
0x5f: {  	_ =	shalt  }
0x60: {  	_ =	shalt  }
0x61: {  	_ =	shalt  }
0x62: {  	_ =	shalt  }
0x63: {  	_ =	shalt  }
0x64: {  	_ =	shalt  }
0x65: {  	_ =	shalt  }
0x66: {  	_ =	shalt  }
0x67: {  	_ =	shalt  }
0x68: {  	_ =	shalt  }
0x69: {  	_ =	shalt  }
0x6a: {  	_ =	shalt  }
0x6b: {  	_ =	shalt  }
0x6c: {  	_ =	shalt  }
0x6d: {  	_ =	shalt  }
0x6e: {  	_ =	shalt  }
0x6f: {  	_ =	shalt  }
0x70: {  	_ =	shalt  }
0x71: {  	_ =	shalt  }
0x72: {  	_ =	shalt  }
0x73: {  	_ =	shalt  }
0x74: {  	_ =	shalt  }
0x75: {  	_ =	shalt  }
0x76: {  	_ =	shalt  }
0x77: {  	_ =	shalt  }
0x78: {  	_ =	shalt  }
0x79: {  	_ =	shalt  }
0x7a: {  	_ =	shalt  }
0x7b: {  	_ =	shalt  }
0x7c: {  	_ =	shalt  }
0x7d: {  	_ =	shalt  }
0x7e: {  	_ =	shalt  }
0x7f: {  	_ =	shalt  }
0x80: {  	_ =	shalt  }
0x81: {  	_ =	shalt  }
0x82: {  	_ =	shalt  }
0x83: {  	_ =	shalt  }
0x84: {  	_ =	shalt  }
0x85: {  	_ =	shalt  }
0x86: {  	_ =	shalt  }
0x87: {  	_ =	shalt  }
.Lfunc_end0:
.L_simem_size_0:
called_computation.1_lowered:
.L_overlay_start_0:
0x88: {  	s2 =	sld [smem:$0x3FD9]  }
0x89: {  	s3 =	sld [smem:$0x3FFE];
	_ =	sdelay $0x1  }
0x8a: {  	s1 =	srdreg.scid  }
0x8b: {  	s0 =	sand.u32 $0x1, s1  }
0x8c: {  	s17 =	sshll.u32 s0, $0xA;
	s2 =	sadd.s32 s3, s2  }
0x8d: {  	s2 =	sadd.s32 s2, s17  }
0x8e: {  	[smem:$0x3FB9] =	sst s2  }
0x8f: {  	_ = 	snop  }
0x90: {  	s18 =	sld [smem:$0x3FC9];
	(tm) =	ssettm $0x1  }
0x91: {  	s19 =	sld [smem:$0x3FFB];
	_ =	sdelay $0x3  }
0x92: {  	_ =	strace s19  }
0x93: {  	s2 =	sld [smem:$0x3FFC];
	_ =	sdelay $0x3  }
0x94: {  	_ =	strace s2  }
0x95: {  	s2 =	sld [smem:$0x3FFD];
	_ =	sdelay $0x3  }
0x96: {  	_ =	strace s2  }
0x97: {  	_ =	strace $0x8FFFFFFF  }
0x98: {  	s20 =	sld [smem:$0x3FDB];
	_ =	sdelay $0x1  }
0x99: {  	s4 =	simm.s32 $_scs_section_size  }
0x9a: {  	s5 =	simm.s32 $_size__tile_overlayer_lowered;
	s6 =	simm.s32 $_tile_overlayer_lowered  }
0x9b: {  	s7 =	simm.s32 $0x1BFF;
	s21 =	sshll.u32 s6, $0x1;
	s4 =	sadd.s32 s4, s20  }
0x9c: {  	s22 =	simm.s32 $0x0;
	s5 =	sshll.u32 s5, $0x1;
	s6 =	sadd.s32 s21, s4  }
0x9d: {  	[timem:s22], [sflag:s7] =	dma.local [hbm:s6], s5  }
0x9e: {  	_ =	swait.ge [sflag:s7], s5  }
0x9f: {  	s5 =	ssub.s32 $0x0, s5;
	[sflag:s7] =	ssyncset.done $0x0  }
0xa0: {  	[sflag:s7] =	ssyncadd.s32 s5;
	_ =	sdelay $0x1  }
0xa1: {  	s23 =	simm.s32 $0x1B8B  }
0xa2: {  	_ =	swait.ge [sflag:s23], $0x1  }
0xa3: {  	[sflag:s23] =	ssyncset.done $0x0  }
0xa4: {  	[sflag:s23] =	ssyncadd.s32 $0xFFFFFFFF  }
0xa5: {  	s5 =	sld [smem:$0x0]  }
0xa6: {  	s6 =	sand.u32 $0xFFFFFFFE, s1  }
0xa7: {  	p0 =	sne.s32 s1, s6  }
0xa8: {  	s6 =	sshll.u32 @p0 s6, $0xE  }
0xa9: {  	s6 =	sadd.s32 @p0 $0x11B8D, s6;
	s7 =	sshll.u32 @p0 s5, $0x11  }
0xaa: {  	s6 =	sor.u32 @p0 s7, s6  }
0xab: {  	[sflag:s6] =	ssyncadd.remote.s32 @p0 $0x1;
	_ =	sdelay $0x1  }
0xac: {  	s6 =	simm.s32 @p0 $0x1B8D  }
0xad: {  	_ =	swait.eq @p0 [sflag:s6], $0x1  }
0xae: {  	[sflag:s6] =	ssyncadd.s32 @p0 $0xFFFFFFFF  }
0xaf: {  	s7 =	sshll.u32 @!p0 s1, $0xE  }
0xb0: {  	s7 =	sor.u32 @!p0 $0x4000, s7;
	s6 =	simm.s32 @!p0 $0x1B8D  }
0xb1: {  	s5 =	sshll.u32 @!p0 s5, $0x11;
	s7 =	sadd.s32 @!p0 $0x11B8D, s7;
	_ =	swait.eq @!p0 [sflag:s6], $0x1  }
0xb2: {  	s5 =	sor.u32 @!p0 s5, s7;
	[sflag:s6] =	ssyncadd.s32 @!p0 $0xFFFFFFFF  }
0xb3: {  	s25 =	simm.s32 $0x1B8E;
	s24 =	sld [smem:$0x3FFE];
	[sflag:s5] =	ssyncadd.remote.s32 @!p0 $0x1  }
0xb4: {  	s26 =	simm.s32 $execute0_lowered;
	[smem:$0x3FD2] =	sst s25  }
0xb5: {  	s6 =	sshll.u32 s26, $0x1;
	_ =	strace $0x80000049;
	[dreg:$0x1] =	wrdreg $0xFFFFFFFF  }
0xb6: {  	s28 =	simm.s32 $_size_execute0_lowered;
	s4 =	sadd.s32 s4, s6;
	[dreg:$0x0] =	wrdreg $0x0  }
0xb7: {  	s6 =	sshll.u32 s28, $0x1;
	[dreg:$0x2] =	wrdreg s4  }
0xb8: {  	[dreg:$0x3] =	wrdreg s6  }
0xb9: {  	[dreg:$0x4] =	wrdreg $0xC0  }
0xba: {  	_ =	task [dreg:s22], $0x5FFFF  }
0xbb: {  	[dreg:$0x1] =	wrdreg $0xFFFFFFFF  }
0xbc: {  	[dreg:$0x0] =	wrdreg $0x60  }
0xbd: {  	[dreg:$0x2] =	wrdreg s18  }
0xbe: {  	[dreg:$0x3] =	wrdreg s24  }
0xbf: {  	[dreg:$0x4] =	wrdreg $0x41000  }
0xc0: {  	[dreg:$0x5] =	wrdreg $0xA  }
0xc1: {  	_ =	task.clear_ibuf [dreg:s22], $0x6FFFF;
	_ =	strace $0x90000049  }
0xc2: {  	s29 =	simm.s32 $0xA;
	_ =	strace $0x8000004B  }
0xc3: {  	_ =	swait.ge [sflag:s29], $0x1  }
0xc4: {  	[sflag:s29] =	ssyncadd.s32 $0xFFFFFFFF  }
0xc5: {  	_ =	strace $0x9000004B  }
0xc6: {  	_ =	sfence  }
0xc7: {  	s30 =	sld [smem:$0x0];
	_ =	sdelay $0x2  }
0xc8: {  	s31 =	sshll.u32 s1, $0xD;
	s1 =	sshrl.u32 s1, $0x2  }
0xc9: {  	s4 =	sand.u32 $0x4000, s31;
	s1 =	sadd.s32 s1, s30  }
0xca: {  	s0 =	sor.u32 s4, s0;
	s1 =	sshll.u32 s1, $0x11  }
0xcb: {  	s0 =	sor.u32 s1, s0  }
0xcc: {  	s0 =	sadd.s32 $0x8F2B, s0  }
0xcd: {  	[sflag:s0] =	ssyncadd.remote.s32 $0x1  }
0xce: {  	_ =	sfence.sel $0xFFFF  }
0xcf: {  	[dreg:$0x0] =	wrdreg $0xFFFFFFFF;
	(pc) =	sbr.abs _section_cstart, $3  }
0xd0: {  	[dreg:$0x1] =	wrdreg $0xFFFFFFFF  }
0xd1: {  	_ =	task.clear_ibuf [dreg:s22], $0x2FFFF;
	_ =	strace $0x9FFFFFFF  }
0xd2: {  	(tm) =	ssettm $0x7FFFFFFF  }
0xd3: {  	_ =	shalt  }
tec
execute0_lowered:
.L_overlay_start_1:
0x0: {  	(tag) =	ssettag $0x1  }
0x1: {  	s1 =	rddreg [dreg:$0x0]  }
0x2: {  	s7 =	rddreg [dreg:$0x1]  }
0x3: {  	s0 =	stileid.u32;
	s2 =	srdreg.scid  }
0x4: {  	s3 =	rddreg [dreg:$0x2];
	s4 =	simm.s32 $0x0;
	s19 =	simm.s32 $0x100  }
0x5: {  	s20 =	simm.s32 $0x2;
	s21 =	simm.s32 $0x80;
	s5 =	smul.u32 $0x9E0, s0  }
0x6: {  	s22 =	simm.s32 $0x1;
	s23 =	simm.s32 $0x0;
	s6 =	smul.u32 $0x278, s0  }
0x7: {  	s10 =	sand.u32 $0x1, s2;
	[smem:$0x7FF] =	sst s4;
	s9 =	smul.u32 $0x4F000, s0  }
0x8: {  	s2 =	rddreg [dreg:$0x3];
	s8 =	smul.u32 $0x2780, s10;
	_ =	strace $0x8000004A  }
0x9: {  	s31 =	ssub.s32 $0x2, s10;
	s18 =	smul.u32 $0x4F0, s10;
	s15 =	sadd.s32 s5, s7  }
0xa: {  	s5 =	sadd.s32 $0xE400, s7;
	s12 =	sshrl.u32 s31, $0x1;
	s6 =	sadd.s32 s6, s8  }
0xb: {  	s9 =	sshrl.u32 s9, $0x2;
	s17 =	ssub.s32 s31, s12;
	s11 =	sshll.u32 s6, $0x4  }
0xc: {  	s18 =	sadd.s32 s18, s15;
	s6 =	sadd.s32 s9, s3;
	s16 =	sadd.s32 s11, s7  }
0xd: {  	s7 =	sadd.s32 $0x4000, s6;
	s8 =	sadd.s32 $0x8000, s6;
	s9 =	sadd.s32 $0xC000, s6  }
0xe: {  	s10 =	sadd.s32 $0x10000, s6;
	s11 =	sadd.s32 $0x8EA00, s16;
	s12 =	sadd.s32 $0x8F200, s16  }
0xf: {  	s13 =	sadd.s32 $0x8FA00, s16;
	s14 =	sadd.s32 $0x90200, s16;
	s15 =	sadd.s32 $0x90A00, s16  }
0x10: {  	s16 =	smax.u32 s17, $0x1;
	s17 =	sadd.s32 $0x4600, s18;
	s18 =	sadd.s32 $0x84C00, s18  }
.LBB2_1:
0x11: {  	[tilespmem:s19], [sflag:$0x2] =	stream.linear.gather [hbm4b:s5+s4], $0x4000, $0x38;
	[tilespmem:$0x17D00] =	vst v63  }
0x12: {  	_ =	swait.ge [sflag:s20], $0x4000  }
0x13: {  	[sflag:s20] =	ssyncset.done $0x0  }
0x14: {  	[sflag:s20] =	ssyncadd.s32 $0xFFFFC000  }
0x15: {  	[spmem:s6] =	stream.linear.scatter [tilespmem:s19], [sflag:$0x2], $0x4000, $0x38;
	[tilespmem:$0x17D00] =	vst v63  }
0x16: {  	_ =	swait.ge [sflag:s20], $0x4000  }
0x17: {  	[sflag:s20] =	ssyncset.done $0x0  }
0x18: {  	[sflag:s20] =	ssyncadd.s32 $0xFFFFC000  }
0x19: {  	[spmem:s7] =	stream.linear.scatter [tilespmem:s19], [sflag:$0x2], $0x4000, $0x38;
	[tilespmem:$0x17D00] =	vst v63  }
0x1a: {  	_ =	swait.ge [sflag:s20], $0x4000  }
0x1b: {  	[sflag:s20] =	ssyncset.done $0x0  }
0x1c: {  	[sflag:s20] =	ssyncadd.s32 $0xFFFFC000  }
0x1d: {  	[spmem:s8] =	stream.linear.scatter [tilespmem:s19], [sflag:$0x2], $0x4000, $0x38;
	[tilespmem:$0x17D00] =	vst v63  }
0x1e: {  	_ =	swait.ge [sflag:s20], $0x4000  }
0x1f: {  	[sflag:s20] =	ssyncset.done $0x0  }
0x20: {  	[sflag:s20] =	ssyncadd.s32 $0xFFFFC000  }
0x21: {  	[spmem:s9] =	stream.linear.scatter [tilespmem:s19], [sflag:$0x2], $0x4000, $0x38;
	[tilespmem:$0x17D00] =	vst v63  }
0x22: {  	_ =	swait.ge [sflag:s20], $0x4000  }
0x23: {  	[sflag:s20] =	ssyncset.done $0x0  }
0x24: {  	[sflag:s20] =	ssyncadd.s32 $0xFFFFC000  }
0x25: {  	[spmem:s10] =	stream.linear.scatter [tilespmem:s19], [sflag:$0x2], $0x3C00, $0x38;
	[tilespmem:$0x17D00] =	vst v63  }
0x26: {  	_ =	swait.ge [sflag:s20], $0x3C00  }
0x27: {  	[sflag:s20] =	ssyncset.done $0x0  }
0x28: {  	[sflag:s20] =	ssyncadd.s32 $0xFFFFC400  }
0x29: {  	s24 =	sadd.s32 $0x0, s18;
	[bflag:$0x0] =	sbarrier.arrive $0xFFFF  }
0x2a: {  	[tilespmem:s4], [sflag:$0x2] =	stream.linear.gather [hbm4b:s24+s4], $0x80, $0x38;
	[tilespmem:$0x17D00] =	vst v63  }
0x2b: {  	_ =	swait.ge [sflag:s20], $0x80  }
0x2c: {  	[sflag:s20] =	ssyncset.done $0x0  }
0x2d: {  	s31 =	sadd.s32 $0x0, s17;
	[sflag:s20] =	ssyncadd.s32 $0xFFFFFF80  }
0x2e: {  	[tilespmem:s21], [sflag:$0x2] =	stream.linear.gather [hbm4b:s31+s4], $0x80, $0x38;
	[tilespmem:$0x17D00] =	vst v63  }
0x2f: {  	_ =	swait.ge [sflag:s20], $0x80  }
0x30: {  	[sflag:s20] =	ssyncset.done $0x0  }
0x31: {  	[sflag:s20] =	ssyncadd.s32 $0xFFFFFF80  }
0x32: {  	[tilespmem:s19], [sflag:$0x1] =	stream.indirect.gather [hbm4b:s1+s21], $0x80, s4, s21, $0xb8;
	[tilespmem:$0x17D00] =	vst v63  }
0x33: {  	_ =	swait.ge [sflag:s22], $0x4000  }
0x34: {  	[sflag:s22] =	ssyncset.done $0x0  }
0x35: {  	[sflag:s22] =	ssyncadd.s32 $0xFFFFC000  }
0x36: {  	[spmem:s3] =	stream.indirect.scatter.add.f32 [tilespmem:s19], [sflag:$0x2], $0x80, s21, s21, $0xb8;
	[tilespmem:$0x17D00] =	vst v63  }
0x37: {  	_ =	swait.ge [sflag:s20], $0x4000  }
0x38: {  	s25 =	simm.s32 $0x20;
	s24 =	simm.s32 $0x10;
	[sflag:s20] =	ssyncset.done $0x0  }
.LBB2_2:
0x39: {  	s26 =	sadd.s32 s24, s18  }
0x3a: {  	[sflag:s20] =	ssyncadd.s32 $0xFFFFC000;
	s28 =	smov.u32 s25;
	s29 =	sadd.s32 $0x10, s25  }
0x3b: {  	[tilespmem:s4], [sflag:$0x2] =	stream.linear.gather [hbm4b:s26+s4], $0x80, $0x38;
	[tilespmem:$0x17D00] =	vst v63  }
0x3c: {  	p0 =	sne.s32 s25, $0x4E0;
	_ =	swait.ge [sflag:s20], $0x80  }
0x3d: {  	[sflag:s20] =	ssyncset.done $0x0  }
0x3e: {  	s25 =	sadd.s32 s24, s17;
	s24 =	smov.u32 s28;
	[sflag:s20] =	ssyncadd.s32 $0xFFFFFF80  }
0x3f: {  	[tilespmem:s21], [sflag:$0x2] =	stream.linear.gather [hbm4b:s25+s4], $0x80, $0x38;
	[tilespmem:$0x17D00] =	vst v63  }
0x40: {  	_ =	swait.ge [sflag:s20], $0x80  }
0x41: {  	[sflag:s20] =	ssyncset.done $0x0  }
0x42: {  	[sflag:s20] =	ssyncadd.s32 $0xFFFFFF80  }
0x43: {  	[tilespmem:s19], [sflag:$0x1] =	stream.indirect.gather [hbm4b:s1+s21], $0x80, s4, s21, $0xb8;
	[tilespmem:$0x17D00] =	vst v63  }
0x44: {  	_ =	swait.ge [sflag:s22], $0x4000  }
.Ltmp0:
0x45: {  	[sflag:s22] =	ssyncset.done $0x0;
	(pc) =	sbr.rel @p0 .LBB2_2-.Ltmp0, $4  }
0x46: {  	[sflag:s22] =	ssyncadd.s32 $0xFFFFC000  }
0x47: {  	[spmem:s3] =	stream.indirect.scatter.add.f32 [tilespmem:s19], [sflag:$0x2], $0x80, s21, s21, $0xb8;
	[tilespmem:$0x17D00] =	vst v63  }
0x48: {  	_ =	swait.ge [sflag:s20], $0x4000  }
0x49: {  	s25 =	smov.u32 s29;
	[sflag:s20] =	ssyncset.done $0x0  }
0x4a: {  	s25 =	sadd.s32 s24, s18;
	[sflag:s20] =	ssyncadd.s32 $0xFFFFC000  }
0x4b: {  	[tilespmem:s4], [sflag:$0x2] =	stream.linear.gather [hbm4b:s25+s4], $0x80, $0x38;
	[tilespmem:$0x17D00] =	vst v63  }
0x4c: {  	_ =	swait.ge [sflag:s20], $0x80  }
0x4d: {  	[sflag:s20] =	ssyncset.done $0x0  }
0x4e: {  	s31 =	sadd.s32 s24, s17;
	[sflag:s20] =	ssyncadd.s32 $0xFFFFFF80  }
0x4f: {  	[tilespmem:s21], [sflag:$0x2] =	stream.linear.gather [hbm4b:s31+s4], $0x80, $0x38;
	[tilespmem:$0x17D00] =	vst v63  }
0x50: {  	_ =	swait.ge [sflag:s20], $0x80  }
0x51: {  	[sflag:s20] =	ssyncset.done $0x0  }
0x52: {  	[sflag:s20] =	ssyncadd.s32 $0xFFFFFF80  }
0x53: {  	[tilespmem:s19], [sflag:$0x1] =	stream.indirect.gather [hbm4b:s1+s21], $0x80, s4, s21, $0xb8;
	[tilespmem:$0x17D00] =	vst v63  }
0x54: {  	_ =	swait.ge [sflag:s22], $0x4000  }
0x55: {  	[sflag:s22] =	ssyncset.done $0x0  }
0x56: {  	[sflag:s22] =	ssyncadd.s32 $0xFFFFC000  }
0x57: {  	[spmem:s3] =	stream.indirect.scatter.add.f32 [tilespmem:s19], [sflag:$0x2], $0x80, s21, s21, $0xb8;
	[tilespmem:$0x17D00] =	vst v63  }
0x58: {  	_ =	swait.ge [sflag:s20], $0x4000  }
0x59: {  	[sflag:s20] =	ssyncset.done $0x0  }
0x5a: {  	[sflag:s20] =	ssyncadd.s32 $0xFFFFC000  }
0x5b: {  	[bflag:$0x0] =	sbarrier.arrive $0xFFFF  }
0x5c: {  	[tilespmem:s19], [sflag:$0x2] =	stream.linear.gather [spmem:s6], $0x4000, $0x38;
	[tilespmem:$0x17D00] =	vst v63  }
0x5d: {  	_ =	swait.ge [sflag:s20], $0x4000  }
0x5e: {  	[sflag:s20] =	ssyncset.done $0x0  }
0x5f: {  	[sflag:s20] =	ssyncadd.s32 $0xFFFFC000  }
0x60: {  	[hbm4b:s11+s4] =	stream.linear.scatter [tilespmem:s19], [sflag:$0x2], $0x4000, $0x38;
	[tilespmem:$0x17D00] =	vst v63  }
0x61: {  	_ =	swait.ge [sflag:s20], $0x4000  }
0x62: {  	[sflag:s20] =	ssyncset.done $0x0  }
0x63: {  	[sflag:s20] =	ssyncadd.s32 $0xFFFFC000  }
0x64: {  	[tilespmem:s19], [sflag:$0x2] =	stream.linear.gather [spmem:s7], $0x4000, $0x38;
	[tilespmem:$0x17D00] =	vst v63  }
0x65: {  	_ =	swait.ge [sflag:s20], $0x4000  }
0x66: {  	[sflag:s20] =	ssyncset.done $0x0  }
0x67: {  	[sflag:s20] =	ssyncadd.s32 $0xFFFFC000  }
0x68: {  	[hbm4b:s12+s4] =	stream.linear.scatter [tilespmem:s19], [sflag:$0x2], $0x4000, $0x38;
	[tilespmem:$0x17D00] =	vst v63  }
0x69: {  	_ =	swait.ge [sflag:s20], $0x4000  }
0x6a: {  	[sflag:s20] =	ssyncset.done $0x0  }
0x6b: {  	[sflag:s20] =	ssyncadd.s32 $0xFFFFC000  }
0x6c: {  	[tilespmem:s19], [sflag:$0x2] =	stream.linear.gather [spmem:s8], $0x4000, $0x38;
	[tilespmem:$0x17D00] =	vst v63  }
0x6d: {  	_ =	swait.ge [sflag:s20], $0x4000  }
0x6e: {  	[sflag:s20] =	ssyncset.done $0x0  }
0x6f: {  	[sflag:s20] =	ssyncadd.s32 $0xFFFFC000  }
0x70: {  	[hbm4b:s13+s4] =	stream.linear.scatter [tilespmem:s19], [sflag:$0x2], $0x4000, $0x38;
	[tilespmem:$0x17D00] =	vst v63  }
0x71: {  	_ =	swait.ge [sflag:s20], $0x4000  }
0x72: {  	[sflag:s20] =	ssyncset.done $0x0  }
0x73: {  	[sflag:s20] =	ssyncadd.s32 $0xFFFFC000  }
0x74: {  	[tilespmem:s19], [sflag:$0x2] =	stream.linear.gather [spmem:s9], $0x4000, $0x38;
	[tilespmem:$0x17D00] =	vst v63  }
0x75: {  	_ =	swait.ge [sflag:s20], $0x4000  }
0x76: {  	[sflag:s20] =	ssyncset.done $0x0  }
0x77: {  	[sflag:s20] =	ssyncadd.s32 $0xFFFFC000  }
0x78: {  	[hbm4b:s14+s4] =	stream.linear.scatter [tilespmem:s19], [sflag:$0x2], $0x4000, $0x38;
	[tilespmem:$0x17D00] =	vst v63  }
0x79: {  	_ =	swait.ge [sflag:s20], $0x4000  }
0x7a: {  	[sflag:s20] =	ssyncset.done $0x0  }
0x7b: {  	[sflag:s20] =	ssyncadd.s32 $0xFFFFC000  }
0x7c: {  	[tilespmem:s19], [sflag:$0x2] =	stream.linear.gather [spmem:s10], $0x3C00, $0x38;
	[tilespmem:$0x17D00] =	vst v63  }
0x7d: {  	s23 =	sadd.s32 $0x1, s23;
	_ =	swait.ge [sflag:s20], $0x3C00  }
0x7e: {  	p0 =	sne.s32 s23, s16;
	[sflag:s20] =	ssyncset.done $0x0  }
.Ltmp1:
0x7f: {  	[sflag:s20] =	ssyncadd.s32 $0xFFFFC400;
	(pc) =	sbr.rel @p0 .LBB2_1-.Ltmp1, $4  }
0x80: {  	[hbm4b:s15+s4] =	stream.linear.scatter [tilespmem:s19], [sflag:$0x2], $0x3C00, $0x38;
	[tilespmem:$0x17D00] =	vst v63  }
0x81: {  	_ =	swait.ge [sflag:s20], $0x3C00  }
0x82: {  	[sflag:s20] =	ssyncset.done $0x0  }
0x83: {  	[sflag:s20] =	ssyncadd.s32 $0xFFFFC400  }
0x84: {  	_ =	sfence.sel $0x180000  }
0x85: {  	[bflag:$0x0] =	sbarrier.arrive $0xFFFF  }
0x86: {  	p0 =	sne.s32 s0, $0x0;
	_ =	strace $0x9000004A  }
0x87: {  	s0 =	sadd.s32 @!p0 $0x100000, s2;
	[bflag:$0x2] =	sbarrier.arrive $0xFFFF  }
0x88: {  	[sflag:s0] =	ssyncadd.tile.s32 @!p0 $0x1;
	_ =	shalt  }
.Lfunc_end2:
_tile_overlayer_lowered:
.L_overlay_start_2:
0x89: {  	(tag) =	ssettag $0x2  }
0x8a: {  	s0 =	rddreg [dreg:$0x0];
	s2 =	stileid.u32  }
0x8b: {  	s1 =	rddreg [dreg:$0x1];
	p0 =	sne.s32 s2, $0x0  }
0x8c: {  	s3 =	rddreg [dreg:$0x2];
	[bflag:$0x3] =	sbarrier.arrive $0xFFFF;
	s2 =	simm.s32 @!p0 $0x1C02  }
0x8d: {  	[timem:s3], [sflag:s2] =	dma.local @!p0 [hbm:s0], s1  }
0x8e: {  	s0 =	simm.s32 @!p0 $0x2  }
0x8f: {  	_ =	swait.ge @!p0 [sflag:s0], s1  }
0x90: {  	s1 =	ssub.s32 @!p0 $0x0, s1;
	[sflag:s0] =	ssyncset.done @!p0 $0x0  }
0x91: {  	[sflag:s0] =	ssyncadd.s32 @!p0 s1  }
0x92: {  	[bflag:$0x3] =	sbarrier.arrive $0xFFFF  }
0x93: {  	_ =	shalt  }

// kernel: kernel.15.cloned.1.call-start
scs
__scs_entry_jumppad:
0x0: {  	(pc) =	sbr.rel $0x88, $3  }
0x1: {  	(tag) =	ssettag $0x0;
	lr =	simm.s32 $0x1  }
0x2: {  	[smem:$0x3F92] =	sst lr;
	_ =	strace $0xD0000000  }
0x3: {  	_ = 	snop  }
0x4: {  	_ = 	snop  }
0x5: {  	_ = 	snop  }
0x6: {  	_ = 	snop  }
0x7: {  	_ = 	snop  }
__scs_overlays_trampoline_lowered:
0x8: {  	[smem:$0x3FA1] =	sst s0  }
0x9: {  	[smem:$0x3FA2] =	sst s1  }
0xa: {  	[smem:$0x3FA3] =	sst s2  }
0xb: {  	[smem:$0x3FA4] =	sst s3  }
0xc: {  	[smem:$0x3FA5] =	sst s4  }
0xd: {  	[smem:$0x3FA6] =	sst s5  }
0xe: {  	[smem:$0x3FA7] =	sst s6  }
0xf: {  	[smem:$0x3FA8] =	sst s7  }
0x10: {  	[smem:$0x3FA9] =	sst s8  }
0x11: {  	[smem:$0x3FAA] =	sst s9;
	s0 =	simm.s32 @!p0 $0x0  }
0x12: {  	s1 =	sld [smem:$0x3F90];
	s0 =	simm.s32 @p0 $0x1  }
0x13: {  	[smem:$0x3FAB] =	sst s0;
	s0 =	simm.s32 @!p1 $0x0  }
0x14: {  	s2 =	sld [smem:$0x3F8F];
	s0 =	simm.s32 @p1 $0x1  }
0x15: {  	[smem:$0x3FAC] =	sst s0;
	s0 =	simm.s32 @!p2 $0x0  }
0x16: {  	s3 =	sld [smem:$0x3FDB];
	s0 =	simm.s32 @p2 $0x1  }
0x17: {  	s4 =	simm.s32 $0x1BF5;
	[smem:$0x3FAE] =	sst s0  }
0x18: {  	s0 =	sld [smem:$0x3F91];
	_ =	swait.ge [sflag:s4], $0x0  }
0x19: {  	s7 =	sld [smem:$0x3F92]  }
0x1a: {  	s8 =	sadd.s32 $0xFFFFE003, lr  }
0x1b: {  	s9 =	sadd.s32 $0xFFFFFEF7, lr;
	s5 =	simm.s32 $0xFFFFFFFF;
	p2 =	slt.u32 s8, $0xFFFFF086  }
0x1c: {  	p1 =	slt.u32 s9, $0xF7A;
	s5 =	simm.s32 @!p2 $0x0  }
0x1d: {  	s5 =	simm.s32 @p1 $0x1;
	p0 =	seq.s32 s7, s2  }
0x1e: {  	s7 =	smul.u32 @!p0 $0xF7A, s2;
	p2 =	seq.s32 @!p0 s5, $0x0  }
0x1f: {  	s9 =	smul.u32 $0xF7A, s1;
	s8 =	simm.s32 @!p0 $0x1BF5;
	p2 =	por !p2, p0  }
0x20: {  	[sflag:s8] =	ssyncset.s32 @!p0 $0xFFFFF086;
	s6 =	sadd.s32 @!p0 s3, s7;
	s7 =	simm.s32 @!p0 $0x108  }
0x21: {  	s3 =	sadd.s32 s3, s9;
	s6 =	sadd.s32 @!p0 $0x88, s6;
	s7 =	simm.s32 @p2 $0x1082  }
0x22: {  	[simem:s7], [sflag:s8] =	dma.local @!p0 [hbm:s6], $0xF7A  }
0x23: {  	s9 =	sor.u32 $0xD0000000, s2;
	s6 =	simm.s32 $0x108;
	_ =	swait.ge @!p0 [sflag:s8], $0x0  }
0x24: {  	s3 =	sadd.s32 $0x88, s3;
	s6 =	simm.s32 @!p1 $0x1082;
	[sflag:s4] =	ssyncset.s32 $0xFFFFF086  }
0x25: {  	[simem:s6], [sflag:s4] =	dma.local [hbm:s3], $0xF7A  }
0x26: {  	[smem:$0x3F92] =	sst s1;
	(tag) =	ssettag s2;
	_ =	strace s9  }
0x27: {  	s1 =	sld [smem:$0x3FA2]  }
0x28: {  	s2 =	sld [smem:$0x3FA3]  }
0x29: {  	s4 =	sld [smem:$0x3FA5]  }
0x2a: {  	p0 =	seq.s32 s5, $0x0;
	s5 =	sld [smem:$0x3FA6]  }
0x2b: {  	s6 =	sld [smem:$0x3FA7]  }
0x2c: {  	s7 =	sld [smem:$0x3FA8]  }
0x2d: {  	s3 =	simm.s32 $0x108;
	s8 =	sld [smem:$0x3FA9]  }
0x2e: {  	s3 =	simm.s32 @!p0 $0x1082;
	s9 =	sld [smem:$0x3FAA]  }
0x2f: {  	lr =	sadd.s32 s0, s3;
	s0 =	sld [smem:$0x3FA1]  }
0x30: {  	s3 =	sld [smem:$0x3FA4]  }
0x31: {  	[smem:$0x3FAD] =	sst s10  }
0x32: {  	s10 =	sld [smem:$0x3FAB];
	_ =	sdelay $0x3  }
0x33: {  	p0 =	seq.s32 s10, $0x1;
	s10 =	sld [smem:$0x3FAD];
	_ =	sdelay $0x3  }
0x34: {  	[smem:$0x3FAD] =	sst s10  }
0x35: {  	s10 =	sld [smem:$0x3FAC];
	_ =	sdelay $0x3  }
0x36: {  	p1 =	seq.s32 s10, $0x1;
	s10 =	sld [smem:$0x3FAD];
	_ =	sdelay $0x3  }
0x37: {  	[smem:$0x3FAD] =	sst s10  }
0x38: {  	s10 =	sld [smem:$0x3FAE]  }
0x39: {  	_ = 	snop;
	(pc) =	sbr.ind lr, $3  }
0x3a: {  	_ = 	snop  }
0x3b: {  	_ = 	snop  }
0x3c: {  	p2 =	seq.s32 s10, $0x1;
	s10 =	sld [smem:$0x3FAD]  }
0x3d: {  	_ =	shalt  }
0x3e: {  	_ =	shalt  }
0x3f: {  	_ =	shalt  }
0x40: {  	_ =	shalt  }
0x41: {  	_ =	shalt  }
0x42: {  	_ =	shalt  }
0x43: {  	_ =	shalt  }
0x44: {  	_ =	shalt  }
0x45: {  	_ =	shalt  }
0x46: {  	_ =	shalt  }
0x47: {  	_ =	shalt  }
0x48: {  	_ =	shalt  }
0x49: {  	_ =	shalt  }
0x4a: {  	_ =	shalt  }
0x4b: {  	_ =	shalt  }
0x4c: {  	_ =	shalt  }
0x4d: {  	_ =	shalt  }
0x4e: {  	_ =	shalt  }
0x4f: {  	_ =	shalt  }
0x50: {  	_ =	shalt  }
0x51: {  	_ =	shalt  }
0x52: {  	_ =	shalt  }
0x53: {  	_ =	shalt  }
0x54: {  	_ =	shalt  }
0x55: {  	_ =	shalt  }
0x56: {  	_ =	shalt  }
0x57: {  	_ =	shalt  }
0x58: {  	_ =	shalt  }
0x59: {  	_ =	shalt  }
0x5a: {  	_ =	shalt  }
0x5b: {  	_ =	shalt  }
0x5c: {  	_ =	shalt  }
0x5d: {  	_ =	shalt  }
0x5e: {  	_ =	shalt  }
0x5f: {  	_ =	shalt  }
0x60: {  	_ =	shalt  }
0x61: {  	_ =	shalt  }
0x62: {  	_ =	shalt  }
0x63: {  	_ =	shalt  }
0x64: {  	_ =	shalt  }
0x65: {  	_ =	shalt  }
0x66: {  	_ =	shalt  }
0x67: {  	_ =	shalt  }
0x68: {  	_ =	shalt  }
0x69: {  	_ =	shalt  }
0x6a: {  	_ =	shalt  }
0x6b: {  	_ =	shalt  }
0x6c: {  	_ =	shalt  }
0x6d: {  	_ =	shalt  }
0x6e: {  	_ =	shalt  }
0x6f: {  	_ =	shalt  }
0x70: {  	_ =	shalt  }
0x71: {  	_ =	shalt  }
0x72: {  	_ =	shalt  }
0x73: {  	_ =	shalt  }
0x74: {  	_ =	shalt  }
0x75: {  	_ =	shalt  }
0x76: {  	_ =	shalt  }
0x77: {  	_ =	shalt  }
0x78: {  	_ =	shalt  }
0x79: {  	_ =	shalt  }
0x7a: {  	_ =	shalt  }
0x7b: {  	_ =	shalt  }
0x7c: {  	_ =	shalt  }
0x7d: {  	_ =	shalt  }
0x7e: {  	_ =	shalt  }
0x7f: {  	_ =	shalt  }
0x80: {  	_ =	shalt  }
0x81: {  	_ =	shalt  }
0x82: {  	_ =	shalt  }
0x83: {  	_ =	shalt  }
0x84: {  	_ =	shalt  }
0x85: {  	_ =	shalt  }
0x86: {  	_ =	shalt  }
0x87: {  	_ =	shalt  }
.Lfunc_end0:
.L_simem_size_0:
called_computation.2_lowered:
.L_overlay_start_0:
0x88: {  	s2 =	sld [smem:$0x3FD9]  }
0x89: {  	s3 =	sld [smem:$0x3FFE];
	_ =	sdelay $0x1  }
0x8a: {  	s1 =	srdreg.scid  }
0x8b: {  	s0 =	sand.u32 $0x1, s1  }
0x8c: {  	s16 =	sshll.u32 s0, $0xA;
	s2 =	sadd.s32 s3, s2  }
0x8d: {  	s2 =	sadd.s32 s2, s16  }
0x8e: {  	[smem:$0x3FB9] =	sst s2  }
0x8f: {  	_ = 	snop  }
0x90: {  	(tm) =	ssettm $0x1  }
0x91: {  	s17 =	sld [smem:$0x3FFB];
	_ =	sdelay $0x3  }
0x92: {  	_ =	strace s17  }
0x93: {  	s2 =	sld [smem:$0x3FFC];
	_ =	sdelay $0x3  }
0x94: {  	_ =	strace s2  }
0x95: {  	s2 =	sld [smem:$0x3FFD];
	_ =	sdelay $0x3  }
0x96: {  	_ =	strace s2  }
0x97: {  	_ =	strace $0x8FFFFFFF  }
0x98: {  	s18 =	sld [smem:$0x3FDB];
	_ =	sdelay $0x1  }
0x99: {  	s19 =	simm.s32 $_scs_section_size  }
0x9a: {  	s4 =	simm.s32 $_size__tile_overlayer_lowered;
	s5 =	simm.s32 $_tile_overlayer_lowered  }
0x9b: {  	s22 =	simm.s32 $0x1BFF;
	s21 =	sshll.u32 s5, $0x1;
	s2 =	sadd.s32 s19, s18  }
0x9c: {  	s6 =	simm.s32 $0x0;
	s20 =	sshll.u32 s4, $0x1;
	s4 =	sadd.s32 s21, s2  }
0x9d: {  	[timem:s6], [sflag:s22] =	dma.local [hbm:s4], s20  }
0x9e: {  	_ =	swait.ge [sflag:s22], s20  }
0x9f: {  	s3 =	ssub.s32 $0x0, s20;
	[sflag:s22] =	ssyncset.done $0x0  }
0xa0: {  	[sflag:s22] =	ssyncadd.s32 s3;
	_ =	sdelay $0x1  }
0xa1: {  	s23 =	simm.s32 $0x1B8B  }
0xa2: {  	_ =	swait.ge [sflag:s23], $0x1  }
0xa3: {  	[sflag:s23] =	ssyncset.done $0x0  }
0xa4: {  	s25 =	simm.s32 $0x1B8E;
	s24 =	sld [smem:$0x3FFE];
	[sflag:s23] =	ssyncadd.s32 $0xFFFFFFFF  }
0xa5: {  	s26 =	simm.s32 $execute0_lowered;
	[smem:$0x3FD2] =	sst s25  }
0xa6: {  	s4 =	sshll.u32 s26, $0x1;
	_ =	strace $0x8000004C;
	[dreg:$0x1] =	wrdreg $0xFFFFFFFF  }
0xa7: {  	s28 =	simm.s32 $_size_execute0_lowered;
	s2 =	sadd.s32 s2, s4;
	[dreg:$0x0] =	wrdreg $0x0  }
0xa8: {  	s4 =	sshll.u32 s28, $0x1;
	[dreg:$0x2] =	wrdreg s2  }
0xa9: {  	[dreg:$0x3] =	wrdreg s4  }
0xaa: {  	[dreg:$0x4] =	wrdreg $0xC0  }
0xab: {  	_ =	task [dreg:s6], $0x5FFFF  }
0xac: {  	[dreg:$0x1] =	wrdreg $0xFFFFFFFF  }
0xad: {  	[dreg:$0x0] =	wrdreg $0x60  }
0xae: {  	[dreg:$0x2] =	wrdreg s24  }
0xaf: {  	[dreg:$0x3] =	wrdreg $0x41000  }
0xb0: {  	[dreg:$0x4] =	wrdreg $0x9  }
0xb1: {  	_ =	task.clear_ibuf [dreg:s6], $0x5FFFF;
	_ =	strace $0x9000004C  }
0xb2: {  	s29 =	simm.s32 $0x9;
	_ =	strace $0x8000004E  }
0xb3: {  	_ =	swait.ge [sflag:s29], $0x1  }
0xb4: {  	[sflag:s29] =	ssyncadd.s32 $0xFFFFFFFF  }
0xb5: {  	_ =	strace $0x9000004E  }
0xb6: {  	_ =	sfence  }
0xb7: {  	s30 =	sld [smem:$0x0];
	_ =	sdelay $0x2  }
0xb8: {  	s31 =	sshll.u32 s1, $0xD;
	s1 =	sshrl.u32 s1, $0x2  }
0xb9: {  	s3 =	sand.u32 $0x4000, s31;
	s1 =	sadd.s32 s1, s30  }
0xba: {  	s0 =	sor.u32 s3, s0;
	s1 =	sshll.u32 s1, $0x11  }
0xbb: {  	s0 =	sor.u32 s1, s0  }
0xbc: {  	s0 =	sadd.s32 $0x8F2B, s0  }
0xbd: {  	[sflag:s0] =	ssyncadd.remote.s32 $0x1  }
0xbe: {  	_ =	sfence.sel $0xFFFF  }
0xbf: {  	[dreg:$0x0] =	wrdreg $0xFFFFFFFF;
	(pc) =	sbr.abs _section_cstart, $3  }
0xc0: {  	[dreg:$0x1] =	wrdreg $0xFFFFFFFF  }
0xc1: {  	_ =	task.clear_ibuf [dreg:s6], $0x2FFFF;
	_ =	strace $0x9FFFFFFF  }
0xc2: {  	(tm) =	ssettm $0x7FFFFFFF  }
0xc3: {  	_ =	shalt  }
tec
execute0_lowered:
.L_overlay_start_1:
0x0: {  	(tag) =	ssettag $0x1  }
0x1: {  	s7 =	rddreg [dreg:$0x0]  }
0x2: {  	s2 =	rddreg [dreg:$0x1]  }
0x3: {  	s0 =	rddreg [dreg:$0x2];
	s1 =	stileid.u32  }
0x4: {  	s4 =	srdreg.scid;
	s3 =	simm.s32 $0x0;
	s19 =	simm.s32 $0x100  }
0x5: {  	s20 =	simm.s32 $0x2;
	s21 =	simm.s32 $0x80;
	s5 =	smul.u32 $0x9E0, s1  }
0x6: {  	s22 =	simm.s32 $0x1;
	s23 =	simm.s32 $0x0;
	s6 =	smul.u32 $0x278, s1  }
0x7: {  	s10 =	sand.u32 $0x1, s4;
	[smem:$0x7FF] =	sst s3;
	s9 =	smul.u32 $0x4F000, s1  }
0x8: {  	s4 =	sadd.s32 $0x35C00, s7;
	s8 =	smul.u32 $0x2780, s10;
	_ =	strace $0x8000004D  }
0x9: {  	s31 =	ssub.s32 $0x2, s10;
	s18 =	smul.u32 $0x4F0, s10;
	s15 =	sadd.s32 s5, s7  }
0xa: {  	s5 =	sadd.s32 $0xE400, s7;
	s12 =	sshrl.u32 s31, $0x1;
	s6 =	sadd.s32 s6, s8  }
0xb: {  	s9 =	sshrl.u32 s9, $0x2;
	s17 =	ssub.s32 s31, s12;
	s11 =	sshll.u32 s6, $0x4  }
0xc: {  	s18 =	sadd.s32 s18, s15;
	s6 =	sadd.s32 s9, s2;
	s16 =	sadd.s32 s11, s7  }
0xd: {  	s7 =	sadd.s32 $0x4000, s6;
	s8 =	sadd.s32 $0x8000, s6;
	s9 =	sadd.s32 $0xC000, s6  }
0xe: {  	s10 =	sadd.s32 $0x10000, s6;
	s11 =	sadd.s32 $0x8EA00, s16;
	s12 =	sadd.s32 $0x8F200, s16  }
0xf: {  	s13 =	sadd.s32 $0x8FA00, s16;
	s14 =	sadd.s32 $0x90200, s16;
	s15 =	sadd.s32 $0x90A00, s16  }
0x10: {  	s16 =	smax.u32 s17, $0x1;
	s17 =	sadd.s32 $0x4600, s18;
	s18 =	sadd.s32 $0x84C00, s18  }
.LBB2_1:
0x11: {  	[tilespmem:s19], [sflag:$0x2] =	stream.linear.gather [hbm4b:s5+s3], $0x4000, $0x38;
	[tilespmem:$0x17D00] =	vst v63  }
0x12: {  	_ =	swait.ge [sflag:s20], $0x4000  }
0x13: {  	[sflag:s20] =	ssyncset.done $0x0  }
0x14: {  	[sflag:s20] =	ssyncadd.s32 $0xFFFFC000  }
0x15: {  	[spmem:s6] =	stream.linear.scatter [tilespmem:s19], [sflag:$0x2], $0x4000, $0x38;
	[tilespmem:$0x17D00] =	vst v63  }
0x16: {  	_ =	swait.ge [sflag:s20], $0x4000  }
0x17: {  	[sflag:s20] =	ssyncset.done $0x0  }
0x18: {  	[sflag:s20] =	ssyncadd.s32 $0xFFFFC000  }
0x19: {  	[spmem:s7] =	stream.linear.scatter [tilespmem:s19], [sflag:$0x2], $0x4000, $0x38;
	[tilespmem:$0x17D00] =	vst v63  }
0x1a: {  	_ =	swait.ge [sflag:s20], $0x4000  }
0x1b: {  	[sflag:s20] =	ssyncset.done $0x0  }
0x1c: {  	[sflag:s20] =	ssyncadd.s32 $0xFFFFC000  }
0x1d: {  	[spmem:s8] =	stream.linear.scatter [tilespmem:s19], [sflag:$0x2], $0x4000, $0x38;
	[tilespmem:$0x17D00] =	vst v63  }
0x1e: {  	_ =	swait.ge [sflag:s20], $0x4000  }
0x1f: {  	[sflag:s20] =	ssyncset.done $0x0  }
0x20: {  	[sflag:s20] =	ssyncadd.s32 $0xFFFFC000  }
0x21: {  	[spmem:s9] =	stream.linear.scatter [tilespmem:s19], [sflag:$0x2], $0x4000, $0x38;
	[tilespmem:$0x17D00] =	vst v63  }
0x22: {  	_ =	swait.ge [sflag:s20], $0x4000  }
0x23: {  	[sflag:s20] =	ssyncset.done $0x0  }
0x24: {  	[sflag:s20] =	ssyncadd.s32 $0xFFFFC000  }
0x25: {  	[spmem:s10] =	stream.linear.scatter [tilespmem:s19], [sflag:$0x2], $0x3C00, $0x38;
	[tilespmem:$0x17D00] =	vst v63  }
0x26: {  	_ =	swait.ge [sflag:s20], $0x3C00  }
0x27: {  	[sflag:s20] =	ssyncset.done $0x0  }
0x28: {  	[sflag:s20] =	ssyncadd.s32 $0xFFFFC400  }
0x29: {  	s24 =	sadd.s32 $0x0, s18;
	[bflag:$0x0] =	sbarrier.arrive $0xFFFF  }
0x2a: {  	[tilespmem:s3], [sflag:$0x2] =	stream.linear.gather [hbm4b:s24+s3], $0x80, $0x38;
	[tilespmem:$0x17D00] =	vst v63  }
0x2b: {  	_ =	swait.ge [sflag:s20], $0x80  }
0x2c: {  	[sflag:s20] =	ssyncset.done $0x0  }
0x2d: {  	s31 =	sadd.s32 $0x0, s17;
	[sflag:s20] =	ssyncadd.s32 $0xFFFFFF80  }
0x2e: {  	[tilespmem:s21], [sflag:$0x2] =	stream.linear.gather [hbm4b:s31+s3], $0x80, $0x38;
	[tilespmem:$0x17D00] =	vst v63  }
0x2f: {  	_ =	swait.ge [sflag:s20], $0x80  }
0x30: {  	[sflag:s20] =	ssyncset.done $0x0  }
0x31: {  	[sflag:s20] =	ssyncadd.s32 $0xFFFFFF80  }
0x32: {  	[tilespmem:s19], [sflag:$0x1] =	stream.indirect.gather [hbm4b:s4+s21], $0x80, s3, s21, $0xb8;
	[tilespmem:$0x17D00] =	vst v63  }
0x33: {  	_ =	swait.ge [sflag:s22], $0x4000  }
0x34: {  	[sflag:s22] =	ssyncset.done $0x0  }
0x35: {  	[sflag:s22] =	ssyncadd.s32 $0xFFFFC000  }
0x36: {  	[spmem:s2] =	stream.indirect.scatter.add.f32 [tilespmem:s19], [sflag:$0x2], $0x80, s21, s21, $0xb8;
	[tilespmem:$0x17D00] =	vst v63  }
0x37: {  	_ =	swait.ge [sflag:s20], $0x4000  }
0x38: {  	s25 =	simm.s32 $0x20;
	s24 =	simm.s32 $0x10;
	[sflag:s20] =	ssyncset.done $0x0  }
.LBB2_2:
0x39: {  	s26 =	sadd.s32 s24, s18  }
0x3a: {  	[sflag:s20] =	ssyncadd.s32 $0xFFFFC000;
	s28 =	smov.u32 s25;
	s29 =	sadd.s32 $0x10, s25  }
0x3b: {  	[tilespmem:s3], [sflag:$0x2] =	stream.linear.gather [hbm4b:s26+s3], $0x80, $0x38;
	[tilespmem:$0x17D00] =	vst v63  }
0x3c: {  	p0 =	sne.s32 s25, $0x4E0;
	_ =	swait.ge [sflag:s20], $0x80  }
0x3d: {  	[sflag:s20] =	ssyncset.done $0x0  }
0x3e: {  	s25 =	sadd.s32 s24, s17;
	s24 =	smov.u32 s28;
	[sflag:s20] =	ssyncadd.s32 $0xFFFFFF80  }
0x3f: {  	[tilespmem:s21], [sflag:$0x2] =	stream.linear.gather [hbm4b:s25+s3], $0x80, $0x38;
	[tilespmem:$0x17D00] =	vst v63  }
0x40: {  	_ =	swait.ge [sflag:s20], $0x80  }
0x41: {  	[sflag:s20] =	ssyncset.done $0x0  }
0x42: {  	[sflag:s20] =	ssyncadd.s32 $0xFFFFFF80  }
0x43: {  	[tilespmem:s19], [sflag:$0x1] =	stream.indirect.gather [hbm4b:s4+s21], $0x80, s3, s21, $0xb8;
	[tilespmem:$0x17D00] =	vst v63  }
0x44: {  	_ =	swait.ge [sflag:s22], $0x4000  }
.Ltmp0:
0x45: {  	[sflag:s22] =	ssyncset.done $0x0;
	(pc) =	sbr.rel @p0 .LBB2_2-.Ltmp0, $4  }
0x46: {  	[sflag:s22] =	ssyncadd.s32 $0xFFFFC000  }
0x47: {  	[spmem:s2] =	stream.indirect.scatter.add.f32 [tilespmem:s19], [sflag:$0x2], $0x80, s21, s21, $0xb8;
	[tilespmem:$0x17D00] =	vst v63  }
0x48: {  	_ =	swait.ge [sflag:s20], $0x4000  }
0x49: {  	s25 =	smov.u32 s29;
	[sflag:s20] =	ssyncset.done $0x0  }
0x4a: {  	s25 =	sadd.s32 s24, s18;
	[sflag:s20] =	ssyncadd.s32 $0xFFFFC000  }
0x4b: {  	[tilespmem:s3], [sflag:$0x2] =	stream.linear.gather [hbm4b:s25+s3], $0x80, $0x38;
	[tilespmem:$0x17D00] =	vst v63  }
0x4c: {  	_ =	swait.ge [sflag:s20], $0x80  }
0x4d: {  	[sflag:s20] =	ssyncset.done $0x0  }
0x4e: {  	s31 =	sadd.s32 s24, s17;
	[sflag:s20] =	ssyncadd.s32 $0xFFFFFF80  }
0x4f: {  	[tilespmem:s21], [sflag:$0x2] =	stream.linear.gather [hbm4b:s31+s3], $0x80, $0x38;
	[tilespmem:$0x17D00] =	vst v63  }
0x50: {  	_ =	swait.ge [sflag:s20], $0x80  }
0x51: {  	[sflag:s20] =	ssyncset.done $0x0  }
0x52: {  	[sflag:s20] =	ssyncadd.s32 $0xFFFFFF80  }
0x53: {  	[tilespmem:s19], [sflag:$0x1] =	stream.indirect.gather [hbm4b:s4+s21], $0x80, s3, s21, $0xb8;
	[tilespmem:$0x17D00] =	vst v63  }
0x54: {  	_ =	swait.ge [sflag:s22], $0x4000  }
0x55: {  	[sflag:s22] =	ssyncset.done $0x0  }
0x56: {  	[sflag:s22] =	ssyncadd.s32 $0xFFFFC000  }
0x57: {  	[spmem:s2] =	stream.indirect.scatter.add.f32 [tilespmem:s19], [sflag:$0x2], $0x80, s21, s21, $0xb8;
	[tilespmem:$0x17D00] =	vst v63  }
0x58: {  	_ =	swait.ge [sflag:s20], $0x4000  }
0x59: {  	[sflag:s20] =	ssyncset.done $0x0  }
0x5a: {  	[sflag:s20] =	ssyncadd.s32 $0xFFFFC000  }
0x5b: {  	[bflag:$0x0] =	sbarrier.arrive $0xFFFF  }
0x5c: {  	[tilespmem:s19], [sflag:$0x2] =	stream.linear.gather [spmem:s6], $0x4000, $0x38;
	[tilespmem:$0x17D00] =	vst v63  }
0x5d: {  	_ =	swait.ge [sflag:s20], $0x4000  }
0x5e: {  	[sflag:s20] =	ssyncset.done $0x0  }
0x5f: {  	[sflag:s20] =	ssyncadd.s32 $0xFFFFC000  }
0x60: {  	[hbm4b:s11+s3] =	stream.linear.scatter [tilespmem:s19], [sflag:$0x2], $0x4000, $0x38;
	[tilespmem:$0x17D00] =	vst v63  }
0x61: {  	_ =	swait.ge [sflag:s20], $0x4000  }
0x62: {  	[sflag:s20] =	ssyncset.done $0x0  }
0x63: {  	[sflag:s20] =	ssyncadd.s32 $0xFFFFC000  }
0x64: {  	[tilespmem:s19], [sflag:$0x2] =	stream.linear.gather [spmem:s7], $0x4000, $0x38;
	[tilespmem:$0x17D00] =	vst v63  }
0x65: {  	_ =	swait.ge [sflag:s20], $0x4000  }
0x66: {  	[sflag:s20] =	ssyncset.done $0x0  }
0x67: {  	[sflag:s20] =	ssyncadd.s32 $0xFFFFC000  }
0x68: {  	[hbm4b:s12+s3] =	stream.linear.scatter [tilespmem:s19], [sflag:$0x2], $0x4000, $0x38;
	[tilespmem:$0x17D00] =	vst v63  }
0x69: {  	_ =	swait.ge [sflag:s20], $0x4000  }
0x6a: {  	[sflag:s20] =	ssyncset.done $0x0  }
0x6b: {  	[sflag:s20] =	ssyncadd.s32 $0xFFFFC000  }
0x6c: {  	[tilespmem:s19], [sflag:$0x2] =	stream.linear.gather [spmem:s8], $0x4000, $0x38;
	[tilespmem:$0x17D00] =	vst v63  }
0x6d: {  	_ =	swait.ge [sflag:s20], $0x4000  }
0x6e: {  	[sflag:s20] =	ssyncset.done $0x0  }
0x6f: {  	[sflag:s20] =	ssyncadd.s32 $0xFFFFC000  }
0x70: {  	[hbm4b:s13+s3] =	stream.linear.scatter [tilespmem:s19], [sflag:$0x2], $0x4000, $0x38;
	[tilespmem:$0x17D00] =	vst v63  }
0x71: {  	_ =	swait.ge [sflag:s20], $0x4000  }
0x72: {  	[sflag:s20] =	ssyncset.done $0x0  }
0x73: {  	[sflag:s20] =	ssyncadd.s32 $0xFFFFC000  }
0x74: {  	[tilespmem:s19], [sflag:$0x2] =	stream.linear.gather [spmem:s9], $0x4000, $0x38;
	[tilespmem:$0x17D00] =	vst v63  }
0x75: {  	_ =	swait.ge [sflag:s20], $0x4000  }
0x76: {  	[sflag:s20] =	ssyncset.done $0x0  }
0x77: {  	[sflag:s20] =	ssyncadd.s32 $0xFFFFC000  }
0x78: {  	[hbm4b:s14+s3] =	stream.linear.scatter [tilespmem:s19], [sflag:$0x2], $0x4000, $0x38;
	[tilespmem:$0x17D00] =	vst v63  }
0x79: {  	_ =	swait.ge [sflag:s20], $0x4000  }
0x7a: {  	[sflag:s20] =	ssyncset.done $0x0  }
0x7b: {  	[sflag:s20] =	ssyncadd.s32 $0xFFFFC000  }
0x7c: {  	[tilespmem:s19], [sflag:$0x2] =	stream.linear.gather [spmem:s10], $0x3C00, $0x38;
	[tilespmem:$0x17D00] =	vst v63  }
0x7d: {  	s23 =	sadd.s32 $0x1, s23;
	_ =	swait.ge [sflag:s20], $0x3C00  }
0x7e: {  	p0 =	sne.s32 s23, s16;
	[sflag:s20] =	ssyncset.done $0x0  }
.Ltmp1:
0x7f: {  	[sflag:s20] =	ssyncadd.s32 $0xFFFFC400;
	(pc) =	sbr.rel @p0 .LBB2_1-.Ltmp1, $4  }
0x80: {  	[hbm4b:s15+s3] =	stream.linear.scatter [tilespmem:s19], [sflag:$0x2], $0x3C00, $0x38;
	[tilespmem:$0x17D00] =	vst v63  }
0x81: {  	_ =	swait.ge [sflag:s20], $0x3C00  }
0x82: {  	[sflag:s20] =	ssyncset.done $0x0  }
0x83: {  	[sflag:s20] =	ssyncadd.s32 $0xFFFFC400  }
0x84: {  	_ =	sfence.sel $0x180000  }
0x85: {  	[bflag:$0x0] =	sbarrier.arrive $0xFFFF  }
0x86: {  	p0 =	sne.s32 s1, $0x0;
	_ =	strace $0x9000004D  }
0x87: {  	s0 =	sadd.s32 @!p0 $0x100000, s0;
	[bflag:$0x2] =	sbarrier.arrive $0xFFFF  }
0x88: {  	[sflag:s0] =	ssyncadd.tile.s32 @!p0 $0x1;
	_ =	shalt  }
.Lfunc_end2:
_tile_overlayer_lowered:
.L_overlay_start_2:
0x89: {  	(tag) =	ssettag $0x2  }
0x8a: {  	s0 =	rddreg [dreg:$0x0];
	s2 =	stileid.u32  }
0x8b: {  	s1 =	rddreg [dreg:$0x1];
	p0 =	sne.s32 s2, $0x0  }
0x8c: {  	s3 =	rddreg [dreg:$0x2];
	[bflag:$0x3] =	sbarrier.arrive $0xFFFF;
	s2 =	simm.s32 @!p0 $0x1C02  }
0x8d: {  	[timem:s3], [sflag:s2] =	dma.local @!p0 [hbm:s0], s1  }
0x8e: {  	s0 =	simm.s32 @!p0 $0x2  }
0x8f: {  	_ =	swait.ge @!p0 [sflag:s0], s1  }
0x90: {  	s1 =	ssub.s32 @!p0 $0x0, s1;
	[sflag:s0] =	ssyncset.done @!p0 $0x0  }
0x91: {  	[sflag:s0] =	ssyncadd.s32 @!p0 s1  }
0x92: {  	[bflag:$0x3] =	sbarrier.arrive $0xFFFF  }
0x93: {  	_ =	shalt  }

// kernel: kernel.18.cloned.1.call-start
scs
__scs_entry_jumppad:
0x0: {  	(pc) =	sbr.rel $0x88, $3  }
0x1: {  	(tag) =	ssettag $0x0;
	lr =	simm.s32 $0x1  }
0x2: {  	[smem:$0x3F92] =	sst lr;
	_ =	strace $0xD0000000  }
0x3: {  	_ = 	snop  }
0x4: {  	_ = 	snop  }
0x5: {  	_ = 	snop  }
0x6: {  	_ = 	snop  }
0x7: {  	_ = 	snop  }
__scs_overlays_trampoline_lowered:
0x8: {  	[smem:$0x3FA1] =	sst s0  }
0x9: {  	[smem:$0x3FA2] =	sst s1  }
0xa: {  	[smem:$0x3FA3] =	sst s2  }
0xb: {  	[smem:$0x3FA4] =	sst s3  }
0xc: {  	[smem:$0x3FA5] =	sst s4  }
0xd: {  	[smem:$0x3FA6] =	sst s5  }
0xe: {  	[smem:$0x3FA7] =	sst s6  }
0xf: {  	[smem:$0x3FA8] =	sst s7  }
0x10: {  	[smem:$0x3FA9] =	sst s8  }
0x11: {  	[smem:$0x3FAA] =	sst s9;
	s0 =	simm.s32 @!p0 $0x0  }
0x12: {  	s1 =	sld [smem:$0x3F90];
	s0 =	simm.s32 @p0 $0x1  }
0x13: {  	[smem:$0x3FAB] =	sst s0;
	s0 =	simm.s32 @!p1 $0x0  }
0x14: {  	s2 =	sld [smem:$0x3F8F];
	s0 =	simm.s32 @p1 $0x1  }
0x15: {  	[smem:$0x3FAC] =	sst s0;
	s0 =	simm.s32 @!p2 $0x0  }
0x16: {  	s3 =	sld [smem:$0x3FDB];
	s0 =	simm.s32 @p2 $0x1  }
0x17: {  	s4 =	simm.s32 $0x1BF5;
	[smem:$0x3FAE] =	sst s0  }
0x18: {  	s0 =	sld [smem:$0x3F91];
	_ =	swait.ge [sflag:s4], $0x0  }
0x19: {  	s7 =	sld [smem:$0x3F92]  }
0x1a: {  	s8 =	sadd.s32 $0xFFFFE003, lr  }
0x1b: {  	s9 =	sadd.s32 $0xFFFFFEF7, lr;
	s5 =	simm.s32 $0xFFFFFFFF;
	p2 =	slt.u32 s8, $0xFFFFF086  }
0x1c: {  	p1 =	slt.u32 s9, $0xF7A;
	s5 =	simm.s32 @!p2 $0x0  }
0x1d: {  	s5 =	simm.s32 @p1 $0x1;
	p0 =	seq.s32 s7, s2  }
0x1e: {  	s7 =	smul.u32 @!p0 $0xF7A, s2;
	p2 =	seq.s32 @!p0 s5, $0x0  }
0x1f: {  	s9 =	smul.u32 $0xF7A, s1;
	s8 =	simm.s32 @!p0 $0x1BF5;
	p2 =	por !p2, p0  }
0x20: {  	[sflag:s8] =	ssyncset.s32 @!p0 $0xFFFFF086;
	s6 =	sadd.s32 @!p0 s3, s7;
	s7 =	simm.s32 @!p0 $0x108  }
0x21: {  	s3 =	sadd.s32 s3, s9;
	s6 =	sadd.s32 @!p0 $0x88, s6;
	s7 =	simm.s32 @p2 $0x1082  }
0x22: {  	[simem:s7], [sflag:s8] =	dma.local @!p0 [hbm:s6], $0xF7A  }
0x23: {  	s9 =	sor.u32 $0xD0000000, s2;
	s6 =	simm.s32 $0x108;
	_ =	swait.ge @!p0 [sflag:s8], $0x0  }
0x24: {  	s3 =	sadd.s32 $0x88, s3;
	s6 =	simm.s32 @!p1 $0x1082;
	[sflag:s4] =	ssyncset.s32 $0xFFFFF086  }
0x25: {  	[simem:s6], [sflag:s4] =	dma.local [hbm:s3], $0xF7A  }
0x26: {  	[smem:$0x3F92] =	sst s1;
	(tag) =	ssettag s2;
	_ =	strace s9  }
0x27: {  	s1 =	sld [smem:$0x3FA2]  }
0x28: {  	s2 =	sld [smem:$0x3FA3]  }
0x29: {  	s4 =	sld [smem:$0x3FA5]  }
0x2a: {  	p0 =	seq.s32 s5, $0x0;
	s5 =	sld [smem:$0x3FA6]  }
0x2b: {  	s6 =	sld [smem:$0x3FA7]  }
0x2c: {  	s7 =	sld [smem:$0x3FA8]  }
0x2d: {  	s3 =	simm.s32 $0x108;
	s8 =	sld [smem:$0x3FA9]  }
0x2e: {  	s3 =	simm.s32 @!p0 $0x1082;
	s9 =	sld [smem:$0x3FAA]  }
0x2f: {  	lr =	sadd.s32 s0, s3;
	s0 =	sld [smem:$0x3FA1]  }
0x30: {  	s3 =	sld [smem:$0x3FA4]  }
0x31: {  	[smem:$0x3FAD] =	sst s10  }
0x32: {  	s10 =	sld [smem:$0x3FAB];
	_ =	sdelay $0x3  }
0x33: {  	p0 =	seq.s32 s10, $0x1;
	s10 =	sld [smem:$0x3FAD];
	_ =	sdelay $0x3  }
0x34: {  	[smem:$0x3FAD] =	sst s10  }
0x35: {  	s10 =	sld [smem:$0x3FAC];
	_ =	sdelay $0x3  }
0x36: {  	p1 =	seq.s32 s10, $0x1;
	s10 =	sld [smem:$0x3FAD];
	_ =	sdelay $0x3  }
0x37: {  	[smem:$0x3FAD] =	sst s10  }
0x38: {  	s10 =	sld [smem:$0x3FAE]  }
0x39: {  	_ = 	snop;
	(pc) =	sbr.ind lr, $3  }
0x3a: {  	_ = 	snop  }
0x3b: {  	_ = 	snop  }
0x3c: {  	p2 =	seq.s32 s10, $0x1;
	s10 =	sld [smem:$0x3FAD]  }
0x3d: {  	_ =	shalt  }
0x3e: {  	_ =	shalt  }
0x3f: {  	_ =	shalt  }
0x40: {  	_ =	shalt  }
0x41: {  	_ =	shalt  }
0x42: {  	_ =	shalt  }
0x43: {  	_ =	shalt  }
0x44: {  	_ =	shalt  }
0x45: {  	_ =	shalt  }
0x46: {  	_ =	shalt  }
0x47: {  	_ =	shalt  }
0x48: {  	_ =	shalt  }
0x49: {  	_ =	shalt  }
0x4a: {  	_ =	shalt  }
0x4b: {  	_ =	shalt  }
0x4c: {  	_ =	shalt  }
0x4d: {  	_ =	shalt  }
0x4e: {  	_ =	shalt  }
0x4f: {  	_ =	shalt  }
0x50: {  	_ =	shalt  }
0x51: {  	_ =	shalt  }
0x52: {  	_ =	shalt  }
0x53: {  	_ =	shalt  }
0x54: {  	_ =	shalt  }
0x55: {  	_ =	shalt  }
0x56: {  	_ =	shalt  }
0x57: {  	_ =	shalt  }
0x58: {  	_ =	shalt  }
0x59: {  	_ =	shalt  }
0x5a: {  	_ =	shalt  }
0x5b: {  	_ =	shalt  }
0x5c: {  	_ =	shalt  }
0x5d: {  	_ =	shalt  }
0x5e: {  	_ =	shalt  }
0x5f: {  	_ =	shalt  }
0x60: {  	_ =	shalt  }
0x61: {  	_ =	shalt  }
0x62: {  	_ =	shalt  }
0x63: {  	_ =	shalt  }
0x64: {  	_ =	shalt  }
0x65: {  	_ =	shalt  }
0x66: {  	_ =	shalt  }
0x67: {  	_ =	shalt  }
0x68: {  	_ =	shalt  }
0x69: {  	_ =	shalt  }
0x6a: {  	_ =	shalt  }
0x6b: {  	_ =	shalt  }
0x6c: {  	_ =	shalt  }
0x6d: {  	_ =	shalt  }
0x6e: {  	_ =	shalt  }
0x6f: {  	_ =	shalt  }
0x70: {  	_ =	shalt  }
0x71: {  	_ =	shalt  }
0x72: {  	_ =	shalt  }
0x73: {  	_ =	shalt  }
0x74: {  	_ =	shalt  }
0x75: {  	_ =	shalt  }
0x76: {  	_ =	shalt  }
0x77: {  	_ =	shalt  }
0x78: {  	_ =	shalt  }
0x79: {  	_ =	shalt  }
0x7a: {  	_ =	shalt  }
0x7b: {  	_ =	shalt  }
0x7c: {  	_ =	shalt  }
0x7d: {  	_ =	shalt  }
0x7e: {  	_ =	shalt  }
0x7f: {  	_ =	shalt  }
0x80: {  	_ =	shalt  }
0x81: {  	_ =	shalt  }
0x82: {  	_ =	shalt  }
0x83: {  	_ =	shalt  }
0x84: {  	_ =	shalt  }
0x85: {  	_ =	shalt  }
0x86: {  	_ =	shalt  }
0x87: {  	_ =	shalt  }
.Lfunc_end0:
.L_simem_size_0:
called_computation.3_lowered:
.L_overlay_start_0:
0x88: {  	s2 =	sld [smem:$0x3FD9]  }
0x89: {  	s3 =	sld [smem:$0x3FFE];
	_ =	sdelay $0x1  }
0x8a: {  	s1 =	srdreg.scid  }
0x8b: {  	s0 =	sand.u32 $0x1, s1  }
0x8c: {  	s16 =	sshll.u32 s0, $0xA;
	s2 =	sadd.s32 s3, s2  }
0x8d: {  	s2 =	sadd.s32 s2, s16  }
0x8e: {  	[smem:$0x3FB9] =	sst s2  }
0x8f: {  	_ = 	snop  }
0x90: {  	(tm) =	ssettm $0x1  }
0x91: {  	s17 =	sld [smem:$0x3FFB];
	_ =	sdelay $0x3  }
0x92: {  	_ =	strace s17  }
0x93: {  	s2 =	sld [smem:$0x3FFC];
	_ =	sdelay $0x3  }
0x94: {  	_ =	strace s2  }
0x95: {  	s2 =	sld [smem:$0x3FFD];
	_ =	sdelay $0x3  }
0x96: {  	_ =	strace s2  }
0x97: {  	_ =	strace $0x8FFFFFFF  }
0x98: {  	s18 =	sld [smem:$0x3FDB];
	_ =	sdelay $0x1  }
0x99: {  	s19 =	simm.s32 $_scs_section_size  }
0x9a: {  	s4 =	simm.s32 $_size__tile_overlayer_lowered;
	s5 =	simm.s32 $_tile_overlayer_lowered  }
0x9b: {  	s22 =	simm.s32 $0x1BFF;
	s21 =	sshll.u32 s5, $0x1;
	s2 =	sadd.s32 s19, s18  }
0x9c: {  	s6 =	simm.s32 $0x0;
	s20 =	sshll.u32 s4, $0x1;
	s4 =	sadd.s32 s21, s2  }
0x9d: {  	[timem:s6], [sflag:s22] =	dma.local [hbm:s4], s20  }
0x9e: {  	_ =	swait.ge [sflag:s22], s20  }
0x9f: {  	s3 =	ssub.s32 $0x0, s20;
	[sflag:s22] =	ssyncset.done $0x0  }
0xa0: {  	[sflag:s22] =	ssyncadd.s32 s3;
	_ =	sdelay $0x1  }
0xa1: {  	s23 =	simm.s32 $0x1B8B  }
0xa2: {  	_ =	swait.ge [sflag:s23], $0x1  }
0xa3: {  	[sflag:s23] =	ssyncset.done $0x0  }
0xa4: {  	s25 =	simm.s32 $0x1B8E;
	s24 =	sld [smem:$0x3FFE];
	[sflag:s23] =	ssyncadd.s32 $0xFFFFFFFF  }
0xa5: {  	s26 =	simm.s32 $execute0_lowered;
	[smem:$0x3FD2] =	sst s25  }
0xa6: {  	s4 =	sshll.u32 s26, $0x1;
	_ =	strace $0x8000004F;
	[dreg:$0x1] =	wrdreg $0xFFFFFFFF  }
0xa7: {  	s28 =	simm.s32 $_size_execute0_lowered;
	s2 =	sadd.s32 s2, s4;
	[dreg:$0x0] =	wrdreg $0x0  }
0xa8: {  	s4 =	sshll.u32 s28, $0x1;
	[dreg:$0x2] =	wrdreg s2  }
0xa9: {  	[dreg:$0x3] =	wrdreg s4  }
0xaa: {  	[dreg:$0x4] =	wrdreg $0xC0  }
0xab: {  	_ =	task [dreg:s6], $0x5FFFF  }
0xac: {  	[dreg:$0x1] =	wrdreg $0xFFFFFFFF  }
0xad: {  	[dreg:$0x0] =	wrdreg $0x60  }
0xae: {  	[dreg:$0x2] =	wrdreg s24  }
0xaf: {  	[dreg:$0x3] =	wrdreg $0x41000  }
0xb0: {  	[dreg:$0x4] =	wrdreg $0x9  }
0xb1: {  	_ =	task.clear_ibuf [dreg:s6], $0x5FFFF;
	_ =	strace $0x9000004F  }
0xb2: {  	s29 =	simm.s32 $0x9;
	_ =	strace $0x80000051  }
0xb3: {  	_ =	swait.ge [sflag:s29], $0x1  }
0xb4: {  	[sflag:s29] =	ssyncadd.s32 $0xFFFFFFFF  }
0xb5: {  	_ =	strace $0x90000051  }
0xb6: {  	_ =	sfence  }
0xb7: {  	s30 =	sld [smem:$0x0];
	_ =	sdelay $0x2  }
0xb8: {  	s31 =	sshll.u32 s1, $0xD;
	s1 =	sshrl.u32 s1, $0x2  }
0xb9: {  	s3 =	sand.u32 $0x4000, s31;
	s1 =	sadd.s32 s1, s30  }
0xba: {  	s0 =	sor.u32 s3, s0;
	s1 =	sshll.u32 s1, $0x11  }
0xbb: {  	s0 =	sor.u32 s1, s0  }
0xbc: {  	s0 =	sadd.s32 $0x8F2B, s0  }
0xbd: {  	[sflag:s0] =	ssyncadd.remote.s32 $0x1  }
0xbe: {  	_ =	sfence.sel $0xFFFF  }
0xbf: {  	[dreg:$0x0] =	wrdreg $0xFFFFFFFF;
	(pc) =	sbr.abs _section_cstart, $3  }
0xc0: {  	[dreg:$0x1] =	wrdreg $0xFFFFFFFF  }
0xc1: {  	_ =	task.clear_ibuf [dreg:s6], $0x2FFFF;
	_ =	strace $0x9FFFFFFF  }
0xc2: {  	(tm) =	ssettm $0x7FFFFFFF  }
0xc3: {  	_ =	shalt  }
tec
execute0_lowered:
.L_overlay_start_1:
0x0: {  	(tag) =	ssettag $0x1  }
0x1: {  	s7 =	rddreg [dreg:$0x0]  }
0x2: {  	s2 =	rddreg [dreg:$0x1]  }
0x3: {  	s0 =	rddreg [dreg:$0x2];
	s1 =	stileid.u32  }
0x4: {  	s4 =	srdreg.scid;
	s3 =	simm.s32 $0x0;
	s19 =	simm.s32 $0x100  }
0x5: {  	s20 =	simm.s32 $0x2;
	s21 =	simm.s32 $0x80;
	s5 =	smul.u32 $0x9E0, s1  }
0x6: {  	s22 =	simm.s32 $0x1;
	s23 =	simm.s32 $0x0;
	s6 =	smul.u32 $0x278, s1  }
0x7: {  	s10 =	sand.u32 $0x1, s4;
	[smem:$0x7FF] =	sst s3;
	s9 =	smul.u32 $0x4F000, s1  }
0x8: {  	s4 =	sadd.s32 $0x35C00, s7;
	s8 =	smul.u32 $0x2780, s10;
	_ =	strace $0x80000050  }
0x9: {  	s31 =	ssub.s32 $0x2, s10;
	s18 =	smul.u32 $0x4F0, s10;
	s15 =	sadd.s32 s5, s7  }
0xa: {  	s5 =	sadd.s32 $0xE400, s7;
	s12 =	sshrl.u32 s31, $0x1;
	s6 =	sadd.s32 s6, s8  }
0xb: {  	s9 =	sshrl.u32 s9, $0x2;
	s17 =	ssub.s32 s31, s12;
	s11 =	sshll.u32 s6, $0x4  }
0xc: {  	s18 =	sadd.s32 s18, s15;
	s6 =	sadd.s32 s9, s2;
	s16 =	sadd.s32 s11, s7  }
0xd: {  	s7 =	sadd.s32 $0x4000, s6;
	s8 =	sadd.s32 $0x8000, s6;
	s9 =	sadd.s32 $0xC000, s6  }
0xe: {  	s10 =	sadd.s32 $0x10000, s6;
	s11 =	sadd.s32 $0x8EA00, s16;
	s12 =	sadd.s32 $0x8F200, s16  }
0xf: {  	s13 =	sadd.s32 $0x8FA00, s16;
	s14 =	sadd.s32 $0x90200, s16;
	s15 =	sadd.s32 $0x90A00, s16  }
0x10: {  	s16 =	smax.u32 s17, $0x1;
	s17 =	sadd.s32 $0x4600, s18;
	s18 =	sadd.s32 $0x84C00, s18  }
.LBB2_1:
0x11: {  	[tilespmem:s19], [sflag:$0x2] =	stream.linear.gather [hbm4b:s5+s3], $0x4000, $0x38;
	[tilespmem:$0x17D00] =	vst v63  }
0x12: {  	_ =	swait.ge [sflag:s20], $0x4000  }
0x13: {  	[sflag:s20] =	ssyncset.done $0x0  }
0x14: {  	[sflag:s20] =	ssyncadd.s32 $0xFFFFC000  }
0x15: {  	[spmem:s6] =	stream.linear.scatter [tilespmem:s19], [sflag:$0x2], $0x4000, $0x38;
	[tilespmem:$0x17D00] =	vst v63  }
0x16: {  	_ =	swait.ge [sflag:s20], $0x4000  }
0x17: {  	[sflag:s20] =	ssyncset.done $0x0  }
0x18: {  	[sflag:s20] =	ssyncadd.s32 $0xFFFFC000  }
0x19: {  	[spmem:s7] =	stream.linear.scatter [tilespmem:s19], [sflag:$0x2], $0x4000, $0x38;
	[tilespmem:$0x17D00] =	vst v63  }
0x1a: {  	_ =	swait.ge [sflag:s20], $0x4000  }
0x1b: {  	[sflag:s20] =	ssyncset.done $0x0  }
0x1c: {  	[sflag:s20] =	ssyncadd.s32 $0xFFFFC000  }
0x1d: {  	[spmem:s8] =	stream.linear.scatter [tilespmem:s19], [sflag:$0x2], $0x4000, $0x38;
	[tilespmem:$0x17D00] =	vst v63  }
0x1e: {  	_ =	swait.ge [sflag:s20], $0x4000  }
0x1f: {  	[sflag:s20] =	ssyncset.done $0x0  }
0x20: {  	[sflag:s20] =	ssyncadd.s32 $0xFFFFC000  }
0x21: {  	[spmem:s9] =	stream.linear.scatter [tilespmem:s19], [sflag:$0x2], $0x4000, $0x38;
	[tilespmem:$0x17D00] =	vst v63  }
0x22: {  	_ =	swait.ge [sflag:s20], $0x4000  }
0x23: {  	[sflag:s20] =	ssyncset.done $0x0  }
0x24: {  	[sflag:s20] =	ssyncadd.s32 $0xFFFFC000  }
0x25: {  	[spmem:s10] =	stream.linear.scatter [tilespmem:s19], [sflag:$0x2], $0x3C00, $0x38;
	[tilespmem:$0x17D00] =	vst v63  }
0x26: {  	_ =	swait.ge [sflag:s20], $0x3C00  }
0x27: {  	[sflag:s20] =	ssyncset.done $0x0  }
0x28: {  	[sflag:s20] =	ssyncadd.s32 $0xFFFFC400  }
0x29: {  	s24 =	sadd.s32 $0x0, s18;
	[bflag:$0x0] =	sbarrier.arrive $0xFFFF  }
0x2a: {  	[tilespmem:s3], [sflag:$0x2] =	stream.linear.gather [hbm4b:s24+s3], $0x80, $0x38;
	[tilespmem:$0x17D00] =	vst v63  }
0x2b: {  	_ =	swait.ge [sflag:s20], $0x80  }
0x2c: {  	[sflag:s20] =	ssyncset.done $0x0  }
0x2d: {  	s31 =	sadd.s32 $0x0, s17;
	[sflag:s20] =	ssyncadd.s32 $0xFFFFFF80  }
0x2e: {  	[tilespmem:s21], [sflag:$0x2] =	stream.linear.gather [hbm4b:s31+s3], $0x80, $0x38;
	[tilespmem:$0x17D00] =	vst v63  }
0x2f: {  	_ =	swait.ge [sflag:s20], $0x80  }
0x30: {  	[sflag:s20] =	ssyncset.done $0x0  }
0x31: {  	[sflag:s20] =	ssyncadd.s32 $0xFFFFFF80  }
0x32: {  	[tilespmem:s19], [sflag:$0x1] =	stream.indirect.gather [hbm4b:s4+s21], $0x80, s3, s21, $0xb8;
	[tilespmem:$0x17D00] =	vst v63  }
0x33: {  	_ =	swait.ge [sflag:s22], $0x4000  }
0x34: {  	[sflag:s22] =	ssyncset.done $0x0  }
0x35: {  	[sflag:s22] =	ssyncadd.s32 $0xFFFFC000  }
0x36: {  	[spmem:s2] =	stream.indirect.scatter.add.f32 [tilespmem:s19], [sflag:$0x2], $0x80, s21, s21, $0xb8;
	[tilespmem:$0x17D00] =	vst v63  }
0x37: {  	_ =	swait.ge [sflag:s20], $0x4000  }
0x38: {  	s25 =	simm.s32 $0x20;
	s24 =	simm.s32 $0x10;
	[sflag:s20] =	ssyncset.done $0x0  }
.LBB2_2:
0x39: {  	s26 =	sadd.s32 s24, s18  }
0x3a: {  	[sflag:s20] =	ssyncadd.s32 $0xFFFFC000;
	s28 =	smov.u32 s25;
	s29 =	sadd.s32 $0x10, s25  }
0x3b: {  	[tilespmem:s3], [sflag:$0x2] =	stream.linear.gather [hbm4b:s26+s3], $0x80, $0x38;
	[tilespmem:$0x17D00] =	vst v63  }
0x3c: {  	p0 =	sne.s32 s25, $0x4E0;
	_ =	swait.ge [sflag:s20], $0x80  }
0x3d: {  	[sflag:s20] =	ssyncset.done $0x0  }
0x3e: {  	s25 =	sadd.s32 s24, s17;
	s24 =	smov.u32 s28;
	[sflag:s20] =	ssyncadd.s32 $0xFFFFFF80  }
0x3f: {  	[tilespmem:s21], [sflag:$0x2] =	stream.linear.gather [hbm4b:s25+s3], $0x80, $0x38;
	[tilespmem:$0x17D00] =	vst v63  }
0x40: {  	_ =	swait.ge [sflag:s20], $0x80  }
0x41: {  	[sflag:s20] =	ssyncset.done $0x0  }
0x42: {  	[sflag:s20] =	ssyncadd.s32 $0xFFFFFF80  }
0x43: {  	[tilespmem:s19], [sflag:$0x1] =	stream.indirect.gather [hbm4b:s4+s21], $0x80, s3, s21, $0xb8;
	[tilespmem:$0x17D00] =	vst v63  }
0x44: {  	_ =	swait.ge [sflag:s22], $0x4000  }
.Ltmp0:
0x45: {  	[sflag:s22] =	ssyncset.done $0x0;
	(pc) =	sbr.rel @p0 .LBB2_2-.Ltmp0, $4  }
0x46: {  	[sflag:s22] =	ssyncadd.s32 $0xFFFFC000  }
0x47: {  	[spmem:s2] =	stream.indirect.scatter.add.f32 [tilespmem:s19], [sflag:$0x2], $0x80, s21, s21, $0xb8;
	[tilespmem:$0x17D00] =	vst v63  }
0x48: {  	_ =	swait.ge [sflag:s20], $0x4000  }
0x49: {  	s25 =	smov.u32 s29;
	[sflag:s20] =	ssyncset.done $0x0  }
0x4a: {  	s25 =	sadd.s32 s24, s18;
	[sflag:s20] =	ssyncadd.s32 $0xFFFFC000  }
0x4b: {  	[tilespmem:s3], [sflag:$0x2] =	stream.linear.gather [hbm4b:s25+s3], $0x80, $0x38;
	[tilespmem:$0x17D00] =	vst v63  }
0x4c: {  	_ =	swait.ge [sflag:s20], $0x80  }
0x4d: {  	[sflag:s20] =	ssyncset.done $0x0  }
0x4e: {  	s31 =	sadd.s32 s24, s17;
	[sflag:s20] =	ssyncadd.s32 $0xFFFFFF80  }
0x4f: {  	[tilespmem:s21], [sflag:$0x2] =	stream.linear.gather [hbm4b:s31+s3], $0x80, $0x38;
	[tilespmem:$0x17D00] =	vst v63  }
0x50: {  	_ =	swait.ge [sflag:s20], $0x80  }
0x51: {  	[sflag:s20] =	ssyncset.done $0x0  }
0x52: {  	[sflag:s20] =	ssyncadd.s32 $0xFFFFFF80  }
0x53: {  	[tilespmem:s19], [sflag:$0x1] =	stream.indirect.gather [hbm4b:s4+s21], $0x80, s3, s21, $0xb8;
	[tilespmem:$0x17D00] =	vst v63  }
0x54: {  	_ =	swait.ge [sflag:s22], $0x4000  }
0x55: {  	[sflag:s22] =	ssyncset.done $0x0  }
0x56: {  	[sflag:s22] =	ssyncadd.s32 $0xFFFFC000  }
0x57: {  	[spmem:s2] =	stream.indirect.scatter.add.f32 [tilespmem:s19], [sflag:$0x2], $0x80, s21, s21, $0xb8;
	[tilespmem:$0x17D00] =	vst v63  }
0x58: {  	_ =	swait.ge [sflag:s20], $0x4000  }
0x59: {  	[sflag:s20] =	ssyncset.done $0x0  }
0x5a: {  	[sflag:s20] =	ssyncadd.s32 $0xFFFFC000  }
0x5b: {  	[bflag:$0x0] =	sbarrier.arrive $0xFFFF  }
0x5c: {  	[tilespmem:s19], [sflag:$0x2] =	stream.linear.gather [spmem:s6], $0x4000, $0x38;
	[tilespmem:$0x17D00] =	vst v63  }
0x5d: {  	_ =	swait.ge [sflag:s20], $0x4000  }
0x5e: {  	[sflag:s20] =	ssyncset.done $0x0  }
0x5f: {  	[sflag:s20] =	ssyncadd.s32 $0xFFFFC000  }
0x60: {  	[hbm4b:s11+s3] =	stream.linear.scatter [tilespmem:s19], [sflag:$0x2], $0x4000, $0x38;
	[tilespmem:$0x17D00] =	vst v63  }
0x61: {  	_ =	swait.ge [sflag:s20], $0x4000  }
0x62: {  	[sflag:s20] =	ssyncset.done $0x0  }
0x63: {  	[sflag:s20] =	ssyncadd.s32 $0xFFFFC000  }
0x64: {  	[tilespmem:s19], [sflag:$0x2] =	stream.linear.gather [spmem:s7], $0x4000, $0x38;
	[tilespmem:$0x17D00] =	vst v63  }
0x65: {  	_ =	swait.ge [sflag:s20], $0x4000  }
0x66: {  	[sflag:s20] =	ssyncset.done $0x0  }
0x67: {  	[sflag:s20] =	ssyncadd.s32 $0xFFFFC000  }
0x68: {  	[hbm4b:s12+s3] =	stream.linear.scatter [tilespmem:s19], [sflag:$0x2], $0x4000, $0x38;
	[tilespmem:$0x17D00] =	vst v63  }
0x69: {  	_ =	swait.ge [sflag:s20], $0x4000  }
0x6a: {  	[sflag:s20] =	ssyncset.done $0x0  }
0x6b: {  	[sflag:s20] =	ssyncadd.s32 $0xFFFFC000  }
0x6c: {  	[tilespmem:s19], [sflag:$0x2] =	stream.linear.gather [spmem:s8], $0x4000, $0x38;
	[tilespmem:$0x17D00] =	vst v63  }
0x6d: {  	_ =	swait.ge [sflag:s20], $0x4000  }
0x6e: {  	[sflag:s20] =	ssyncset.done $0x0  }
0x6f: {  	[sflag:s20] =	ssyncadd.s32 $0xFFFFC000  }
0x70: {  	[hbm4b:s13+s3] =	stream.linear.scatter [tilespmem:s19], [sflag:$0x2], $0x4000, $0x38;
	[tilespmem:$0x17D00] =	vst v63  }
0x71: {  	_ =	swait.ge [sflag:s20], $0x4000  }
0x72: {  	[sflag:s20] =	ssyncset.done $0x0  }
0x73: {  	[sflag:s20] =	ssyncadd.s32 $0xFFFFC000  }
0x74: {  	[tilespmem:s19], [sflag:$0x2] =	stream.linear.gather [spmem:s9], $0x4000, $0x38;
	[tilespmem:$0x17D00] =	vst v63  }
0x75: {  	_ =	swait.ge [sflag:s20], $0x4000  }
0x76: {  	[sflag:s20] =	ssyncset.done $0x0  }
0x77: {  	[sflag:s20] =	ssyncadd.s32 $0xFFFFC000  }
0x78: {  	[hbm4b:s14+s3] =	stream.linear.scatter [tilespmem:s19], [sflag:$0x2], $0x4000, $0x38;
	[tilespmem:$0x17D00] =	vst v63  }
0x79: {  	_ =	swait.ge [sflag:s20], $0x4000  }
0x7a: {  	[sflag:s20] =	ssyncset.done $0x0  }
0x7b: {  	[sflag:s20] =	ssyncadd.s32 $0xFFFFC000  }
0x7c: {  	[tilespmem:s19], [sflag:$0x2] =	stream.linear.gather [spmem:s10], $0x3C00, $0x38;
	[tilespmem:$0x17D00] =	vst v63  }
0x7d: {  	s23 =	sadd.s32 $0x1, s23;
	_ =	swait.ge [sflag:s20], $0x3C00  }
0x7e: {  	p0 =	sne.s32 s23, s16;
	[sflag:s20] =	ssyncset.done $0x0  }
.Ltmp1:
0x7f: {  	[sflag:s20] =	ssyncadd.s32 $0xFFFFC400;
	(pc) =	sbr.rel @p0 .LBB2_1-.Ltmp1, $4  }
0x80: {  	[hbm4b:s15+s3] =	stream.linear.scatter [tilespmem:s19], [sflag:$0x2], $0x3C00, $0x38;
	[tilespmem:$0x17D00] =	vst v63  }
0x81: {  	_ =	swait.ge [sflag:s20], $0x3C00  }
0x82: {  	[sflag:s20] =	ssyncset.done $0x0  }
0x83: {  	[sflag:s20] =	ssyncadd.s32 $0xFFFFC400  }
0x84: {  	_ =	sfence.sel $0x180000  }
0x85: {  	[bflag:$0x0] =	sbarrier.arrive $0xFFFF  }
0x86: {  	p0 =	sne.s32 s1, $0x0;
	_ =	strace $0x90000050  }
0x87: {  	s0 =	sadd.s32 @!p0 $0x100000, s0;
	[bflag:$0x2] =	sbarrier.arrive $0xFFFF  }
0x88: {  	[sflag:s0] =	ssyncadd.tile.s32 @!p0 $0x1;
	_ =	shalt  }
.Lfunc_end2:
_tile_overlayer_lowered:
.L_overlay_start_2:
0x89: {  	(tag) =	ssettag $0x2  }
0x8a: {  	s0 =	rddreg [dreg:$0x0];
	s2 =	stileid.u32  }
0x8b: {  	s1 =	rddreg [dreg:$0x1];
	p0 =	sne.s32 s2, $0x0  }
0x8c: {  	s3 =	rddreg [dreg:$0x2];
	[bflag:$0x3] =	sbarrier.arrive $0xFFFF;
	s2 =	simm.s32 @!p0 $0x1C02  }
0x8d: {  	[timem:s3], [sflag:s2] =	dma.local @!p0 [hbm:s0], s1  }
0x8e: {  	s0 =	simm.s32 @!p0 $0x2  }
0x8f: {  	_ =	swait.ge @!p0 [sflag:s0], s1  }
0x90: {  	s1 =	ssub.s32 @!p0 $0x0, s1;
	[sflag:s0] =	ssyncset.done @!p0 $0x0  }
0x91: {  	[sflag:s0] =	ssyncadd.s32 @!p0 s1  }
0x92: {  	[bflag:$0x3] =	sbarrier.arrive $0xFFFF  }
0x93: {  	_ =	shalt  }

// kernel: kernel.9.cloned.1.call-start
scs
__scs_entry_jumppad:
0x0: {  	(pc) =	sbr.rel $0x88, $3  }
0x1: {  	(tag) =	ssettag $0x0;
	lr =	simm.s32 $0x1  }
0x2: {  	[smem:$0x3F92] =	sst lr;
	_ =	strace $0xD0000000  }
0x3: {  	_ = 	snop  }
0x4: {  	_ = 	snop  }
0x5: {  	_ = 	snop  }
0x6: {  	_ = 	snop  }
0x7: {  	_ = 	snop  }
__scs_overlays_trampoline_lowered:
0x8: {  	[smem:$0x3FA1] =	sst s0  }
0x9: {  	[smem:$0x3FA2] =	sst s1  }
0xa: {  	[smem:$0x3FA3] =	sst s2  }
0xb: {  	[smem:$0x3FA4] =	sst s3  }
0xc: {  	[smem:$0x3FA5] =	sst s4  }
0xd: {  	[smem:$0x3FA6] =	sst s5  }
0xe: {  	[smem:$0x3FA7] =	sst s6  }
0xf: {  	[smem:$0x3FA8] =	sst s7  }
0x10: {  	[smem:$0x3FA9] =	sst s8  }
0x11: {  	[smem:$0x3FAA] =	sst s9;
	s0 =	simm.s32 @!p0 $0x0  }
0x12: {  	s1 =	sld [smem:$0x3F90];
	s0 =	simm.s32 @p0 $0x1  }
0x13: {  	[smem:$0x3FAB] =	sst s0;
	s0 =	simm.s32 @!p1 $0x0  }
0x14: {  	s2 =	sld [smem:$0x3F8F];
	s0 =	simm.s32 @p1 $0x1  }
0x15: {  	[smem:$0x3FAC] =	sst s0;
	s0 =	simm.s32 @!p2 $0x0  }
0x16: {  	s3 =	sld [smem:$0x3FDB];
	s0 =	simm.s32 @p2 $0x1  }
0x17: {  	s4 =	simm.s32 $0x1BF5;
	[smem:$0x3FAE] =	sst s0  }
0x18: {  	s0 =	sld [smem:$0x3F91];
	_ =	swait.ge [sflag:s4], $0x0  }
0x19: {  	s7 =	sld [smem:$0x3F92]  }
0x1a: {  	s8 =	sadd.s32 $0xFFFFE003, lr  }
0x1b: {  	s9 =	sadd.s32 $0xFFFFFEF7, lr;
	s5 =	simm.s32 $0xFFFFFFFF;
	p2 =	slt.u32 s8, $0xFFFFF086  }
0x1c: {  	p1 =	slt.u32 s9, $0xF7A;
	s5 =	simm.s32 @!p2 $0x0  }
0x1d: {  	s5 =	simm.s32 @p1 $0x1;
	p0 =	seq.s32 s7, s2  }
0x1e: {  	s7 =	smul.u32 @!p0 $0xF7A, s2;
	p2 =	seq.s32 @!p0 s5, $0x0  }
0x1f: {  	s9 =	smul.u32 $0xF7A, s1;
	s8 =	simm.s32 @!p0 $0x1BF5;
	p2 =	por !p2, p0  }
0x20: {  	[sflag:s8] =	ssyncset.s32 @!p0 $0xFFFFF086;
	s6 =	sadd.s32 @!p0 s3, s7;
	s7 =	simm.s32 @!p0 $0x108  }
0x21: {  	s3 =	sadd.s32 s3, s9;
	s6 =	sadd.s32 @!p0 $0x88, s6;
	s7 =	simm.s32 @p2 $0x1082  }
0x22: {  	[simem:s7], [sflag:s8] =	dma.local @!p0 [hbm:s6], $0xF7A  }
0x23: {  	s9 =	sor.u32 $0xD0000000, s2;
	s6 =	simm.s32 $0x108;
	_ =	swait.ge @!p0 [sflag:s8], $0x0  }
0x24: {  	s3 =	sadd.s32 $0x88, s3;
	s6 =	simm.s32 @!p1 $0x1082;
	[sflag:s4] =	ssyncset.s32 $0xFFFFF086  }
0x25: {  	[simem:s6], [sflag:s4] =	dma.local [hbm:s3], $0xF7A  }
0x26: {  	[smem:$0x3F92] =	sst s1;
	(tag) =	ssettag s2;
	_ =	strace s9  }
0x27: {  	s1 =	sld [smem:$0x3FA2]  }
0x28: {  	s2 =	sld [smem:$0x3FA3]  }
0x29: {  	s4 =	sld [smem:$0x3FA5]  }
0x2a: {  	p0 =	seq.s32 s5, $0x0;
	s5 =	sld [smem:$0x3FA6]  }
0x2b: {  	s6 =	sld [smem:$0x3FA7]  }
0x2c: {  	s7 =	sld [smem:$0x3FA8]  }
0x2d: {  	s3 =	simm.s32 $0x108;
	s8 =	sld [smem:$0x3FA9]  }
0x2e: {  	s3 =	simm.s32 @!p0 $0x1082;
	s9 =	sld [smem:$0x3FAA]  }
0x2f: {  	lr =	sadd.s32 s0, s3;
	s0 =	sld [smem:$0x3FA1]  }
0x30: {  	s3 =	sld [smem:$0x3FA4]  }
0x31: {  	[smem:$0x3FAD] =	sst s10  }
0x32: {  	s10 =	sld [smem:$0x3FAB];
	_ =	sdelay $0x3  }
0x33: {  	p0 =	seq.s32 s10, $0x1;
	s10 =	sld [smem:$0x3FAD];
	_ =	sdelay $0x3  }
0x34: {  	[smem:$0x3FAD] =	sst s10  }
0x35: {  	s10 =	sld [smem:$0x3FAC];
	_ =	sdelay $0x3  }
0x36: {  	p1 =	seq.s32 s10, $0x1;
	s10 =	sld [smem:$0x3FAD];
	_ =	sdelay $0x3  }
0x37: {  	[smem:$0x3FAD] =	sst s10  }
0x38: {  	s10 =	sld [smem:$0x3FAE]  }
0x39: {  	_ = 	snop;
	(pc) =	sbr.ind lr, $3  }
0x3a: {  	_ = 	snop  }
0x3b: {  	_ = 	snop  }
0x3c: {  	p2 =	seq.s32 s10, $0x1;
	s10 =	sld [smem:$0x3FAD]  }
0x3d: {  	_ =	shalt  }
0x3e: {  	_ =	shalt  }
0x3f: {  	_ =	shalt  }
0x40: {  	_ =	shalt  }
0x41: {  	_ =	shalt  }
0x42: {  	_ =	shalt  }
0x43: {  	_ =	shalt  }
0x44: {  	_ =	shalt  }
0x45: {  	_ =	shalt  }
0x46: {  	_ =	shalt  }
0x47: {  	_ =	shalt  }
0x48: {  	_ =	shalt  }
0x49: {  	_ =	shalt  }
0x4a: {  	_ =	shalt  }
0x4b: {  	_ =	shalt  }
0x4c: {  	_ =	shalt  }
0x4d: {  	_ =	shalt  }
0x4e: {  	_ =	shalt  }
0x4f: {  	_ =	shalt  }
0x50: {  	_ =	shalt  }
0x51: {  	_ =	shalt  }
0x52: {  	_ =	shalt  }
0x53: {  	_ =	shalt  }
0x54: {  	_ =	shalt  }
0x55: {  	_ =	shalt  }
0x56: {  	_ =	shalt  }
0x57: {  	_ =	shalt  }
0x58: {  	_ =	shalt  }
0x59: {  	_ =	shalt  }
0x5a: {  	_ =	shalt  }
0x5b: {  	_ =	shalt  }
0x5c: {  	_ =	shalt  }
0x5d: {  	_ =	shalt  }
0x5e: {  	_ =	shalt  }
0x5f: {  	_ =	shalt  }
0x60: {  	_ =	shalt  }
0x61: {  	_ =	shalt  }
0x62: {  	_ =	shalt  }
0x63: {  	_ =	shalt  }
0x64: {  	_ =	shalt  }
0x65: {  	_ =	shalt  }
0x66: {  	_ =	shalt  }
0x67: {  	_ =	shalt  }
0x68: {  	_ =	shalt  }
0x69: {  	_ =	shalt  }
0x6a: {  	_ =	shalt  }
0x6b: {  	_ =	shalt  }
0x6c: {  	_ =	shalt  }
0x6d: {  	_ =	shalt  }
0x6e: {  	_ =	shalt  }
0x6f: {  	_ =	shalt  }
0x70: {  	_ =	shalt  }
0x71: {  	_ =	shalt  }
0x72: {  	_ =	shalt  }
0x73: {  	_ =	shalt  }
0x74: {  	_ =	shalt  }
0x75: {  	_ =	shalt  }
0x76: {  	_ =	shalt  }
0x77: {  	_ =	shalt  }
0x78: {  	_ =	shalt  }
0x79: {  	_ =	shalt  }
0x7a: {  	_ =	shalt  }
0x7b: {  	_ =	shalt  }
0x7c: {  	_ =	shalt  }
0x7d: {  	_ =	shalt  }
0x7e: {  	_ =	shalt  }
0x7f: {  	_ =	shalt  }
0x80: {  	_ =	shalt  }
0x81: {  	_ =	shalt  }
0x82: {  	_ =	shalt  }
0x83: {  	_ =	shalt  }
0x84: {  	_ =	shalt  }
0x85: {  	_ =	shalt  }
0x86: {  	_ =	shalt  }
0x87: {  	_ =	shalt  }
.Lfunc_end0:
.L_simem_size_0:
called_computation_lowered:
.L_overlay_start_0:
0x88: {  	s2 =	sld [smem:$0x3FD9]  }
0x89: {  	s3 =	sld [smem:$0x3FFE];
	_ =	sdelay $0x1  }
0x8a: {  	s1 =	srdreg.scid  }
0x8b: {  	s0 =	sand.u32 $0x1, s1  }
0x8c: {  	s17 =	sshll.u32 s0, $0xA;
	s2 =	sadd.s32 s3, s2  }
0x8d: {  	s2 =	sadd.s32 s2, s17  }
0x8e: {  	[smem:$0x3FB9] =	sst s2  }
0x8f: {  	_ = 	snop  }
0x90: {  	s2 =	sld [smem:$0x3FD0];
	(tm) =	ssettm $0x1  }
0x91: {  	s18 =	sld [smem:$0x3FFB];
	_ =	sdelay $0x3  }
0x92: {  	_ =	strace s18  }
0x93: {  	s3 =	sld [smem:$0x3FFC];
	_ =	sdelay $0x3  }
0x94: {  	_ =	strace s3  }
0x95: {  	s3 =	sld [smem:$0x3FFD];
	_ =	sdelay $0x3  }
0x96: {  	_ =	strace s3  }
0x97: {  	_ =	strace $0x8FFFFFFF  }
0x98: {  	s19 =	sld [smem:$0x3FDB];
	_ =	sdelay $0x1  }
0x99: {  	s4 =	simm.s32 $_scs_section_size  }
0x9a: {  	s5 =	simm.s32 $_size__tile_overlayer_lowered;
	s6 =	simm.s32 $_tile_overlayer_lowered  }
0x9b: {  	s22 =	simm.s32 $0x1BFF;
	s21 =	sshll.u32 s6, $0x1;
	s3 =	sadd.s32 s4, s19  }
0x9c: {  	s7 =	simm.s32 $0x0;
	s20 =	sshll.u32 s5, $0x1;
	s5 =	sadd.s32 s21, s3  }
0x9d: {  	[timem:s7], [sflag:s22] =	dma.local [hbm:s5], s20  }
0x9e: {  	_ =	swait.ge [sflag:s22], s20  }
0x9f: {  	s4 =	ssub.s32 $0x0, s20;
	[sflag:s22] =	ssyncset.done $0x0  }
0xa0: {  	[sflag:s22] =	ssyncadd.s32 s4;
	_ =	sdelay $0x1  }
0xa1: {  	s23 =	simm.s32 $0x1B8B  }
0xa2: {  	_ =	swait.ge [sflag:s23], $0x1  }
0xa3: {  	[sflag:s23] =	ssyncset.done $0x0  }
0xa4: {  	s25 =	simm.s32 $0x1B8E;
	s24 =	sld [smem:$0x3FFE];
	[sflag:s23] =	ssyncadd.s32 $0xFFFFFFFF  }
0xa5: {  	s26 =	simm.s32 $execute0_lowered;
	[smem:$0x3FD2] =	sst s25  }
0xa6: {  	s5 =	sshll.u32 s26, $0x1;
	_ =	strace $0x80000046;
	[dreg:$0x1] =	wrdreg $0xFFFFFFFF  }
0xa7: {  	s28 =	simm.s32 $_size_execute0_lowered;
	s3 =	sadd.s32 s3, s5;
	[dreg:$0x0] =	wrdreg $0x0  }
0xa8: {  	s5 =	sshll.u32 s28, $0x1;
	[dreg:$0x2] =	wrdreg s3  }
0xa9: {  	[dreg:$0x3] =	wrdreg s5  }
0xaa: {  	[dreg:$0x4] =	wrdreg $0xC0  }
0xab: {  	_ =	task [dreg:s7], $0x5FFFF  }
0xac: {  	[dreg:$0x1] =	wrdreg $0xFFFFFFFF  }
0xad: {  	[dreg:$0x0] =	wrdreg $0x60  }
0xae: {  	[dreg:$0x2] =	wrdreg s24  }
0xaf: {  	[dreg:$0x3] =	wrdreg s2  }
0xb0: {  	[dreg:$0x4] =	wrdreg $0x80800  }
0xb1: {  	[dreg:$0x5] =	wrdreg $0x9  }
0xb2: {  	_ =	task.clear_ibuf [dreg:s7], $0x6FFFF;
	_ =	strace $0x90000046  }
0xb3: {  	s29 =	simm.s32 $0x9;
	_ =	strace $0x80000048  }
0xb4: {  	_ =	swait.ge [sflag:s29], $0x1  }
0xb5: {  	[sflag:s29] =	ssyncadd.s32 $0xFFFFFFFF  }
0xb6: {  	_ =	strace $0x90000048  }
0xb7: {  	_ =	sfence  }
0xb8: {  	s30 =	sld [smem:$0x0];
	_ =	sdelay $0x2  }
0xb9: {  	s31 =	sshll.u32 s1, $0xD;
	s1 =	sshrl.u32 s1, $0x2  }
0xba: {  	s3 =	sand.u32 $0x4000, s31;
	s1 =	sadd.s32 s1, s30  }
0xbb: {  	s0 =	sor.u32 s3, s0;
	s1 =	sshll.u32 s1, $0x11  }
0xbc: {  	s0 =	sor.u32 s1, s0  }
0xbd: {  	s0 =	sadd.s32 $0x8F2B, s0  }
0xbe: {  	[sflag:s0] =	ssyncadd.remote.s32 $0x1  }
0xbf: {  	_ =	sfence.sel $0xFFFF  }
0xc0: {  	[dreg:$0x0] =	wrdreg $0xFFFFFFFF;
	(pc) =	sbr.abs _section_cstart, $3  }
0xc1: {  	[dreg:$0x1] =	wrdreg $0xFFFFFFFF  }
0xc2: {  	_ =	task.clear_ibuf [dreg:s7], $0x2FFFF;
	_ =	strace $0x9FFFFFFF  }
0xc3: {  	(tm) =	ssettm $0x7FFFFFFF  }
tec
execute0_lowered:
.L_overlay_start_1:
0x0: {  	(tag) =	ssettag $0x1  }
0x1: {  	s6 =	rddreg [dreg:$0x0]  }
0x2: {  	s2 =	rddreg [dreg:$0x1]  }
0x3: {  	s3 =	rddreg [dreg:$0x2]  }
0x4: {  	s0 =	rddreg [dreg:$0x3];
	s1 =	stileid.u32  }
0x5: {  	s7 =	srdreg.scid;
	s4 =	simm.s32 $0x0;
	s5 =	smul.u32 $0x9E0, s1  }
0x6: {  	s19 =	simm.s32 $0x1;
	s20 =	simm.s32 $0x80;
	s29 =	smul.u32 $0x278, s1  }
0x7: {  	s11 =	sand.u32 $0x1, s7;
	[smem:$0x7FF] =	sst s4;
	s9 =	smul.u32 $0x4F000, s1  }
0x8: {  	s21 =	simm.s32 $0x0;
	s8 =	smul.u32 $0x2780, s11;
	_ =	strace $0x80000047  }
0x9: {  	s30 =	ssub.s32 $0x2, s11;
	s18 =	smul.u32 $0x4F0, s11;
	s16 =	sadd.s32 s5, s6  }
0xa: {  	s5 =	sadd.s32 $0xE400, s6;
	s9 =	sshrl.u32 s9, $0x2;
	s31 =	sshrl.u32 s30, $0x1  }
0xb: {  	s7 =	sadd.s32 s29, s8;
	s17 =	ssub.s32 s30, s31;
	s18 =	sadd.s32 s18, s16  }
0xc: {  	s7 =	sshll.u32 s7, $0x4;
	s16 =	smax.u32 s17, $0x1;
	s17 =	sadd.s32 $0x4600, s18  }
0xd: {  	s18 =	simm.s32 $0x4080;
	s15 =	sadd.s32 s7, s6;
	s6 =	sadd.s32 s9, s3  }
0xe: {  	s7 =	sadd.s32 $0x4000, s6;
	s8 =	sadd.s32 $0x8000, s6;
	s9 =	sadd.s32 $0xC000, s6  }
0xf: {  	s10 =	sadd.s32 $0x10000, s6;
	s11 =	sadd.s32 $0x35C00, s15;
	s12 =	sadd.s32 $0x36400, s15  }
0x10: {  	s13 =	sadd.s32 $0x36C00, s15;
	s14 =	sadd.s32 $0x37400, s15;
	s15 =	sadd.s32 $0x37C00, s15  }
.LBB2_1:
0x11: {  	[tilespmem:s18], [sflag:$0x1] =	stream.linear.gather [hbm4b:s2+s4], $0x4000, $0x38;
	[tilespmem:$0x1BC80] =	vst v63  }
0x12: {  	_ =	swait.ge [sflag:s19], $0x4000  }
0x13: {  	[sflag:s19] =	ssyncset.done $0x0  }
0x14: {  	[sflag:s19] =	ssyncadd.s32 $0xFFFFC000  }
0x15: {  	[tilespmem:s20], [sflag:$0x1] =	stream.linear.gather [hbm4b:s5+s4], $0x4000, $0x38;
	[tilespmem:$0x1BC80] =	vst v63  }
0x16: {  	_ =	swait.ge [sflag:s19], $0x4000  }
0x17: {  	[sflag:s19] =	ssyncset.done $0x0  }
0x18: {  	[sflag:s19] =	ssyncadd.s32 $0xFFFFC000  }
0x19: {  	[spmem:s6] =	stream.linear.scatter [tilespmem:s20], [sflag:$0x1], $0x4000, $0x38;
	[tilespmem:$0x1BC80] =	vst v63  }
0x1a: {  	_ =	swait.ge [sflag:s19], $0x4000  }
0x1b: {  	[sflag:s19] =	ssyncset.done $0x0  }
0x1c: {  	[sflag:s19] =	ssyncadd.s32 $0xFFFFC000  }
0x1d: {  	[spmem:s7] =	stream.linear.scatter [tilespmem:s20], [sflag:$0x1], $0x4000, $0x38;
	[tilespmem:$0x1BC80] =	vst v63  }
0x1e: {  	_ =	swait.ge [sflag:s19], $0x4000  }
0x1f: {  	[sflag:s19] =	ssyncset.done $0x0  }
0x20: {  	[sflag:s19] =	ssyncadd.s32 $0xFFFFC000  }
0x21: {  	[spmem:s8] =	stream.linear.scatter [tilespmem:s20], [sflag:$0x1], $0x4000, $0x38;
	[tilespmem:$0x1BC80] =	vst v63  }
0x22: {  	_ =	swait.ge [sflag:s19], $0x4000  }
0x23: {  	[sflag:s19] =	ssyncset.done $0x0  }
0x24: {  	[sflag:s19] =	ssyncadd.s32 $0xFFFFC000  }
0x25: {  	[spmem:s9] =	stream.linear.scatter [tilespmem:s20], [sflag:$0x1], $0x4000, $0x38;
	[tilespmem:$0x1BC80] =	vst v63  }
0x26: {  	_ =	swait.ge [sflag:s19], $0x4000  }
0x27: {  	[sflag:s19] =	ssyncset.done $0x0  }
0x28: {  	[sflag:s19] =	ssyncadd.s32 $0xFFFFC000  }
0x29: {  	[spmem:s10] =	stream.linear.scatter [tilespmem:s20], [sflag:$0x1], $0x3C00, $0x38;
	[tilespmem:$0x1BC80] =	vst v63  }
0x2a: {  	_ =	swait.ge [sflag:s19], $0x3C00  }
0x2b: {  	[sflag:s19] =	ssyncset.done $0x0  }
0x2c: {  	[sflag:s19] =	ssyncadd.s32 $0xFFFFC400  }
0x2d: {  	s22 =	sadd.s32 $0x0, s17;
	[bflag:$0x0] =	sbarrier.arrive $0xFFFF  }
0x2e: {  	[tilespmem:s4], [sflag:$0x1] =	stream.linear.gather [hbm4b:s22+s4], $0x80, $0x38;
	[tilespmem:$0x1BC80] =	vst v63  }
0x2f: {  	_ =	swait.ge [sflag:s19], $0x80  }
0x30: {  	[sflag:s19] =	ssyncset.done $0x0  }
0x31: {  	[sflag:s19] =	ssyncadd.s32 $0xFFFFFF80  }
0x32: {  	[spmem:s3] =	stream.indirect.scatter.add.f32 [tilespmem:s18], [sflag:$0x1], $0x80, s4, s20, $0xb8;
	[tilespmem:$0x1BC80] =	vst v63  }
0x33: {  	_ =	swait.ge [sflag:s19], $0x4000  }
0x34: {  	s23 =	simm.s32 $0x20;
	s22 =	simm.s32 $0x10;
	[sflag:s19] =	ssyncset.done $0x0  }
.LBB2_2:
0x35: {  	s24 =	sadd.s32 s22, s17  }
0x36: {  	[sflag:s19] =	ssyncadd.s32 $0xFFFFC000;
	s22 =	smov.u32 s23;
	s25 =	sadd.s32 $0x10, s23  }
0x37: {  	[tilespmem:s4], [sflag:$0x1] =	stream.linear.gather [hbm4b:s24+s4], $0x80, $0x38;
	[tilespmem:$0x1BC80] =	vst v63  }
0x38: {  	p0 =	sne.s32 s23, $0x4E0;
	_ =	swait.ge [sflag:s19], $0x80  }
.Ltmp0:
0x39: {  	[sflag:s19] =	ssyncset.done $0x0;
	(pc) =	sbr.rel @p0 .LBB2_2-.Ltmp0, $4  }
0x3a: {  	[sflag:s19] =	ssyncadd.s32 $0xFFFFFF80  }
0x3b: {  	[spmem:s3] =	stream.indirect.scatter.add.f32 [tilespmem:s18], [sflag:$0x1], $0x80, s4, s20, $0xb8;
	[tilespmem:$0x1BC80] =	vst v63  }
0x3c: {  	_ =	swait.ge [sflag:s19], $0x4000  }
0x3d: {  	s23 =	smov.u32 s25;
	[sflag:s19] =	ssyncset.done $0x0  }
0x3e: {  	s22 =	sadd.s32 s22, s17;
	[sflag:s19] =	ssyncadd.s32 $0xFFFFC000  }
0x3f: {  	[tilespmem:s4], [sflag:$0x1] =	stream.linear.gather [hbm4b:s22+s4], $0x80, $0x38;
	[tilespmem:$0x1BC80] =	vst v63  }
0x40: {  	_ =	swait.ge [sflag:s19], $0x80  }
0x41: {  	[sflag:s19] =	ssyncset.done $0x0  }
0x42: {  	[sflag:s19] =	ssyncadd.s32 $0xFFFFFF80  }
0x43: {  	[spmem:s3] =	stream.indirect.scatter.add.f32 [tilespmem:s18], [sflag:$0x1], $0x80, s4, s20, $0xb8;
	[tilespmem:$0x1BC80] =	vst v63  }
0x44: {  	_ =	swait.ge [sflag:s19], $0x4000  }
0x45: {  	[sflag:s19] =	ssyncset.done $0x0  }
0x46: {  	[sflag:s19] =	ssyncadd.s32 $0xFFFFC000  }
0x47: {  	[bflag:$0x0] =	sbarrier.arrive $0xFFFF  }
0x48: {  	[tilespmem:s20], [sflag:$0x1] =	stream.linear.gather [spmem:s6], $0x4000, $0x38;
	[tilespmem:$0x1BC80] =	vst v63  }
0x49: {  	_ =	swait.ge [sflag:s19], $0x4000  }
0x4a: {  	[sflag:s19] =	ssyncset.done $0x0  }
0x4b: {  	[sflag:s19] =	ssyncadd.s32 $0xFFFFC000  }
0x4c: {  	[hbm4b:s11+s4] =	stream.linear.scatter [tilespmem:s20], [sflag:$0x1], $0x4000, $0x38;
	[tilespmem:$0x1BC80] =	vst v63  }
0x4d: {  	_ =	swait.ge [sflag:s19], $0x4000  }
0x4e: {  	[sflag:s19] =	ssyncset.done $0x0  }
0x4f: {  	[sflag:s19] =	ssyncadd.s32 $0xFFFFC000  }
0x50: {  	[tilespmem:s20], [sflag:$0x1] =	stream.linear.gather [spmem:s7], $0x4000, $0x38;
	[tilespmem:$0x1BC80] =	vst v63  }
0x51: {  	_ =	swait.ge [sflag:s19], $0x4000  }
0x52: {  	[sflag:s19] =	ssyncset.done $0x0  }
0x53: {  	[sflag:s19] =	ssyncadd.s32 $0xFFFFC000  }
0x54: {  	[hbm4b:s12+s4] =	stream.linear.scatter [tilespmem:s20], [sflag:$0x1], $0x4000, $0x38;
	[tilespmem:$0x1BC80] =	vst v63  }
0x55: {  	_ =	swait.ge [sflag:s19], $0x4000  }
0x56: {  	[sflag:s19] =	ssyncset.done $0x0  }
0x57: {  	[sflag:s19] =	ssyncadd.s32 $0xFFFFC000  }
0x58: {  	[tilespmem:s20], [sflag:$0x1] =	stream.linear.gather [spmem:s8], $0x4000, $0x38;
	[tilespmem:$0x1BC80] =	vst v63  }
0x59: {  	_ =	swait.ge [sflag:s19], $0x4000  }
0x5a: {  	[sflag:s19] =	ssyncset.done $0x0  }
0x5b: {  	[sflag:s19] =	ssyncadd.s32 $0xFFFFC000  }
0x5c: {  	[hbm4b:s13+s4] =	stream.linear.scatter [tilespmem:s20], [sflag:$0x1], $0x4000, $0x38;
	[tilespmem:$0x1BC80] =	vst v63  }
0x5d: {  	_ =	swait.ge [sflag:s19], $0x4000  }
0x5e: {  	[sflag:s19] =	ssyncset.done $0x0  }
0x5f: {  	[sflag:s19] =	ssyncadd.s32 $0xFFFFC000  }
0x60: {  	[tilespmem:s20], [sflag:$0x1] =	stream.linear.gather [spmem:s9], $0x4000, $0x38;
	[tilespmem:$0x1BC80] =	vst v63  }
0x61: {  	_ =	swait.ge [sflag:s19], $0x4000  }
0x62: {  	[sflag:s19] =	ssyncset.done $0x0  }
0x63: {  	[sflag:s19] =	ssyncadd.s32 $0xFFFFC000  }
0x64: {  	[hbm4b:s14+s4] =	stream.linear.scatter [tilespmem:s20], [sflag:$0x1], $0x4000, $0x38;
	[tilespmem:$0x1BC80] =	vst v63  }
0x65: {  	_ =	swait.ge [sflag:s19], $0x4000  }
0x66: {  	[sflag:s19] =	ssyncset.done $0x0  }
0x67: {  	[sflag:s19] =	ssyncadd.s32 $0xFFFFC000  }
0x68: {  	[tilespmem:s20], [sflag:$0x1] =	stream.linear.gather [spmem:s10], $0x3C00, $0x38;
	[tilespmem:$0x1BC80] =	vst v63  }
0x69: {  	s21 =	sadd.s32 $0x1, s21;
	_ =	swait.ge [sflag:s19], $0x3C00  }
0x6a: {  	p0 =	sne.s32 s21, s16;
	[sflag:s19] =	ssyncset.done $0x0  }
.Ltmp1:
0x6b: {  	[sflag:s19] =	ssyncadd.s32 $0xFFFFC400;
	(pc) =	sbr.rel @p0 .LBB2_1-.Ltmp1, $4  }
0x6c: {  	[hbm4b:s15+s4] =	stream.linear.scatter [tilespmem:s20], [sflag:$0x1], $0x3C00, $0x38;
	[tilespmem:$0x1BC80] =	vst v63  }
0x6d: {  	_ =	swait.ge [sflag:s19], $0x3C00  }
0x6e: {  	[sflag:s19] =	ssyncset.done $0x0  }
0x6f: {  	[sflag:s19] =	ssyncadd.s32 $0xFFFFC400  }
0x70: {  	_ =	sfence.sel $0x180000  }
0x71: {  	[bflag:$0x0] =	sbarrier.arrive $0xFFFF  }
0x72: {  	p0 =	sne.s32 s1, $0x0;
	_ =	strace $0x90000047  }
0x73: {  	s0 =	sadd.s32 @!p0 $0x100000, s0;
	[bflag:$0x2] =	sbarrier.arrive $0xFFFF  }
0x74: {  	[sflag:s0] =	ssyncadd.tile.s32 @!p0 $0x1;
	_ =	shalt  }
.Lfunc_end2:
_tile_overlayer_lowered:
.L_overlay_start_2:
0x75: {  	(tag) =	ssettag $0x2  }
0x76: {  	s0 =	rddreg [dreg:$0x0];
	s2 =	stileid.u32  }
0x77: {  	s1 =	rddreg [dreg:$0x1];
	p0 =	sne.s32 s2, $0x0  }
0x78: {  	s3 =	rddreg [dreg:$0x2];
	[bflag:$0x3] =	sbarrier.arrive $0xFFFF;
	s2 =	simm.s32 @!p0 $0x1C01  }
0x79: {  	[timem:s3], [sflag:s2] =	dma.local @!p0 [hbm:s0], s1  }
0x7a: {  	s0 =	simm.s32 @!p0 $0x1  }
0x7b: {  	_ =	swait.ge @!p0 [sflag:s0], s1  }
0x7c: {  	s1 =	ssub.s32 @!p0 $0x0, s1;
	[sflag:s0] =	ssyncset.done @!p0 $0x0  }
0x7d: {  	[sflag:s0] =	ssyncadd.s32 @!p0 s1  }
0x7e: {  	[bflag:$0x3] =	sbarrier.arrive $0xFFFF  }
0x7f: {  	_ =	shalt  }

</sc_bundles>
